<compile_context>
chip_gen: v7x
topology: tpu7x:2x2x1
jax: 0.10.2.dev20260603
libtpu: 0.0.44.dev20260713+nightly
codegen_flags: <defaults>
</compile_context>

<pallas_src>
import functools

import jax
import jax.numpy as jnp
from jax import lax
from jax.experimental import pallas as pl
from jax.experimental.pallas import tpu as pltpu
from jax.experimental.pallas import tpu_sc as plsc

_N = 10000
_D = 128
_NW = 32
_EPW = 10752
_EPAD = _EPW * _NW
_ROWS = 10240
_RPT = _ROWS // 16


def _sc_segsum(with_counts, ch, gc):
    nchunk = _EPW // ch
    mesh = plsc.VectorSubcoreMesh(core_axis_name="c", subcore_axis_name="s")
    out_type = [jax.ShapeDtypeStruct((2 * _ROWS, _D), jnp.float32)]
    nbuf = 4 if with_counts else 6
    scratch = [
        pltpu.VMEM((gc, ch), jnp.int32),
        pltpu.VMEM((gc, ch), jnp.int32),
        pltpu.VMEM((nbuf, ch, _D), jnp.float32),
        pltpu.VMEM_SHARED((_ROWS, _D), jnp.float32),
    ] + [pltpu.SemaphoreType.DMA] * (2 * nbuf)
    if with_counts:
        out_type.append(jax.ShapeDtypeStruct((_NW * _ROWS,), jnp.float32))
        scratch.append(pltpu.VMEM((_ROWS,), jnp.float32))

    cparams = pltpu.CompilerParams(needs_layout_passes=not with_counts)

    @functools.partial(pl.kernel, mesh=mesh, out_type=out_type,
                       scratch_types=scratch, compiler_params=cparams)
    def body(table_hbm, src_hbm, dst_hbm, zrows_hbm, *rest):
        if with_counts:
            (zcnt_hbm, sums_out, cnts_out, src_v, dst_v, rows_v, acc_sh,
             *sems, hist_v) = rest
        else:
            (sums_out, src_v, dst_v, rows_v, acc_sh, *sems) = rest
        gs = sems[:nbuf]
        ss = sems[nbuf:]
        c = lax.axis_index("c")
        s = lax.axis_index("s")
        wid = c * 16 + s
        base = s * _RPT

        pltpu.sync_copy(zrows_hbm, acc_sh.at[pl.ds(base, _RPT)])
        if with_counts:
            pltpu.sync_copy(zcnt_hbm, hist_v)
        plsc.subcore_barrier()

        def gath(j, b):
            return pltpu.async_copy(table_hbm.at[src_v.at[j]], rows_v.at[b],
                                    gs[b])

        def scat(j, b):
            return pltpu.async_copy(rows_v.at[b], acc_sh.at[dst_v.at[j]],
                                    ss[b], add=True)

        if with_counts:
            ones16 = jnp.full((16,), 1.0, jnp.float32)

            def hist(j):
                for q in range(ch // 16):
                    idxv = dst_v[j, pl.ds(q * 16, 16)]
                    plsc.addupdate_scatter(hist_v, [idxv], ones16)

        @pl.loop(0, nchunk // gc)
        def group(g):
            row0 = wid * nchunk + g * gc
            pltpu.sync_copy(src_hbm.at[pl.ds(row0, gc)], src_v)
            pltpu.sync_copy(dst_hbm.at[pl.ds(row0, gc)], dst_v)

            @pl.loop(0, gc // (2 * nbuf))
            def step(j):
                j0 = j * 2 * nbuf
                g = [gath(j0 + k, k) for k in range(nbuf)]
                if with_counts:
                    for k in range(2 * nbuf):
                        hist(j0 + k)
                sc = [None] * nbuf
                for k in range(nbuf):
                    g[k].wait()
                    sc[k] = scat(j0 + k, k)
                for k in range(nbuf):
                    sc[k].wait()
                    g[k] = gath(j0 + nbuf + k, k)
                for k in range(nbuf):
                    g[k].wait()
                    sc[k] = scat(j0 + nbuf + k, k)
                for k in range(nbuf):
                    sc[k].wait()

        plsc.subcore_barrier()

        orow = c * _ROWS + base
        pltpu.sync_copy(acc_sh.at[pl.ds(base, _RPT)],
                        sums_out.at[pl.ds(orow, _RPT)])
        if with_counts:
            pltpu.sync_copy(hist_v, cnts_out.at[pl.ds(wid * _ROWS, _ROWS)])

    return body


_CH = 32
_GC = 48
_sc_segsum_counts = _sc_segsum(True, _CH, _GC)
_sc_segsum_plain = _sc_segsum(False, _CH, _GC)


def _tc_layer(relu):
    R = 2048
    G = (_N + R - 1) // R

    def body(s_ref, c_ref, h_ref, wl_ref, wr_ref, b_ref, o_ref):
        ssum = s_ref[0] + s_ref[1]
        ones_nw = jnp.ones((_NW, 1), jnp.float32)
        deg = lax.dot_general(c_ref[...], ones_nw, (((0,), (0,)), ((), ())),
                              preferred_element_type=jnp.float32)
        agg = ssum * (1.0 / jnp.maximum(deg, 1.0))
        dn = (((1,), (1,)), ((), ()))
        acc = lax.dot_general(agg, wl_ref[...], dn,
                              preferred_element_type=jnp.float32)
        acc = acc + lax.dot_general(h_ref[...], wr_ref[...], dn,
                                    preferred_element_type=jnp.float32)
        acc = acc + b_ref[...]
        if relu:
            acc = jnp.maximum(acc, 0.0)
        o_ref[...] = acc

    return pl.pallas_call(
        body,
        grid=(G,),
        in_specs=[
            pl.BlockSpec((2, R, _D), lambda i: (0, i, 0)),
            pl.BlockSpec((_NW, R), lambda i: (0, i)),
            pl.BlockSpec((R, _D), lambda i: (i, 0)),
            pl.BlockSpec((_D, _D), lambda i: (0, 0)),
            pl.BlockSpec((_D, _D), lambda i: (0, 0)),
            pl.BlockSpec((1, _D), lambda i: (0, 0)),
        ],
        out_specs=pl.BlockSpec((R, _D), lambda i: (i, 0)),
        out_shape=jax.ShapeDtypeStruct((_N, _D), jnp.float32),
    )


_tc_layer_relu = _tc_layer(True)
_tc_layer_plain = _tc_layer(False)


def kernel(x, edge_index, W1_l, W1_r, b1, W2_l, W2_r, b2):
    src = edge_index[0].astype(jnp.int32)
    dst = edge_index[1].astype(jnp.int32)
    npad = _EPAD - src.shape[0]
    fill = jnp.arange(npad, dtype=jnp.int32)
    src_p = jnp.concatenate([src, fill % jnp.int32(_N)])
    dst_p = jnp.concatenate([dst, jnp.int32(_N) + fill % jnp.int32(_ROWS - _N)])
    nchunk = _EPW // _CH
    src2 = src_p.reshape(_NW * nchunk, _CH)
    dst2 = dst_p.reshape(_NW * nchunk, _CH)
    zrows = jnp.zeros((_RPT, _D), jnp.float32)
    zcnt = jnp.zeros((_ROWS,), jnp.float32)

    sums1, cnts = _sc_segsum_counts(x, src2, dst2, zrows, zcnt)
    s1 = sums1.reshape(2, _ROWS, _D)
    c1 = cnts.reshape(_NW, _ROWS)
    h1 = _tc_layer_relu(s1, c1, x, W1_l, W1_r, b1.reshape(1, _D))

    sums2 = _sc_segsum_plain(h1, src2, dst2, zrows)
    if isinstance(sums2, (list, tuple)):
        sums2 = sums2[0]
    s2 = sums2.reshape(2, _ROWS, _D)
    h2 = _tc_layer_plain(s2, c1, h1, W2_l, W2_r, b2.reshape(1, _D))
    return h2

# --- scband reference (transcript-rebuilt; emitter-appended) ---
"""Pipeline reference for scband-link-predictor-61753039782495 (READ-ONLY COPY).

The authoritative reference and input builder live on the scoring server;
editing this copy changes nothing except your own understanding.
"""

import jax, jax.numpy as jnp
import numpy as np

N_NODES = 10000
N_EDGES = 320000
D_IN = 128
D_HID = 128


def _sage_conv(x, src, dst, W_l, W_r, b, num_nodes):
    # PyG SAGEConv with mean aggregation:
    # out = lin_l(mean_{j in N(i)} x_j) + lin_r(x_i)
    msgs = x[src]  # gather source-node features per edge
    summed = jax.ops.segment_sum(msgs, dst, num_segments=num_nodes)
    ones = jnp.ones((src.shape[0], 1), dtype=x.dtype)
    counts = jax.ops.segment_sum(ones, dst, num_segments=num_nodes)
    agg = summed / jnp.maximum(counts, 1.0)
    return agg @ W_l.T + x @ W_r.T + b


def setup_inputs(seed: int = 0) -> dict:
    key = jax.random.key(seed)
    k_x, k_e, k1, k2, k3, k4 = jax.random.split(key, 6)
    x = jax.random.normal(k_x, (N_NODES, D_IN), dtype=jnp.float32)
    edge_index = jax.random.randint(k_e, (2, N_EDGES), 0, N_NODES, dtype=jnp.int64)
    s1 = 1.0 / np.sqrt(D_IN)
    s2 = 1.0 / np.sqrt(D_HID)
    W1_l = jax.random.normal(k1, (D_HID, D_IN), dtype=jnp.float32) * s1
    W1_r = jax.random.normal(k2, (D_HID, D_IN), dtype=jnp.float32) * s1
    b1 = jnp.zeros((D_HID,), dtype=jnp.float32)
    W2_l = jax.random.normal(k3, (D_HID, D_HID), dtype=jnp.float32) * s2
    W2_r = jax.random.normal(k4, (D_HID, D_HID), dtype=jnp.float32) * s2
    b2 = jnp.zeros((D_HID,), dtype=jnp.float32)
    return {"x": x, "edge_index": edge_index,
            "W1_l": W1_l, "W1_r": W1_r, "b1": b1,
            "W2_l": W2_l, "W2_r": W2_r, "b2": b2}


def reference(x, edge_index, W1_l, W1_r, b1, W2_l, W2_r, b2):
    # LinkPredictor.forward(x, edge_index) -> GraphSAGE node embeddings.
    # GraphSAGE with num_layers=2: SAGEConv -> ReLU -> (dropout=identity, eval) -> SAGEConv
    num_nodes = x.shape[0]
    src = edge_index[0]
    dst = edge_index[1]
    h = _sage_conv(x, src, dst, W1_l, W1_r, b1, num_nodes)
    h = jax.nn.relu(h)
    h = _sage_conv(h, src, dst, W2_l, W2_r, b2, num_nodes)
    return h

if __name__ == "__main__":
    import jax
    _d = setup_inputs()
    print(jax.jit(kernel)(*tuple(_d.values())))

</pallas_src>

<mosaic_0001>
#map = affine_map<(d0, d1) -> (0, 0)>
#map1 = affine_map<(d0, d1) -> (0)>
module attributes {stable_mosaic.version = 14 : i64} {
  func.func @body(%arg0: i32, %arg1: i32, %arg2: memref<10000x128xf32, #tpu.memory_space<hbm>>, %arg3: memref<10752x32xi32, #tpu.memory_space<hbm>>, %arg4: memref<10752x32xi32, #tpu.memory_space<hbm>>, %arg5: memref<640x128xf32, #tpu.memory_space<hbm>>, %arg6: memref<10240xf32, #tpu.memory_space<hbm>>, %arg7: memref<20480x128xf32, #tpu.memory_space<hbm>>, %arg8: memref<327680xf32, #tpu.memory_space<hbm>>, %arg9: memref<48x32xi32, #tpu.memory_space<vmem>>, %arg10: memref<48x32xi32, #tpu.memory_space<vmem>>, %arg11: memref<4x32x128xf32, #tpu.memory_space<vmem>>, %arg12: memref<10240x128xf32, #tpu.memory_space<vmem_shared>>, %arg13: memref<!tpu.dma_semaphore, #tpu.memory_space<semaphore_mem>>, %arg14: memref<!tpu.dma_semaphore, #tpu.memory_space<semaphore_mem>>, %arg15: memref<!tpu.dma_semaphore, #tpu.memory_space<semaphore_mem>>, %arg16: memref<!tpu.dma_semaphore, #tpu.memory_space<semaphore_mem>>, %arg17: memref<!tpu.dma_semaphore, #tpu.memory_space<semaphore_mem>>, %arg18: memref<!tpu.dma_semaphore, #tpu.memory_space<semaphore_mem>>, %arg19: memref<!tpu.dma_semaphore, #tpu.memory_space<semaphore_mem>>, %arg20: memref<!tpu.dma_semaphore, #tpu.memory_space<semaphore_mem>>, %arg21: memref<10240xf32, #tpu.memory_space<vmem>>) attributes {dimension_semantics = [#tpu.dimension_semantics<core_parallel>, #tpu.dimension_semantics<subcore_parallel>], iteration_bounds = array<i64: 2, 16>, scalar_prefetch = 0 : i64, scratch_operands = 13 : i64, tpu.core_type = #tpu.core_type<sc_vector_subcore>, window_params = [{transform_indices = #map}, {transform_indices = #map}, {transform_indices = #map}, {transform_indices = #map}, {transform_indices = #map1}, {transform_indices = #map}, {transform_indices = #map1}]} {
    %mul3A = arith.constant 16 : i32
    %mul3A_0 = arith.muli %arg0, %mul3A : i32
    %add3A = arith.addi %mul3A_0, %arg1 : i32
    %mul3A_1 = arith.constant 640 : i32
    %mul3A_2 = arith.muli %arg1, %mul3A_1 : i32
    "tpu.region"() ({
      %run_scoped3A = tpu.sem_alloc : memref<!tpu.dma_semaphore, #tpu.memory_space<semaphore_mem>>
      %dma_start3A = arith.constant 0 : i32
      %dma_start3A_14 = tpu.memref_slice %arg12[%mul3A_2, %dma_start3A] : memref<10240x128xf32, #tpu.memory_space<vmem_shared>> -> memref<640x128xf32, #tpu.memory_space<vmem_shared>>
      tpu.enqueue_dma source(%arg5 : memref<640x128xf32, #tpu.memory_space<hbm>>) target(%dma_start3A_14 : memref<640x128xf32, #tpu.memory_space<vmem_shared>>) target_semaphore(%run_scoped3A : memref<!tpu.dma_semaphore, #tpu.memory_space<semaphore_mem>>)
      %dma_wait3A = arith.constant 0 : i32
      %dma_wait3A_15 = tpu.memref_slice %arg12[%mul3A_2, %dma_wait3A] : memref<10240x128xf32, #tpu.memory_space<vmem_shared>> -> memref<640x128xf32, #tpu.memory_space<vmem_shared>>
      tpu.wait_dma2 semaphore(%run_scoped3A : memref<!tpu.dma_semaphore, #tpu.memory_space<semaphore_mem>>) src(%arg5 : memref<640x128xf32, #tpu.memory_space<hbm>>) dst(%dma_wait3A_15 : memref<640x128xf32, #tpu.memory_space<vmem_shared>>)
      tpu.yield
    }) : () -> ()
    "tpu.region"() ({
      %run_scoped3A = tpu.sem_alloc : memref<!tpu.dma_semaphore, #tpu.memory_space<semaphore_mem>>
      tpu.enqueue_dma source(%arg6 : memref<10240xf32, #tpu.memory_space<hbm>>) target(%arg21 : memref<10240xf32, #tpu.memory_space<vmem>>) target_semaphore(%run_scoped3A : memref<!tpu.dma_semaphore, #tpu.memory_space<semaphore_mem>>)
      tpu.wait_dma2 semaphore(%run_scoped3A : memref<!tpu.dma_semaphore, #tpu.memory_space<semaphore_mem>>) src(%arg6 : memref<10240xf32, #tpu.memory_space<hbm>>) dst(%arg21 : memref<10240xf32, #tpu.memory_space<vmem>>)
      tpu.yield
    }) : () -> ()
    %barrier3A = arith.constant 0 : index
    tpu.barrier barrier_id(%barrier3A)
    %broadcast_in_dim3A = arith.constant 1.000000e+00 : f32
    %broadcast_in_dim3A_3 = vector.broadcast %broadcast_in_dim3A : f32 to vector<16xf32>
    %scan3A = arith.constant 0 : i32
    %scan3A_4 = arith.constant 7 : i32
    %scan3A_5 = arith.addi %scan3A, %scan3A_4 : i32
    %scan3A_6 = arith.constant 1 : i32
    scf.for %scan3A_14 = %scan3A to %scan3A_5 step %scan3A_6  : i32 {
      %mul3A_15 = arith.constant 1 : i32
      %mul3A_16 = arith.muli %scan3A_14, %mul3A_15 : i32
      %add3A_17 = arith.constant 0 : i32
      %add3A_18 = arith.addi %add3A_17, %mul3A_16 : i32
      %mul3A_19 = arith.constant 336 : i32
      %mul3A_20 = arith.muli %add3A, %mul3A_19 : i32
      %mul3A_21 = arith.constant 48 : i32
      %mul3A_22 = arith.muli %add3A_18, %mul3A_21 : i32
      %add3A_23 = arith.addi %mul3A_20, %mul3A_22 : i32
      "tpu.region"() ({
        %run_scoped3A = tpu.sem_alloc : memref<!tpu.dma_semaphore, #tpu.memory_space<semaphore_mem>>
        %dma_start3A = arith.constant 0 : i32
        %dma_start3A_29 = tpu.memref_slice %arg3[%add3A_23, %dma_start3A] : memref<10752x32xi32, #tpu.memory_space<hbm>> -> memref<48x32xi32, #tpu.memory_space<hbm>>
        %dma_start3A_30 = arith.constant 0 : i32
        %dma_start3A_31 = tpu.memref_slice %arg3[%add3A_23, %dma_start3A_30] : memref<10752x32xi32, #tpu.memory_space<hbm>> -> memref<48x32xi32, #tpu.memory_space<hbm>>
        tpu.enqueue_dma source(%dma_start3A_31 : memref<48x32xi32, #tpu.memory_space<hbm>>) target(%arg9 : memref<48x32xi32, #tpu.memory_space<vmem>>) target_semaphore(%run_scoped3A : memref<!tpu.dma_semaphore, #tpu.memory_space<semaphore_mem>>)
        %dma_wait3A = arith.constant 0 : i32
        %dma_wait3A_32 = tpu.memref_slice %arg3[%add3A_23, %dma_wait3A] : memref<10752x32xi32, #tpu.memory_space<hbm>> -> memref<48x32xi32, #tpu.memory_space<hbm>>
        %dma_wait3A_33 = arith.constant 0 : i32
        %dma_wait3A_34 = tpu.memref_slice %arg3[%add3A_23, %dma_wait3A_33] : memref<10752x32xi32, #tpu.memory_space<hbm>> -> memref<48x32xi32, #tpu.memory_space<hbm>>
        tpu.wait_dma2 semaphore(%run_scoped3A : memref<!tpu.dma_semaphore, #tpu.memory_space<semaphore_mem>>) src(%dma_wait3A_34 : memref<48x32xi32, #tpu.memory_space<hbm>>) dst(%arg9 : memref<48x32xi32, #tpu.memory_space<vmem>>)
        tpu.yield
      }) : () -> ()
      "tpu.region"() ({
        %run_scoped3A = tpu.sem_alloc : memref<!tpu.dma_semaphore, #tpu.memory_space<semaphore_mem>>
        %dma_start3A = arith.constant 0 : i32
        %dma_start3A_29 = tpu.memref_slice %arg4[%add3A_23, %dma_start3A] : memref<10752x32xi32, #tpu.memory_space<hbm>> -> memref<48x32xi32, #tpu.memory_space<hbm>>
        %dma_start3A_30 = arith.constant 0 : i32
        %dma_start3A_31 = tpu.memref_slice %arg4[%add3A_23, %dma_start3A_30] : memref<10752x32xi32, #tpu.memory_space<hbm>> -> memref<48x32xi32, #tpu.memory_space<hbm>>
        tpu.enqueue_dma source(%dma_start3A_31 : memref<48x32xi32, #tpu.memory_space<hbm>>) target(%arg10 : memref<48x32xi32, #tpu.memory_space<vmem>>) target_semaphore(%run_scoped3A : memref<!tpu.dma_semaphore, #tpu.memory_space<semaphore_mem>>)
        %dma_wait3A = arith.constant 0 : i32
        %dma_wait3A_32 = tpu.memref_slice %arg4[%add3A_23, %dma_wait3A] : memref<10752x32xi32, #tpu.memory_space<hbm>> -> memref<48x32xi32, #tpu.memory_space<hbm>>
        %dma_wait3A_33 = arith.constant 0 : i32
        %dma_wait3A_34 = tpu.memref_slice %arg4[%add3A_23, %dma_wait3A_33] : memref<10752x32xi32, #tpu.memory_space<hbm>> -> memref<48x32xi32, #tpu.memory_space<hbm>>
        tpu.wait_dma2 semaphore(%run_scoped3A : memref<!tpu.dma_semaphore, #tpu.memory_space<semaphore_mem>>) src(%dma_wait3A_34 : memref<48x32xi32, #tpu.memory_space<hbm>>) dst(%arg10 : memref<48x32xi32, #tpu.memory_space<vmem>>)
        tpu.yield
      }) : () -> ()
      %scan3A_24 = arith.constant 0 : i32
      %scan3A_25 = arith.constant 6 : i32
      %scan3A_26 = arith.addi %scan3A_24, %scan3A_25 : i32
      %scan3A_27 = arith.constant 1 : i32
      scf.for %scan3A_29 = %scan3A_24 to %scan3A_26 step %scan3A_27  : i32 {
        %mul3A_30 = arith.constant 1 : i32
        %mul3A_31 = arith.muli %scan3A_29, %mul3A_30 : i32
        %add3A_32 = arith.constant 0 : i32
        %add3A_33 = arith.addi %add3A_32, %mul3A_31 : i32
        %mul3A_34 = arith.constant 2 : i32
        %mul3A_35 = arith.muli %add3A_33, %mul3A_34 : i32
        %mul3A_36 = arith.constant 4 : i32
        %mul3A_37 = arith.muli %mul3A_35, %mul3A_36 : i32
        %add3A_38 = arith.constant 0 : i32
        %add3A_39 = arith.addi %mul3A_37, %add3A_38 : i32
        %dma_start3A = arith.constant 0 : i32
        %dma_start3A_40 = arith.constant 0 : i32
        %dma_start3A_41 = arith.constant 0 : i32
        %dma_start3A_42 = tpu.memref_slice %arg11[%dma_start3A, %dma_start3A_40, %dma_start3A_41] : memref<4x32x128xf32, #tpu.memory_space<vmem>> -> memref<1x32x128xf32, #tpu.memory_space<vmem>>
        %dma_start3A_43 = tpu.memref_squeeze %dma_start3A_42 : memref<1x32x128xf32, #tpu.memory_space<vmem>> -> memref<32x128xf32, #tpu.memory_space<vmem>>
        %dma_start3A_44 = arith.constant 0 : i32
        %dma_start3A_45 = tpu.memref_slice %arg9[%add3A_39, %dma_start3A_44] : memref<48x32xi32, #tpu.memory_space<vmem>> -> memref<1x32xi32, #tpu.memory_space<vmem>>
        %dma_start3A_46 = tpu.memref_squeeze %dma_start3A_45 : memref<1x32xi32, #tpu.memory_space<vmem>> -> memref<32xi32, #tpu.memory_space<vmem>>
        %dma_start3A_47 = arith.constant 0 : i32
        %dma_start3A_48 = arith.constant 0 : i32
        %dma_start3A_49 = tpu.memref_slice %arg2[%dma_start3A_47, %dma_start3A_48] : memref<10000x128xf32, #tpu.memory_space<hbm>> -> memref<10000x128xf32, #tpu.memory_space<hbm>>
        tpu.enqueue_indirect_dma source(%dma_start3A_49 : memref<10000x128xf32, #tpu.memory_space<hbm>>) target(%dma_start3A_43 : memref<32x128xf32, #tpu.memory_space<vmem>>) offsets(%dma_start3A_46 : memref<32xi32, #tpu.memory_space<vmem>>) semaphore(%arg13 : memref<!tpu.dma_semaphore, #tpu.memory_space<semaphore_mem>>)
        %add3A_50 = arith.constant 1 : i32
        %add3A_51 = arith.addi %mul3A_37, %add3A_50 : i32
        %dma_start3A_52 = arith.constant 1 : i32
        %dma_start3A_53 = arith.constant 0 : i32
        %dma_start3A_54 = arith.constant 0 : i32
        %dma_start3A_55 = tpu.memref_slice %arg11[%dma_start3A_52, %dma_start3A_53, %dma_start3A_54] : memref<4x32x128xf32, #tpu.memory_space<vmem>> -> memref<1x32x128xf32, #tpu.memory_space<vmem>>
        %dma_start3A_56 = tpu.memref_squeeze %dma_start3A_55 : memref<1x32x128xf32, #tpu.memory_space<vmem>> -> memref<32x128xf32, #tpu.memory_space<vmem>>
        %dma_start3A_57 = arith.constant 0 : i32
        %dma_start3A_58 = tpu.memref_slice %arg9[%add3A_51, %dma_start3A_57] : memref<48x32xi32, #tpu.memory_space<vmem>> -> memref<1x32xi32, #tpu.memory_space<vmem>>
        %dma_start3A_59 = tpu.memref_squeeze %dma_start3A_58 : memref<1x32xi32, #tpu.memory_space<vmem>> -> memref<32xi32, #tpu.memory_space<vmem>>
        %dma_start3A_60 = arith.constant 0 : i32
        %dma_start3A_61 = arith.constant 0 : i32
        %dma_start3A_62 = tpu.memref_slice %arg2[%dma_start3A_60, %dma_start3A_61] : memref<10000x128xf32, #tpu.memory_space<hbm>> -> memref<10000x128xf32, #tpu.memory_space<hbm>>
        tpu.enqueue_indirect_dma source(%dma_start3A_62 : memref<10000x128xf32, #tpu.memory_space<hbm>>) target(%dma_start3A_56 : memref<32x128xf32, #tpu.memory_space<vmem>>) offsets(%dma_start3A_59 : memref<32xi32, #tpu.memory_space<vmem>>) semaphore(%arg14 : memref<!tpu.dma_semaphore, #tpu.memory_space<semaphore_mem>>)
        %add3A_63 = arith.constant 2 : i32
        %add3A_64 = arith.addi %mul3A_37, %add3A_63 : i32
        %dma_start3A_65 = arith.constant 2 : i32
        %dma_start3A_66 = arith.constant 0 : i32
        %dma_start3A_67 = arith.constant 0 : i32
        %dma_start3A_68 = tpu.memref_slice %arg11[%dma_start3A_65, %dma_start3A_66, %dma_start3A_67] : memref<4x32x128xf32, #tpu.memory_space<vmem>> -> memref<1x32x128xf32, #tpu.memory_space<vmem>>
        %dma_start3A_69 = tpu.memref_squeeze %dma_start3A_68 : memref<1x32x128xf32, #tpu.memory_space<vmem>> -> memref<32x128xf32, #tpu.memory_space<vmem>>
        %dma_start3A_70 = arith.constant 0 : i32
        %dma_start3A_71 = tpu.memref_slice %arg9[%add3A_64, %dma_start3A_70] : memref<48x32xi32, #tpu.memory_space<vmem>> -> memref<1x32xi32, #tpu.memory_space<vmem>>
        %dma_start3A_72 = tpu.memref_squeeze %dma_start3A_71 : memref<1x32xi32, #tpu.memory_space<vmem>> -> memref<32xi32, #tpu.memory_space<vmem>>
        %dma_start3A_73 = arith.constant 0 : i32
        %dma_start3A_74 = arith.constant 0 : i32
        %dma_start3A_75 = tpu.memref_slice %arg2[%dma_start3A_73, %dma_start3A_74] : memref<10000x128xf32, #tpu.memory_space<hbm>> -> memref<10000x128xf32, #tpu.memory_space<hbm>>
        tpu.enqueue_indirect_dma source(%dma_start3A_75 : memref<10000x128xf32, #tpu.memory_space<hbm>>) target(%dma_start3A_69 : memref<32x128xf32, #tpu.memory_space<vmem>>) offsets(%dma_start3A_72 : memref<32xi32, #tpu.memory_space<vmem>>) semaphore(%arg15 : memref<!tpu.dma_semaphore, #tpu.memory_space<semaphore_mem>>)
        %add3A_76 = arith.constant 3 : i32
        %add3A_77 = arith.addi %mul3A_37, %add3A_76 : i32
        %dma_start3A_78 = arith.constant 3 : i32
        %dma_start3A_79 = arith.constant 0 : i32
        %dma_start3A_80 = arith.constant 0 : i32
        %dma_start3A_81 = tpu.memref_slice %arg11[%dma_start3A_78, %dma_start3A_79, %dma_start3A_80] : memref<4x32x128xf32, #tpu.memory_space<vmem>> -> memref<1x32x128xf32, #tpu.memory_space<vmem>>
        %dma_start3A_82 = tpu.memref_squeeze %dma_start3A_81 : memref<1x32x128xf32, #tpu.memory_space<vmem>> -> memref<32x128xf32, #tpu.memory_space<vmem>>
        %dma_start3A_83 = arith.constant 0 : i32
        %dma_start3A_84 = tpu.memref_slice %arg9[%add3A_77, %dma_start3A_83] : memref<48x32xi32, #tpu.memory_space<vmem>> -> memref<1x32xi32, #tpu.memory_space<vmem>>
        %dma_start3A_85 = tpu.memref_squeeze %dma_start3A_84 : memref<1x32xi32, #tpu.memory_space<vmem>> -> memref<32xi32, #tpu.memory_space<vmem>>
        %dma_start3A_86 = arith.constant 0 : i32
        %dma_start3A_87 = arith.constant 0 : i32
        %dma_start3A_88 = tpu.memref_slice %arg2[%dma_start3A_86, %dma_start3A_87] : memref<10000x128xf32, #tpu.memory_space<hbm>> -> memref<10000x128xf32, #tpu.memory_space<hbm>>
        tpu.enqueue_indirect_dma source(%dma_start3A_88 : memref<10000x128xf32, #tpu.memory_space<hbm>>) target(%dma_start3A_82 : memref<32x128xf32, #tpu.memory_space<vmem>>) offsets(%dma_start3A_85 : memref<32xi32, #tpu.memory_space<vmem>>) semaphore(%arg16 : memref<!tpu.dma_semaphore, #tpu.memory_space<semaphore_mem>>)
        %add3A_89 = arith.constant 0 : i32
        %add3A_90 = arith.addi %mul3A_37, %add3A_89 : i32
        %get3A = arith.index_cast %add3A_90 : i32 to index
        %get3A_91 = arith.constant 0 : index
        %get3A_92 = tpu.vector_load %arg10[%get3A, %get3A_91] {strides = array<i32>} : memref<48x32xi32, #tpu.memory_space<vmem>>, vector<16xi32>,
        tpu.vector_store_idx %arg21[%get3A_92], %broadcast_in_dim3A_3 {add = true} : memref<10240xf32, #tpu.memory_space<vmem>>[vector<16xi32>], vector<16xf32>,
        %get3A_93 = arith.index_cast %add3A_90 : i32 to index
        %get3A_94 = arith.constant 16 : index
        %get3A_95 = tpu.vector_load %arg10[%get3A_93, %get3A_94] {strides = array<i32>} : memref<48x32xi32, #tpu.memory_space<vmem>>, vector<16xi32>,
        tpu.vector_store_idx %arg21[%get3A_95], %broadcast_in_dim3A_3 {add = true} : memref<10240xf32, #tpu.memory_space<vmem>>[vector<16xi32>], vector<16xf32>,
        %add3A_96 = arith.constant 1 : i32
        %add3A_97 = arith.addi %mul3A_37, %add3A_96 : i32
        %get3A_98 = arith.index_cast %add3A_97 : i32 to index
        %get3A_99 = arith.constant 0 : index
        %get3A_100 = tpu.vector_load %arg10[%get3A_98, %get3A_99] {strides = array<i32>} : memref<48x32xi32, #tpu.memory_space<vmem>>, vector<16xi32>,
        tpu.vector_store_idx %arg21[%get3A_100], %broadcast_in_dim3A_3 {add = true} : memref<10240xf32, #tpu.memory_space<vmem>>[vector<16xi32>], vector<16xf32>,
        %get3A_101 = arith.index_cast %add3A_97 : i32 to index
        %get3A_102 = arith.constant 16 : index
        %get3A_103 = tpu.vector_load %arg10[%get3A_101, %get3A_102] {strides = array<i32>} : memref<48x32xi32, #tpu.memory_space<vmem>>, vector<16xi32>,
        tpu.vector_store_idx %arg21[%get3A_103], %broadcast_in_dim3A_3 {add = true} : memref<10240xf32, #tpu.memory_space<vmem>>[vector<16xi32>], vector<16xf32>,
        %add3A_104 = arith.constant 2 : i32
        %add3A_105 = arith.addi %mul3A_37, %add3A_104 : i32
        %get3A_106 = arith.index_cast %add3A_105 : i32 to index
        %get3A_107 = arith.constant 0 : index
        %get3A_108 = tpu.vector_load %arg10[%get3A_106, %get3A_107] {strides = array<i32>} : memref<48x32xi32, #tpu.memory_space<vmem>>, vector<16xi32>,
        tpu.vector_store_idx %arg21[%get3A_108], %broadcast_in_dim3A_3 {add = true} : memref<10240xf32, #tpu.memory_space<vmem>>[vector<16xi32>], vector<16xf32>,
        %get3A_109 = arith.index_cast %add3A_105 : i32 to index
        %get3A_110 = arith.constant 16 : index
        %get3A_111 = tpu.vector_load %arg10[%get3A_109, %get3A_110] {strides = array<i32>} : memref<48x32xi32, #tpu.memory_space<vmem>>, vector<16xi32>,
        tpu.vector_store_idx %arg21[%get3A_111], %broadcast_in_dim3A_3 {add = true} : memref<10240xf32, #tpu.memory_space<vmem>>[vector<16xi32>], vector<16xf32>,
        %add3A_112 = arith.constant 3 : i32
        %add3A_113 = arith.addi %mul3A_37, %add3A_112 : i32
        %get3A_114 = arith.index_cast %add3A_113 : i32 to index
        %get3A_115 = arith.constant 0 : index
        %get3A_116 = tpu.vector_load %arg10[%get3A_114, %get3A_115] {strides = array<i32>} : memref<48x32xi32, #tpu.memory_space<vmem>>, vector<16xi32>,
        tpu.vector_store_idx %arg21[%get3A_116], %broadcast_in_dim3A_3 {add = true} : memref<10240xf32, #tpu.memory_space<vmem>>[vector<16xi32>], vector<16xf32>,
        %get3A_117 = arith.index_cast %add3A_113 : i32 to index
        %get3A_118 = arith.constant 16 : index
        %get3A_119 = tpu.vector_load %arg10[%get3A_117, %get3A_118] {strides = array<i32>} : memref<48x32xi32, #tpu.memory_space<vmem>>, vector<16xi32>,
        tpu.vector_store_idx %arg21[%get3A_119], %broadcast_in_dim3A_3 {add = true} : memref<10240xf32, #tpu.memory_space<vmem>>[vector<16xi32>], vector<16xf32>,
        %add3A_120 = arith.constant 4 : i32
        %add3A_121 = arith.addi %mul3A_37, %add3A_120 : i32
        %get3A_122 = arith.index_cast %add3A_121 : i32 to index
        %get3A_123 = arith.constant 0 : index
        %get3A_124 = tpu.vector_load %arg10[%get3A_122, %get3A_123] {strides = array<i32>} : memref<48x32xi32, #tpu.memory_space<vmem>>, vector<16xi32>,
        tpu.vector_store_idx %arg21[%get3A_124], %broadcast_in_dim3A_3 {add = true} : memref<10240xf32, #tpu.memory_space<vmem>>[vector<16xi32>], vector<16xf32>,
        %get3A_125 = arith.index_cast %add3A_121 : i32 to index
        %get3A_126 = arith.constant 16 : index
        %get3A_127 = tpu.vector_load %arg10[%get3A_125, %get3A_126] {strides = array<i32>} : memref<48x32xi32, #tpu.memory_space<vmem>>, vector<16xi32>,
        tpu.vector_store_idx %arg21[%get3A_127], %broadcast_in_dim3A_3 {add = true} : memref<10240xf32, #tpu.memory_space<vmem>>[vector<16xi32>], vector<16xf32>,
        %add3A_128 = arith.constant 5 : i32
        %add3A_129 = arith.addi %mul3A_37, %add3A_128 : i32
        %get3A_130 = arith.index_cast %add3A_129 : i32 to index
        %get3A_131 = arith.constant 0 : index
        %get3A_132 = tpu.vector_load %arg10[%get3A_130, %get3A_131] {strides = array<i32>} : memref<48x32xi32, #tpu.memory_space<vmem>>, vector<16xi32>,
        tpu.vector_store_idx %arg21[%get3A_132], %broadcast_in_dim3A_3 {add = true} : memref<10240xf32, #tpu.memory_space<vmem>>[vector<16xi32>], vector<16xf32>,
        %get3A_133 = arith.index_cast %add3A_129 : i32 to index
        %get3A_134 = arith.constant 16 : index
        %get3A_135 = tpu.vector_load %arg10[%get3A_133, %get3A_134] {strides = array<i32>} : memref<48x32xi32, #tpu.memory_space<vmem>>, vector<16xi32>,
        tpu.vector_store_idx %arg21[%get3A_135], %broadcast_in_dim3A_3 {add = true} : memref<10240xf32, #tpu.memory_space<vmem>>[vector<16xi32>], vector<16xf32>,
        %add3A_136 = arith.constant 6 : i32
        %add3A_137 = arith.addi %mul3A_37, %add3A_136 : i32
        %get3A_138 = arith.index_cast %add3A_137 : i32 to index
        %get3A_139 = arith.constant 0 : index
        %get3A_140 = tpu.vector_load %arg10[%get3A_138, %get3A_139] {strides = array<i32>} : memref<48x32xi32, #tpu.memory_space<vmem>>, vector<16xi32>,
        tpu.vector_store_idx %arg21[%get3A_140], %broadcast_in_dim3A_3 {add = true} : memref<10240xf32, #tpu.memory_space<vmem>>[vector<16xi32>], vector<16xf32>,
        %get3A_141 = arith.index_cast %add3A_137 : i32 to index
        %get3A_142 = arith.constant 16 : index
        %get3A_143 = tpu.vector_load %arg10[%get3A_141, %get3A_142] {strides = array<i32>} : memref<48x32xi32, #tpu.memory_space<vmem>>, vector<16xi32>,
        tpu.vector_store_idx %arg21[%get3A_143], %broadcast_in_dim3A_3 {add = true} : memref<10240xf32, #tpu.memory_space<vmem>>[vector<16xi32>], vector<16xf32>,
        %add3A_144 = arith.constant 7 : i32
        %add3A_145 = arith.addi %mul3A_37, %add3A_144 : i32
        %get3A_146 = arith.index_cast %add3A_145 : i32 to index
        %get3A_147 = arith.constant 0 : index
        %get3A_148 = tpu.vector_load %arg10[%get3A_146, %get3A_147] {strides = array<i32>} : memref<48x32xi32, #tpu.memory_space<vmem>>, vector<16xi32>,
        tpu.vector_store_idx %arg21[%get3A_148], %broadcast_in_dim3A_3 {add = true} : memref<10240xf32, #tpu.memory_space<vmem>>[vector<16xi32>], vector<16xf32>,
        %get3A_149 = arith.index_cast %add3A_145 : i32 to index
        %get3A_150 = arith.constant 16 : index
        %get3A_151 = tpu.vector_load %arg10[%get3A_149, %get3A_150] {strides = array<i32>} : memref<48x32xi32, #tpu.memory_space<vmem>>, vector<16xi32>,
        tpu.vector_store_idx %arg21[%get3A_151], %broadcast_in_dim3A_3 {add = true} : memref<10240xf32, #tpu.memory_space<vmem>>[vector<16xi32>], vector<16xf32>,
        %dma_wait3A = arith.constant 0 : i32
        %dma_wait3A_152 = arith.constant 0 : i32
        %dma_wait3A_153 = arith.constant 0 : i32
        %dma_wait3A_154 = tpu.memref_slice %arg11[%dma_wait3A, %dma_wait3A_152, %dma_wait3A_153] : memref<4x32x128xf32, #tpu.memory_space<vmem>> -> memref<1x32x128xf32, #tpu.memory_space<vmem>>
        %dma_wait3A_155 = tpu.memref_squeeze %dma_wait3A_154 : memref<1x32x128xf32, #tpu.memory_space<vmem>> -> memref<32x128xf32, #tpu.memory_space<vmem>>
        %dma_wait3A_156 = arith.constant 0 : i32
        %dma_wait3A_157 = tpu.memref_slice %arg9[%add3A_39, %dma_wait3A_156] : memref<48x32xi32, #tpu.memory_space<vmem>> -> memref<1x32xi32, #tpu.memory_space<vmem>>
        %dma_wait3A_158 = tpu.memref_squeeze %dma_wait3A_157 : memref<1x32xi32, #tpu.memory_space<vmem>> -> memref<32xi32, #tpu.memory_space<vmem>>
        %dma_wait3A_159 = arith.constant 0 : i32
        %dma_wait3A_160 = arith.constant 0 : i32
        %dma_wait3A_161 = tpu.memref_slice %arg2[%dma_wait3A_159, %dma_wait3A_160] : memref<10000x128xf32, #tpu.memory_space<hbm>> -> memref<10000x128xf32, #tpu.memory_space<hbm>>
        tpu.wait_indirect_dma semaphore(%arg13 : memref<!tpu.dma_semaphore, #tpu.memory_space<semaphore_mem>>) src(%dma_wait3A_161 : memref<10000x128xf32, #tpu.memory_space<hbm>>) dst(%dma_wait3A_155 : memref<32x128xf32, #tpu.memory_space<vmem>>)
        %add3A_162 = arith.constant 0 : i32
        %add3A_163 = arith.addi %mul3A_37, %add3A_162 : i32
        %dma_start3A_164 = arith.constant 0 : i32
        %dma_start3A_165 = arith.constant 0 : i32
        %dma_start3A_166 = arith.constant 0 : i32
        %dma_start3A_167 = tpu.memref_slice %arg11[%dma_start3A_164, %dma_start3A_165, %dma_start3A_166] : memref<4x32x128xf32, #tpu.memory_space<vmem>> -> memref<1x32x128xf32, #tpu.memory_space<vmem>>
        %dma_start3A_168 = tpu.memref_squeeze %dma_start3A_167 : memref<1x32x128xf32, #tpu.memory_space<vmem>> -> memref<32x128xf32, #tpu.memory_space<vmem>>
        %dma_start3A_169 = arith.constant 0 : i32
        %dma_start3A_170 = tpu.memref_slice %arg10[%add3A_163, %dma_start3A_169] : memref<48x32xi32, #tpu.memory_space<vmem>> -> memref<1x32xi32, #tpu.memory_space<vmem>>
        %dma_start3A_171 = tpu.memref_squeeze %dma_start3A_170 : memref<1x32xi32, #tpu.memory_space<vmem>> -> memref<32xi32, #tpu.memory_space<vmem>>
        %dma_start3A_172 = arith.constant 0 : i32
        %dma_start3A_173 = arith.constant 0 : i32
        %dma_start3A_174 = tpu.memref_slice %arg12[%dma_start3A_172, %dma_start3A_173] : memref<10240x128xf32, #tpu.memory_space<vmem_shared>> -> memref<10240x128xf32, #tpu.memory_space<vmem_shared>>
        tpu.enqueue_indirect_dma source(%dma_start3A_168 : memref<32x128xf32, #tpu.memory_space<vmem>>) target(%dma_start3A_174 : memref<10240x128xf32, #tpu.memory_space<vmem_shared>>) offsets(%dma_start3A_171 : memref<32xi32, #tpu.memory_space<vmem>>) semaphore(%arg17 : memref<!tpu.dma_semaphore, #tpu.memory_space<semaphore_mem>>) {add = true}
        %dma_wait3A_175 = arith.constant 1 : i32
        %dma_wait3A_176 = arith.constant 0 : i32
        %dma_wait3A_177 = arith.constant 0 : i32
        %dma_wait3A_178 = tpu.memref_slice %arg11[%dma_wait3A_175, %dma_wait3A_176, %dma_wait3A_177] : memref<4x32x128xf32, #tpu.memory_space<vmem>> -> memref<1x32x128xf32, #tpu.memory_space<vmem>>
        %dma_wait3A_179 = tpu.memref_squeeze %dma_wait3A_178 : memref<1x32x128xf32, #tpu.memory_space<vmem>> -> memref<32x128xf32, #tpu.memory_space<vmem>>
        %dma_wait3A_180 = arith.constant 0 : i32
        %dma_wait3A_181 = tpu.memref_slice %arg9[%add3A_51, %dma_wait3A_180] : memref<48x32xi32, #tpu.memory_space<vmem>> -> memref<1x32xi32, #tpu.memory_space<vmem>>
        %dma_wait3A_182 = tpu.memref_squeeze %dma_wait3A_181 : memref<1x32xi32, #tpu.memory_space<vmem>> -> memref<32xi32, #tpu.memory_space<vmem>>
        %dma_wait3A_183 = arith.constant 0 : i32
        %dma_wait3A_184 = arith.constant 0 : i32
        %dma_wait3A_185 = tpu.memref_slice %arg2[%dma_wait3A_183, %dma_wait3A_184] : memref<10000x128xf32, #tpu.memory_space<hbm>> -> memref<10000x128xf32, #tpu.memory_space<hbm>>
        tpu.wait_indirect_dma semaphore(%arg14 : memref<!tpu.dma_semaphore, #tpu.memory_space<semaphore_mem>>) src(%dma_wait3A_185 : memref<10000x128xf32, #tpu.memory_space<hbm>>) dst(%dma_wait3A_179 : memref<32x128xf32, #tpu.memory_space<vmem>>)
        %add3A_186 = arith.constant 1 : i32
        %add3A_187 = arith.addi %mul3A_37, %add3A_186 : i32
        %dma_start3A_188 = arith.constant 1 : i32
        %dma_start3A_189 = arith.constant 0 : i32
        %dma_start3A_190 = arith.constant 0 : i32
        %dma_start3A_191 = tpu.memref_slice %arg11[%dma_start3A_188, %dma_start3A_189, %dma_start3A_190] : memref<4x32x128xf32, #tpu.memory_space<vmem>> -> memref<1x32x128xf32, #tpu.memory_space<vmem>>
        %dma_start3A_192 = tpu.memref_squeeze %dma_start3A_191 : memref<1x32x128xf32, #tpu.memory_space<vmem>> -> memref<32x128xf32, #tpu.memory_space<vmem>>
        %dma_start3A_193 = arith.constant 0 : i32
        %dma_start3A_194 = tpu.memref_slice %arg10[%add3A_187, %dma_start3A_193] : memref<48x32xi32, #tpu.memory_space<vmem>> -> memref<1x32xi32, #tpu.memory_space<vmem>>
        %dma_start3A_195 = tpu.memref_squeeze %dma_start3A_194 : memref<1x32xi32, #tpu.memory_space<vmem>> -> memref<32xi32, #tpu.memory_space<vmem>>
        %dma_start3A_196 = arith.constant 0 : i32
        %dma_start3A_197 = arith.constant 0 : i32
        %dma_start3A_198 = tpu.memref_slice %arg12[%dma_start3A_196, %dma_start3A_197] : memref<10240x128xf32, #tpu.memory_space<vmem_shared>> -> memref<10240x128xf32, #tpu.memory_space<vmem_shared>>
        tpu.enqueue_indirect_dma source(%dma_start3A_192 : memref<32x128xf32, #tpu.memory_space<vmem>>) target(%dma_start3A_198 : memref<10240x128xf32, #tpu.memory_space<vmem_shared>>) offsets(%dma_start3A_195 : memref<32xi32, #tpu.memory_space<vmem>>) semaphore(%arg18 : memref<!tpu.dma_semaphore, #tpu.memory_space<semaphore_mem>>) {add = true}
        %dma_wait3A_199 = arith.constant 2 : i32
        %dma_wait3A_200 = arith.constant 0 : i32
        %dma_wait3A_201 = arith.constant 0 : i32
        %dma_wait3A_202 = tpu.memref_slice %arg11[%dma_wait3A_199, %dma_wait3A_200, %dma_wait3A_201] : memref<4x32x128xf32, #tpu.memory_space<vmem>> -> memref<1x32x128xf32, #tpu.memory_space<vmem>>
        %dma_wait3A_203 = tpu.memref_squeeze %dma_wait3A_202 : memref<1x32x128xf32, #tpu.memory_space<vmem>> -> memref<32x128xf32, #tpu.memory_space<vmem>>
        %dma_wait3A_204 = arith.constant 0 : i32
        %dma_wait3A_205 = tpu.memref_slice %arg9[%add3A_64, %dma_wait3A_204] : memref<48x32xi32, #tpu.memory_space<vmem>> -> memref<1x32xi32, #tpu.memory_space<vmem>>
        %dma_wait3A_206 = tpu.memref_squeeze %dma_wait3A_205 : memref<1x32xi32, #tpu.memory_space<vmem>> -> memref<32xi32, #tpu.memory_space<vmem>>
        %dma_wait3A_207 = arith.constant 0 : i32
        %dma_wait3A_208 = arith.constant 0 : i32
        %dma_wait3A_209 = tpu.memref_slice %arg2[%dma_wait3A_207, %dma_wait3A_208] : memref<10000x128xf32, #tpu.memory_space<hbm>> -> memref<10000x128xf32, #tpu.memory_space<hbm>>
        tpu.wait_indirect_dma semaphore(%arg15 : memref<!tpu.dma_semaphore, #tpu.memory_space<semaphore_mem>>) src(%dma_wait3A_209 : memref<10000x128xf32, #tpu.memory_space<hbm>>) dst(%dma_wait3A_203 : memref<32x128xf32, #tpu.memory_space<vmem>>)
        %add3A_210 = arith.constant 2 : i32
        %add3A_211 = arith.addi %mul3A_37, %add3A_210 : i32
        %dma_start3A_212 = arith.constant 2 : i32
        %dma_start3A_213 = arith.constant 0 : i32
        %dma_start3A_214 = arith.constant 0 : i32
        %dma_start3A_215 = tpu.memref_slice %arg11[%dma_start3A_212, %dma_start3A_213, %dma_start3A_214] : memref<4x32x128xf32, #tpu.memory_space<vmem>> -> memref<1x32x128xf32, #tpu.memory_space<vmem>>
        %dma_start3A_216 = tpu.memref_squeeze %dma_start3A_215 : memref<1x32x128xf32, #tpu.memory_space<vmem>> -> memref<32x128xf32, #tpu.memory_space<vmem>>
        %dma_start3A_217 = arith.constant 0 : i32
        %dma_start3A_218 = tpu.memref_slice %arg10[%add3A_211, %dma_start3A_217] : memref<48x32xi32, #tpu.memory_space<vmem>> -> memref<1x32xi32, #tpu.memory_space<vmem>>
        %dma_start3A_219 = tpu.memref_squeeze %dma_start3A_218 : memref<1x32xi32, #tpu.memory_space<vmem>> -> memref<32xi32, #tpu.memory_space<vmem>>
        %dma_start3A_220 = arith.constant 0 : i32
        %dma_start3A_221 = arith.constant 0 : i32
        %dma_start3A_222 = tpu.memref_slice %arg12[%dma_start3A_220, %dma_start3A_221] : memref<10240x128xf32, #tpu.memory_space<vmem_shared>> -> memref<10240x128xf32, #tpu.memory_space<vmem_shared>>
        tpu.enqueue_indirect_dma source(%dma_start3A_216 : memref<32x128xf32, #tpu.memory_space<vmem>>) target(%dma_start3A_222 : memref<10240x128xf32, #tpu.memory_space<vmem_shared>>) offsets(%dma_start3A_219 : memref<32xi32, #tpu.memory_space<vmem>>) semaphore(%arg19 : memref<!tpu.dma_semaphore, #tpu.memory_space<semaphore_mem>>) {add = true}
        %dma_wait3A_223 = arith.constant 3 : i32
        %dma_wait3A_224 = arith.constant 0 : i32
        %dma_wait3A_225 = arith.constant 0 : i32
        %dma_wait3A_226 = tpu.memref_slice %arg11[%dma_wait3A_223, %dma_wait3A_224, %dma_wait3A_225] : memref<4x32x128xf32, #tpu.memory_space<vmem>> -> memref<1x32x128xf32, #tpu.memory_space<vmem>>
        %dma_wait3A_227 = tpu.memref_squeeze %dma_wait3A_226 : memref<1x32x128xf32, #tpu.memory_space<vmem>> -> memref<32x128xf32, #tpu.memory_space<vmem>>
        %dma_wait3A_228 = arith.constant 0 : i32
        %dma_wait3A_229 = tpu.memref_slice %arg9[%add3A_77, %dma_wait3A_228] : memref<48x32xi32, #tpu.memory_space<vmem>> -> memref<1x32xi32, #tpu.memory_space<vmem>>
        %dma_wait3A_230 = tpu.memref_squeeze %dma_wait3A_229 : memref<1x32xi32, #tpu.memory_space<vmem>> -> memref<32xi32, #tpu.memory_space<vmem>>
        %dma_wait3A_231 = arith.constant 0 : i32
        %dma_wait3A_232 = arith.constant 0 : i32
        %dma_wait3A_233 = tpu.memref_slice %arg2[%dma_wait3A_231, %dma_wait3A_232] : memref<10000x128xf32, #tpu.memory_space<hbm>> -> memref<10000x128xf32, #tpu.memory_space<hbm>>
        tpu.wait_indirect_dma semaphore(%arg16 : memref<!tpu.dma_semaphore, #tpu.memory_space<semaphore_mem>>) src(%dma_wait3A_233 : memref<10000x128xf32, #tpu.memory_space<hbm>>) dst(%dma_wait3A_227 : memref<32x128xf32, #tpu.memory_space<vmem>>)
        %add3A_234 = arith.constant 3 : i32
        %add3A_235 = arith.addi %mul3A_37, %add3A_234 : i32
        %dma_start3A_236 = arith.constant 3 : i32
        %dma_start3A_237 = arith.constant 0 : i32
        %dma_start3A_238 = arith.constant 0 : i32
        %dma_start3A_239 = tpu.memref_slice %arg11[%dma_start3A_236, %dma_start3A_237, %dma_start3A_238] : memref<4x32x128xf32, #tpu.memory_space<vmem>> -> memref<1x32x128xf32, #tpu.memory_space<vmem>>
        %dma_start3A_240 = tpu.memref_squeeze %dma_start3A_239 : memref<1x32x128xf32, #tpu.memory_space<vmem>> -> memref<32x128xf32, #tpu.memory_space<vmem>>
        %dma_start3A_241 = arith.constant 0 : i32
        %dma_start3A_242 = tpu.memref_slice %arg10[%add3A_235, %dma_start3A_241] : memref<48x32xi32, #tpu.memory_space<vmem>> -> memref<1x32xi32, #tpu.memory_space<vmem>>
        %dma_start3A_243 = tpu.memref_squeeze %dma_start3A_242 : memref<1x32xi32, #tpu.memory_space<vmem>> -> memref<32xi32, #tpu.memory_space<vmem>>
        %dma_start3A_244 = arith.constant 0 : i32
        %dma_start3A_245 = arith.constant 0 : i32
        %dma_start3A_246 = tpu.memref_slice %arg12[%dma_start3A_244, %dma_start3A_245] : memref<10240x128xf32, #tpu.memory_space<vmem_shared>> -> memref<10240x128xf32, #tpu.memory_space<vmem_shared>>
        tpu.enqueue_indirect_dma source(%dma_start3A_240 : memref<32x128xf32, #tpu.memory_space<vmem>>) target(%dma_start3A_246 : memref<10240x128xf32, #tpu.memory_space<vmem_shared>>) offsets(%dma_start3A_243 : memref<32xi32, #tpu.memory_space<vmem>>) semaphore(%arg20 : memref<!tpu.dma_semaphore, #tpu.memory_space<semaphore_mem>>) {add = true}
        %dma_wait3A_247 = arith.constant 0 : i32
        %dma_wait3A_248 = arith.constant 0 : i32
        %dma_wait3A_249 = arith.constant 0 : i32
        %dma_wait3A_250 = tpu.memref_slice %arg11[%dma_wait3A_247, %dma_wait3A_248, %dma_wait3A_249] : memref<4x32x128xf32, #tpu.memory_space<vmem>> -> memref<1x32x128xf32, #tpu.memory_space<vmem>>
        %dma_wait3A_251 = tpu.memref_squeeze %dma_wait3A_250 : memref<1x32x128xf32, #tpu.memory_space<vmem>> -> memref<32x128xf32, #tpu.memory_space<vmem>>
        %dma_wait3A_252 = arith.constant 0 : i32
        %dma_wait3A_253 = tpu.memref_slice %arg10[%add3A_163, %dma_wait3A_252] : memref<48x32xi32, #tpu.memory_space<vmem>> -> memref<1x32xi32, #tpu.memory_space<vmem>>
        %dma_wait3A_254 = tpu.memref_squeeze %dma_wait3A_253 : memref<1x32xi32, #tpu.memory_space<vmem>> -> memref<32xi32, #tpu.memory_space<vmem>>
        %dma_wait3A_255 = arith.constant 0 : i32
        %dma_wait3A_256 = arith.constant 0 : i32
        %dma_wait3A_257 = tpu.memref_slice %arg12[%dma_wait3A_255, %dma_wait3A_256] : memref<10240x128xf32, #tpu.memory_space<vmem_shared>> -> memref<10240x128xf32, #tpu.memory_space<vmem_shared>>
        tpu.wait_indirect_dma semaphore(%arg17 : memref<!tpu.dma_semaphore, #tpu.memory_space<semaphore_mem>>) src(%dma_wait3A_251 : memref<32x128xf32, #tpu.memory_space<vmem>>) dst(%dma_wait3A_257 : memref<10240x128xf32, #tpu.memory_space<vmem_shared>>)
        %add3A_258 = arith.constant 4 : i32
        %add3A_259 = arith.addi %mul3A_37, %add3A_258 : i32
        %add3A_260 = arith.constant 0 : i32
        %add3A_261 = arith.addi %add3A_259, %add3A_260 : i32
        %dma_start3A_262 = arith.constant 0 : i32
        %dma_start3A_263 = arith.constant 0 : i32
        %dma_start3A_264 = arith.constant 0 : i32
        %dma_start3A_265 = tpu.memref_slice %arg11[%dma_start3A_262, %dma_start3A_263, %dma_start3A_264] : memref<4x32x128xf32, #tpu.memory_space<vmem>> -> memref<1x32x128xf32, #tpu.memory_space<vmem>>
        %dma_start3A_266 = tpu.memref_squeeze %dma_start3A_265 : memref<1x32x128xf32, #tpu.memory_space<vmem>> -> memref<32x128xf32, #tpu.memory_space<vmem>>
        %dma_start3A_267 = arith.constant 0 : i32
        %dma_start3A_268 = tpu.memref_slice %arg9[%add3A_261, %dma_start3A_267] : memref<48x32xi32, #tpu.memory_space<vmem>> -> memref<1x32xi32, #tpu.memory_space<vmem>>
        %dma_start3A_269 = tpu.memref_squeeze %dma_start3A_268 : memref<1x32xi32, #tpu.memory_space<vmem>> -> memref<32xi32, #tpu.memory_space<vmem>>
        %dma_start3A_270 = arith.constant 0 : i32
        %dma_start3A_271 = arith.constant 0 : i32
        %dma_start3A_272 = tpu.memref_slice %arg2[%dma_start3A_270, %dma_start3A_271] : memref<10000x128xf32, #tpu.memory_space<hbm>> -> memref<10000x128xf32, #tpu.memory_space<hbm>>
        tpu.enqueue_indirect_dma source(%dma_start3A_272 : memref<10000x128xf32, #tpu.memory_space<hbm>>) target(%dma_start3A_266 : memref<32x128xf32, #tpu.memory_space<vmem>>) offsets(%dma_start3A_269 : memref<32xi32, #tpu.memory_space<vmem>>) semaphore(%arg13 : memref<!tpu.dma_semaphore, #tpu.memory_space<semaphore_mem>>)
        %dma_wait3A_273 = arith.constant 1 : i32
        %dma_wait3A_274 = arith.constant 0 : i32
        %dma_wait3A_275 = arith.constant 0 : i32
        %dma_wait3A_276 = tpu.memref_slice %arg11[%dma_wait3A_273, %dma_wait3A_274, %dma_wait3A_275] : memref<4x32x128xf32, #tpu.memory_space<vmem>> -> memref<1x32x128xf32, #tpu.memory_space<vmem>>
        %dma_wait3A_277 = tpu.memref_squeeze %dma_wait3A_276 : memref<1x32x128xf32, #tpu.memory_space<vmem>> -> memref<32x128xf32, #tpu.memory_space<vmem>>
        %dma_wait3A_278 = arith.constant 0 : i32
        %dma_wait3A_279 = tpu.memref_slice %arg10[%add3A_187, %dma_wait3A_278] : memref<48x32xi32, #tpu.memory_space<vmem>> -> memref<1x32xi32, #tpu.memory_space<vmem>>
        %dma_wait3A_280 = tpu.memref_squeeze %dma_wait3A_279 : memref<1x32xi32, #tpu.memory_space<vmem>> -> memref<32xi32, #tpu.memory_space<vmem>>
        %dma_wait3A_281 = arith.constant 0 : i32
        %dma_wait3A_282 = arith.constant 0 : i32
        %dma_wait3A_283 = tpu.memref_slice %arg12[%dma_wait3A_281, %dma_wait3A_282] : memref<10240x128xf32, #tpu.memory_space<vmem_shared>> -> memref<10240x128xf32, #tpu.memory_space<vmem_shared>>
        tpu.wait_indirect_dma semaphore(%arg18 : memref<!tpu.dma_semaphore, #tpu.memory_space<semaphore_mem>>) src(%dma_wait3A_277 : memref<32x128xf32, #tpu.memory_space<vmem>>) dst(%dma_wait3A_283 : memref<10240x128xf32, #tpu.memory_space<vmem_shared>>)
        %add3A_284 = arith.constant 4 : i32
        %add3A_285 = arith.addi %mul3A_37, %add3A_284 : i32
        %add3A_286 = arith.constant 1 : i32
        %add3A_287 = arith.addi %add3A_285, %add3A_286 : i32
        %dma_start3A_288 = arith.constant 1 : i32
        %dma_start3A_289 = arith.constant 0 : i32
        %dma_start3A_290 = arith.constant 0 : i32
        %dma_start3A_291 = tpu.memref_slice %arg11[%dma_start3A_288, %dma_start3A_289, %dma_start3A_290] : memref<4x32x128xf32, #tpu.memory_space<vmem>> -> memref<1x32x128xf32, #tpu.memory_space<vmem>>
        %dma_start3A_292 = tpu.memref_squeeze %dma_start3A_291 : memref<1x32x128xf32, #tpu.memory_space<vmem>> -> memref<32x128xf32, #tpu.memory_space<vmem>>
        %dma_start3A_293 = arith.constant 0 : i32
        %dma_start3A_294 = tpu.memref_slice %arg9[%add3A_287, %dma_start3A_293] : memref<48x32xi32, #tpu.memory_space<vmem>> -> memref<1x32xi32, #tpu.memory_space<vmem>>
        %dma_start3A_295 = tpu.memref_squeeze %dma_start3A_294 : memref<1x32xi32, #tpu.memory_space<vmem>> -> memref<32xi32, #tpu.memory_space<vmem>>
        %dma_start3A_296 = arith.constant 0 : i32
        %dma_start3A_297 = arith.constant 0 : i32
        %dma_start3A_298 = tpu.memref_slice %arg2[%dma_start3A_296, %dma_start3A_297] : memref<10000x128xf32, #tpu.memory_space<hbm>> -> memref<10000x128xf32, #tpu.memory_space<hbm>>
        tpu.enqueue_indirect_dma source(%dma_start3A_298 : memref<10000x128xf32, #tpu.memory_space<hbm>>) target(%dma_start3A_292 : memref<32x128xf32, #tpu.memory_space<vmem>>) offsets(%dma_start3A_295 : memref<32xi32, #tpu.memory_space<vmem>>) semaphore(%arg14 : memref<!tpu.dma_semaphore, #tpu.memory_space<semaphore_mem>>)
        %dma_wait3A_299 = arith.constant 2 : i32
        %dma_wait3A_300 = arith.constant 0 : i32
        %dma_wait3A_301 = arith.constant 0 : i32
        %dma_wait3A_302 = tpu.memref_slice %arg11[%dma_wait3A_299, %dma_wait3A_300, %dma_wait3A_301] : memref<4x32x128xf32, #tpu.memory_space<vmem>> -> memref<1x32x128xf32, #tpu.memory_space<vmem>>
        %dma_wait3A_303 = tpu.memref_squeeze %dma_wait3A_302 : memref<1x32x128xf32, #tpu.memory_space<vmem>> -> memref<32x128xf32, #tpu.memory_space<vmem>>
        %dma_wait3A_304 = arith.constant 0 : i32
        %dma_wait3A_305 = tpu.memref_slice %arg10[%add3A_211, %dma_wait3A_304] : memref<48x32xi32, #tpu.memory_space<vmem>> -> memref<1x32xi32, #tpu.memory_space<vmem>>
        %dma_wait3A_306 = tpu.memref_squeeze %dma_wait3A_305 : memref<1x32xi32, #tpu.memory_space<vmem>> -> memref<32xi32, #tpu.memory_space<vmem>>
        %dma_wait3A_307 = arith.constant 0 : i32
        %dma_wait3A_308 = arith.constant 0 : i32
        %dma_wait3A_309 = tpu.memref_slice %arg12[%dma_wait3A_307, %dma_wait3A_308] : memref<10240x128xf32, #tpu.memory_space<vmem_shared>> -> memref<10240x128xf32, #tpu.memory_space<vmem_shared>>
        tpu.wait_indirect_dma semaphore(%arg19 : memref<!tpu.dma_semaphore, #tpu.memory_space<semaphore_mem>>) src(%dma_wait3A_303 : memref<32x128xf32, #tpu.memory_space<vmem>>) dst(%dma_wait3A_309 : memref<10240x128xf32, #tpu.memory_space<vmem_shared>>)
        %add3A_310 = arith.constant 4 : i32
        %add3A_311 = arith.addi %mul3A_37, %add3A_310 : i32
        %add3A_312 = arith.constant 2 : i32
        %add3A_313 = arith.addi %add3A_311, %add3A_312 : i32
        %dma_start3A_314 = arith.constant 2 : i32
        %dma_start3A_315 = arith.constant 0 : i32
        %dma_start3A_316 = arith.constant 0 : i32
        %dma_start3A_317 = tpu.memref_slice %arg11[%dma_start3A_314, %dma_start3A_315, %dma_start3A_316] : memref<4x32x128xf32, #tpu.memory_space<vmem>> -> memref<1x32x128xf32, #tpu.memory_space<vmem>>
        %dma_start3A_318 = tpu.memref_squeeze %dma_start3A_317 : memref<1x32x128xf32, #tpu.memory_space<vmem>> -> memref<32x128xf32, #tpu.memory_space<vmem>>
        %dma_start3A_319 = arith.constant 0 : i32
        %dma_start3A_320 = tpu.memref_slice %arg9[%add3A_313, %dma_start3A_319] : memref<48x32xi32, #tpu.memory_space<vmem>> -> memref<1x32xi32, #tpu.memory_space<vmem>>
        %dma_start3A_321 = tpu.memref_squeeze %dma_start3A_320 : memref<1x32xi32, #tpu.memory_space<vmem>> -> memref<32xi32, #tpu.memory_space<vmem>>
        %dma_start3A_322 = arith.constant 0 : i32
        %dma_start3A_323 = arith.constant 0 : i32
        %dma_start3A_324 = tpu.memref_slice %arg2[%dma_start3A_322, %dma_start3A_323] : memref<10000x128xf32, #tpu.memory_space<hbm>> -> memref<10000x128xf32, #tpu.memory_space<hbm>>
        tpu.enqueue_indirect_dma source(%dma_start3A_324 : memref<10000x128xf32, #tpu.memory_space<hbm>>) target(%dma_start3A_318 : memref<32x128xf32, #tpu.memory_space<vmem>>) offsets(%dma_start3A_321 : memref<32xi32, #tpu.memory_space<vmem>>) semaphore(%arg15 : memref<!tpu.dma_semaphore, #tpu.memory_space<semaphore_mem>>)
        %dma_wait3A_325 = arith.constant 3 : i32
        %dma_wait3A_326 = arith.constant 0 : i32
        %dma_wait3A_327 = arith.constant 0 : i32
        %dma_wait3A_328 = tpu.memref_slice %arg11[%dma_wait3A_325, %dma_wait3A_326, %dma_wait3A_327] : memref<4x32x128xf32, #tpu.memory_space<vmem>> -> memref<1x32x128xf32, #tpu.memory_space<vmem>>
        %dma_wait3A_329 = tpu.memref_squeeze %dma_wait3A_328 : memref<1x32x128xf32, #tpu.memory_space<vmem>> -> memref<32x128xf32, #tpu.memory_space<vmem>>
        %dma_wait3A_330 = arith.constant 0 : i32
        %dma_wait3A_331 = tpu.memref_slice %arg10[%add3A_235, %dma_wait3A_330] : memref<48x32xi32, #tpu.memory_space<vmem>> -> memref<1x32xi32, #tpu.memory_space<vmem>>
        %dma_wait3A_332 = tpu.memref_squeeze %dma_wait3A_331 : memref<1x32xi32, #tpu.memory_space<vmem>> -> memref<32xi32, #tpu.memory_space<vmem>>
        %dma_wait3A_333 = arith.constant 0 : i32
        %dma_wait3A_334 = arith.constant 0 : i32
        %dma_wait3A_335 = tpu.memref_slice %arg12[%dma_wait3A_333, %dma_wait3A_334] : memref<10240x128xf32, #tpu.memory_space<vmem_shared>> -> memref<10240x128xf32, #tpu.memory_space<vmem_shared>>
        tpu.wait_indirect_dma semaphore(%arg20 : memref<!tpu.dma_semaphore, #tpu.memory_space<semaphore_mem>>) src(%dma_wait3A_329 : memref<32x128xf32, #tpu.memory_space<vmem>>) dst(%dma_wait3A_335 : memref<10240x128xf32, #tpu.memory_space<vmem_shared>>)
        %add3A_336 = arith.constant 4 : i32
        %add3A_337 = arith.addi %mul3A_37, %add3A_336 : i32
        %add3A_338 = arith.constant 3 : i32
        %add3A_339 = arith.addi %add3A_337, %add3A_338 : i32
        %dma_start3A_340 = arith.constant 3 : i32
        %dma_start3A_341 = arith.constant 0 : i32
        %dma_start3A_342 = arith.constant 0 : i32
        %dma_start3A_343 = tpu.memref_slice %arg11[%dma_start3A_340, %dma_start3A_341, %dma_start3A_342] : memref<4x32x128xf32, #tpu.memory_space<vmem>> -> memref<1x32x128xf32, #tpu.memory_space<vmem>>
        %dma_start3A_344 = tpu.memref_squeeze %dma_start3A_343 : memref<1x32x128xf32, #tpu.memory_space<vmem>> -> memref<32x128xf32, #tpu.memory_space<vmem>>
        %dma_start3A_345 = arith.constant 0 : i32
        %dma_start3A_346 = tpu.memref_slice %arg9[%add3A_339, %dma_start3A_345] : memref<48x32xi32, #tpu.memory_space<vmem>> -> memref<1x32xi32, #tpu.memory_space<vmem>>
        %dma_start3A_347 = tpu.memref_squeeze %dma_start3A_346 : memref<1x32xi32, #tpu.memory_space<vmem>> -> memref<32xi32, #tpu.memory_space<vmem>>
        %dma_start3A_348 = arith.constant 0 : i32
        %dma_start3A_349 = arith.constant 0 : i32
        %dma_start3A_350 = tpu.memref_slice %arg2[%dma_start3A_348, %dma_start3A_349] : memref<10000x128xf32, #tpu.memory_space<hbm>> -> memref<10000x128xf32, #tpu.memory_space<hbm>>
        tpu.enqueue_indirect_dma source(%dma_start3A_350 : memref<10000x128xf32, #tpu.memory_space<hbm>>) target(%dma_start3A_344 : memref<32x128xf32, #tpu.memory_space<vmem>>) offsets(%dma_start3A_347 : memref<32xi32, #tpu.memory_space<vmem>>) semaphore(%arg16 : memref<!tpu.dma_semaphore, #tpu.memory_space<semaphore_mem>>)
        %dma_wait3A_351 = arith.constant 0 : i32
        %dma_wait3A_352 = arith.constant 0 : i32
        %dma_wait3A_353 = arith.constant 0 : i32
        %dma_wait3A_354 = tpu.memref_slice %arg11[%dma_wait3A_351, %dma_wait3A_352, %dma_wait3A_353] : memref<4x32x128xf32, #tpu.memory_space<vmem>> -> memref<1x32x128xf32, #tpu.memory_space<vmem>>
        %dma_wait3A_355 = tpu.memref_squeeze %dma_wait3A_354 : memref<1x32x128xf32, #tpu.memory_space<vmem>> -> memref<32x128xf32, #tpu.memory_space<vmem>>
        %dma_wait3A_356 = arith.constant 0 : i32
        %dma_wait3A_357 = tpu.memref_slice %arg9[%add3A_261, %dma_wait3A_356] : memref<48x32xi32, #tpu.memory_space<vmem>> -> memref<1x32xi32, #tpu.memory_space<vmem>>
        %dma_wait3A_358 = tpu.memref_squeeze %dma_wait3A_357 : memref<1x32xi32, #tpu.memory_space<vmem>> -> memref<32xi32, #tpu.memory_space<vmem>>
        %dma_wait3A_359 = arith.constant 0 : i32
        %dma_wait3A_360 = arith.constant 0 : i32
        %dma_wait3A_361 = tpu.memref_slice %arg2[%dma_wait3A_359, %dma_wait3A_360] : memref<10000x128xf32, #tpu.memory_space<hbm>> -> memref<10000x128xf32, #tpu.memory_space<hbm>>
        tpu.wait_indirect_dma semaphore(%arg13 : memref<!tpu.dma_semaphore, #tpu.memory_space<semaphore_mem>>) src(%dma_wait3A_361 : memref<10000x128xf32, #tpu.memory_space<hbm>>) dst(%dma_wait3A_355 : memref<32x128xf32, #tpu.memory_space<vmem>>)
        %add3A_362 = arith.constant 4 : i32
        %add3A_363 = arith.addi %mul3A_37, %add3A_362 : i32
        %add3A_364 = arith.constant 0 : i32
        %add3A_365 = arith.addi %add3A_363, %add3A_364 : i32
        %dma_start3A_366 = arith.constant 0 : i32
        %dma_start3A_367 = arith.constant 0 : i32
        %dma_start3A_368 = arith.constant 0 : i32
        %dma_start3A_369 = tpu.memref_slice %arg11[%dma_start3A_366, %dma_start3A_367, %dma_start3A_368] : memref<4x32x128xf32, #tpu.memory_space<vmem>> -> memref<1x32x128xf32, #tpu.memory_space<vmem>>
        %dma_start3A_370 = tpu.memref_squeeze %dma_start3A_369 : memref<1x32x128xf32, #tpu.memory_space<vmem>> -> memref<32x128xf32, #tpu.memory_space<vmem>>
        %dma_start3A_371 = arith.constant 0 : i32
        %dma_start3A_372 = tpu.memref_slice %arg10[%add3A_365, %dma_start3A_371] : memref<48x32xi32, #tpu.memory_space<vmem>> -> memref<1x32xi32, #tpu.memory_space<vmem>>
        %dma_start3A_373 = tpu.memref_squeeze %dma_start3A_372 : memref<1x32xi32, #tpu.memory_space<vmem>> -> memref<32xi32, #tpu.memory_space<vmem>>
        %dma_start3A_374 = arith.constant 0 : i32
        %dma_start3A_375 = arith.constant 0 : i32
        %dma_start3A_376 = tpu.memref_slice %arg12[%dma_start3A_374, %dma_start3A_375] : memref<10240x128xf32, #tpu.memory_space<vmem_shared>> -> memref<10240x128xf32, #tpu.memory_space<vmem_shared>>
        tpu.enqueue_indirect_dma source(%dma_start3A_370 : memref<32x128xf32, #tpu.memory_space<vmem>>) target(%dma_start3A_376 : memref<10240x128xf32, #tpu.memory_space<vmem_shared>>) offsets(%dma_start3A_373 : memref<32xi32, #tpu.memory_space<vmem>>) semaphore(%arg17 : memref<!tpu.dma_semaphore, #tpu.memory_space<semaphore_mem>>) {add = true}
        %dma_wait3A_377 = arith.constant 1 : i32
        %dma_wait3A_378 = arith.constant 0 : i32
        %dma_wait3A_379 = arith.constant 0 : i32
        %dma_wait3A_380 = tpu.memref_slice %arg11[%dma_wait3A_377, %dma_wait3A_378, %dma_wait3A_379] : memref<4x32x128xf32, #tpu.memory_space<vmem>> -> memref<1x32x128xf32, #tpu.memory_space<vmem>>
        %dma_wait3A_381 = tpu.memref_squeeze %dma_wait3A_380 : memref<1x32x128xf32, #tpu.memory_space<vmem>> -> memref<32x128xf32, #tpu.memory_space<vmem>>
        %dma_wait3A_382 = arith.constant 0 : i32
        %dma_wait3A_383 = tpu.memref_slice %arg9[%add3A_287, %dma_wait3A_382] : memref<48x32xi32, #tpu.memory_space<vmem>> -> memref<1x32xi32, #tpu.memory_space<vmem>>
        %dma_wait3A_384 = tpu.memref_squeeze %dma_wait3A_383 : memref<1x32xi32, #tpu.memory_space<vmem>> -> memref<32xi32, #tpu.memory_space<vmem>>
        %dma_wait3A_385 = arith.constant 0 : i32
        %dma_wait3A_386 = arith.constant 0 : i32
        %dma_wait3A_387 = tpu.memref_slice %arg2[%dma_wait3A_385, %dma_wait3A_386] : memref<10000x128xf32, #tpu.memory_space<hbm>> -> memref<10000x128xf32, #tpu.memory_space<hbm>>
        tpu.wait_indirect_dma semaphore(%arg14 : memref<!tpu.dma_semaphore, #tpu.memory_space<semaphore_mem>>) src(%dma_wait3A_387 : memref<10000x128xf32, #tpu.memory_space<hbm>>) dst(%dma_wait3A_381 : memref<32x128xf32, #tpu.memory_space<vmem>>)
        %add3A_388 = arith.constant 4 : i32
        %add3A_389 = arith.addi %mul3A_37, %add3A_388 : i32
        %add3A_390 = arith.constant 1 : i32
        %add3A_391 = arith.addi %add3A_389, %add3A_390 : i32
        %dma_start3A_392 = arith.constant 1 : i32
        %dma_start3A_393 = arith.constant 0 : i32
        %dma_start3A_394 = arith.constant 0 : i32
        %dma_start3A_395 = tpu.memref_slice %arg11[%dma_start3A_392, %dma_start3A_393, %dma_start3A_394] : memref<4x32x128xf32, #tpu.memory_space<vmem>> -> memref<1x32x128xf32, #tpu.memory_space<vmem>>
        %dma_start3A_396 = tpu.memref_squeeze %dma_start3A_395 : memref<1x32x128xf32, #tpu.memory_space<vmem>> -> memref<32x128xf32, #tpu.memory_space<vmem>>
        %dma_start3A_397 = arith.constant 0 : i32
        %dma_start3A_398 = tpu.memref_slice %arg10[%add3A_391, %dma_start3A_397] : memref<48x32xi32, #tpu.memory_space<vmem>> -> memref<1x32xi32, #tpu.memory_space<vmem>>
        %dma_start3A_399 = tpu.memref_squeeze %dma_start3A_398 : memref<1x32xi32, #tpu.memory_space<vmem>> -> memref<32xi32, #tpu.memory_space<vmem>>
        %dma_start3A_400 = arith.constant 0 : i32
        %dma_start3A_401 = arith.constant 0 : i32
        %dma_start3A_402 = tpu.memref_slice %arg12[%dma_start3A_400, %dma_start3A_401] : memref<10240x128xf32, #tpu.memory_space<vmem_shared>> -> memref<10240x128xf32, #tpu.memory_space<vmem_shared>>
        tpu.enqueue_indirect_dma source(%dma_start3A_396 : memref<32x128xf32, #tpu.memory_space<vmem>>) target(%dma_start3A_402 : memref<10240x128xf32, #tpu.memory_space<vmem_shared>>) offsets(%dma_start3A_399 : memref<32xi32, #tpu.memory_space<vmem>>) semaphore(%arg18 : memref<!tpu.dma_semaphore, #tpu.memory_space<semaphore_mem>>) {add = true}
        %dma_wait3A_403 = arith.constant 2 : i32
        %dma_wait3A_404 = arith.constant 0 : i32
        %dma_wait3A_405 = arith.constant 0 : i32
        %dma_wait3A_406 = tpu.memref_slice %arg11[%dma_wait3A_403, %dma_wait3A_404, %dma_wait3A_405] : memref<4x32x128xf32, #tpu.memory_space<vmem>> -> memref<1x32x128xf32, #tpu.memory_space<vmem>>
        %dma_wait3A_407 = tpu.memref_squeeze %dma_wait3A_406 : memref<1x32x128xf32, #tpu.memory_space<vmem>> -> memref<32x128xf32, #tpu.memory_space<vmem>>
        %dma_wait3A_408 = arith.constant 0 : i32
        %dma_wait3A_409 = tpu.memref_slice %arg9[%add3A_313, %dma_wait3A_408] : memref<48x32xi32, #tpu.memory_space<vmem>> -> memref<1x32xi32, #tpu.memory_space<vmem>>
        %dma_wait3A_410 = tpu.memref_squeeze %dma_wait3A_409 : memref<1x32xi32, #tpu.memory_space<vmem>> -> memref<32xi32, #tpu.memory_space<vmem>>
        %dma_wait3A_411 = arith.constant 0 : i32
        %dma_wait3A_412 = arith.constant 0 : i32
        %dma_wait3A_413 = tpu.memref_slice %arg2[%dma_wait3A_411, %dma_wait3A_412] : memref<10000x128xf32, #tpu.memory_space<hbm>> -> memref<10000x128xf32, #tpu.memory_space<hbm>>
        tpu.wait_indirect_dma semaphore(%arg15 : memref<!tpu.dma_semaphore, #tpu.memory_space<semaphore_mem>>) src(%dma_wait3A_413 : memref<10000x128xf32, #tpu.memory_space<hbm>>) dst(%dma_wait3A_407 : memref<32x128xf32, #tpu.memory_space<vmem>>)
        %add3A_414 = arith.constant 4 : i32
        %add3A_415 = arith.addi %mul3A_37, %add3A_414 : i32
        %add3A_416 = arith.constant 2 : i32
        %add3A_417 = arith.addi %add3A_415, %add3A_416 : i32
        %dma_start3A_418 = arith.constant 2 : i32
        %dma_start3A_419 = arith.constant 0 : i32
        %dma_start3A_420 = arith.constant 0 : i32
        %dma_start3A_421 = tpu.memref_slice %arg11[%dma_start3A_418, %dma_start3A_419, %dma_start3A_420] : memref<4x32x128xf32, #tpu.memory_space<vmem>> -> memref<1x32x128xf32, #tpu.memory_space<vmem>>
        %dma_start3A_422 = tpu.memref_squeeze %dma_start3A_421 : memref<1x32x128xf32, #tpu.memory_space<vmem>> -> memref<32x128xf32, #tpu.memory_space<vmem>>
        %dma_start3A_423 = arith.constant 0 : i32
        %dma_start3A_424 = tpu.memref_slice %arg10[%add3A_417, %dma_start3A_423] : memref<48x32xi32, #tpu.memory_space<vmem>> -> memref<1x32xi32, #tpu.memory_space<vmem>>
        %dma_start3A_425 = tpu.memref_squeeze %dma_start3A_424 : memref<1x32xi32, #tpu.memory_space<vmem>> -> memref<32xi32, #tpu.memory_space<vmem>>
        %dma_start3A_426 = arith.constant 0 : i32
        %dma_start3A_427 = arith.constant 0 : i32
        %dma_start3A_428 = tpu.memref_slice %arg12[%dma_start3A_426, %dma_start3A_427] : memref<10240x128xf32, #tpu.memory_space<vmem_shared>> -> memref<10240x128xf32, #tpu.memory_space<vmem_shared>>
        tpu.enqueue_indirect_dma source(%dma_start3A_422 : memref<32x128xf32, #tpu.memory_space<vmem>>) target(%dma_start3A_428 : memref<10240x128xf32, #tpu.memory_space<vmem_shared>>) offsets(%dma_start3A_425 : memref<32xi32, #tpu.memory_space<vmem>>) semaphore(%arg19 : memref<!tpu.dma_semaphore, #tpu.memory_space<semaphore_mem>>) {add = true}
        %dma_wait3A_429 = arith.constant 3 : i32
        %dma_wait3A_430 = arith.constant 0 : i32
        %dma_wait3A_431 = arith.constant 0 : i32
        %dma_wait3A_432 = tpu.memref_slice %arg11[%dma_wait3A_429, %dma_wait3A_430, %dma_wait3A_431] : memref<4x32x128xf32, #tpu.memory_space<vmem>> -> memref<1x32x128xf32, #tpu.memory_space<vmem>>
        %dma_wait3A_433 = tpu.memref_squeeze %dma_wait3A_432 : memref<1x32x128xf32, #tpu.memory_space<vmem>> -> memref<32x128xf32, #tpu.memory_space<vmem>>
        %dma_wait3A_434 = arith.constant 0 : i32
        %dma_wait3A_435 = tpu.memref_slice %arg9[%add3A_339, %dma_wait3A_434] : memref<48x32xi32, #tpu.memory_space<vmem>> -> memref<1x32xi32, #tpu.memory_space<vmem>>
        %dma_wait3A_436 = tpu.memref_squeeze %dma_wait3A_435 : memref<1x32xi32, #tpu.memory_space<vmem>> -> memref<32xi32, #tpu.memory_space<vmem>>
        %dma_wait3A_437 = arith.constant 0 : i32
        %dma_wait3A_438 = arith.constant 0 : i32
        %dma_wait3A_439 = tpu.memref_slice %arg2[%dma_wait3A_437, %dma_wait3A_438] : memref<10000x128xf32, #tpu.memory_space<hbm>> -> memref<10000x128xf32, #tpu.memory_space<hbm>>
        tpu.wait_indirect_dma semaphore(%arg16 : memref<!tpu.dma_semaphore, #tpu.memory_space<semaphore_mem>>) src(%dma_wait3A_439 : memref<10000x128xf32, #tpu.memory_space<hbm>>) dst(%dma_wait3A_433 : memref<32x128xf32, #tpu.memory_space<vmem>>)
        %add3A_440 = arith.constant 4 : i32
        %add3A_441 = arith.addi %mul3A_37, %add3A_440 : i32
        %add3A_442 = arith.constant 3 : i32
        %add3A_443 = arith.addi %add3A_441, %add3A_442 : i32
        %dma_start3A_444 = arith.constant 3 : i32
        %dma_start3A_445 = arith.constant 0 : i32
        %dma_start3A_446 = arith.constant 0 : i32
        %dma_start3A_447 = tpu.memref_slice %arg11[%dma_start3A_444, %dma_start3A_445, %dma_start3A_446] : memref<4x32x128xf32, #tpu.memory_space<vmem>> -> memref<1x32x128xf32, #tpu.memory_space<vmem>>
        %dma_start3A_448 = tpu.memref_squeeze %dma_start3A_447 : memref<1x32x128xf32, #tpu.memory_space<vmem>> -> memref<32x128xf32, #tpu.memory_space<vmem>>
        %dma_start3A_449 = arith.constant 0 : i32
        %dma_start3A_450 = tpu.memref_slice %arg10[%add3A_443, %dma_start3A_449] : memref<48x32xi32, #tpu.memory_space<vmem>> -> memref<1x32xi32, #tpu.memory_space<vmem>>
        %dma_start3A_451 = tpu.memref_squeeze %dma_start3A_450 : memref<1x32xi32, #tpu.memory_space<vmem>> -> memref<32xi32, #tpu.memory_space<vmem>>
        %dma_start3A_452 = arith.constant 0 : i32
        %dma_start3A_453 = arith.constant 0 : i32
        %dma_start3A_454 = tpu.memref_slice %arg12[%dma_start3A_452, %dma_start3A_453] : memref<10240x128xf32, #tpu.memory_space<vmem_shared>> -> memref<10240x128xf32, #tpu.memory_space<vmem_shared>>
        tpu.enqueue_indirect_dma source(%dma_start3A_448 : memref<32x128xf32, #tpu.memory_space<vmem>>) target(%dma_start3A_454 : memref<10240x128xf32, #tpu.memory_space<vmem_shared>>) offsets(%dma_start3A_451 : memref<32xi32, #tpu.memory_space<vmem>>) semaphore(%arg20 : memref<!tpu.dma_semaphore, #tpu.memory_space<semaphore_mem>>) {add = true}
        %dma_wait3A_455 = arith.constant 0 : i32
        %dma_wait3A_456 = arith.constant 0 : i32
        %dma_wait3A_457 = arith.constant 0 : i32
        %dma_wait3A_458 = tpu.memref_slice %arg11[%dma_wait3A_455, %dma_wait3A_456, %dma_wait3A_457] : memref<4x32x128xf32, #tpu.memory_space<vmem>> -> memref<1x32x128xf32, #tpu.memory_space<vmem>>
        %dma_wait3A_459 = tpu.memref_squeeze %dma_wait3A_458 : memref<1x32x128xf32, #tpu.memory_space<vmem>> -> memref<32x128xf32, #tpu.memory_space<vmem>>
        %dma_wait3A_460 = arith.constant 0 : i32
        %dma_wait3A_461 = tpu.memref_slice %arg10[%add3A_365, %dma_wait3A_460] : memref<48x32xi32, #tpu.memory_space<vmem>> -> memref<1x32xi32, #tpu.memory_space<vmem>>
        %dma_wait3A_462 = tpu.memref_squeeze %dma_wait3A_461 : memref<1x32xi32, #tpu.memory_space<vmem>> -> memref<32xi32, #tpu.memory_space<vmem>>
        %dma_wait3A_463 = arith.constant 0 : i32
        %dma_wait3A_464 = arith.constant 0 : i32
        %dma_wait3A_465 = tpu.memref_slice %arg12[%dma_wait3A_463, %dma_wait3A_464] : memref<10240x128xf32, #tpu.memory_space<vmem_shared>> -> memref<10240x128xf32, #tpu.memory_space<vmem_shared>>
        tpu.wait_indirect_dma semaphore(%arg17 : memref<!tpu.dma_semaphore, #tpu.memory_space<semaphore_mem>>) src(%dma_wait3A_459 : memref<32x128xf32, #tpu.memory_space<vmem>>) dst(%dma_wait3A_465 : memref<10240x128xf32, #tpu.memory_space<vmem_shared>>)
        %dma_wait3A_466 = arith.constant 1 : i32
        %dma_wait3A_467 = arith.constant 0 : i32
        %dma_wait3A_468 = arith.constant 0 : i32
        %dma_wait3A_469 = tpu.memref_slice %arg11[%dma_wait3A_466, %dma_wait3A_467, %dma_wait3A_468] : memref<4x32x128xf32, #tpu.memory_space<vmem>> -> memref<1x32x128xf32, #tpu.memory_space<vmem>>
        %dma_wait3A_470 = tpu.memref_squeeze %dma_wait3A_469 : memref<1x32x128xf32, #tpu.memory_space<vmem>> -> memref<32x128xf32, #tpu.memory_space<vmem>>
        %dma_wait3A_471 = arith.constant 0 : i32
        %dma_wait3A_472 = tpu.memref_slice %arg10[%add3A_391, %dma_wait3A_471] : memref<48x32xi32, #tpu.memory_space<vmem>> -> memref<1x32xi32, #tpu.memory_space<vmem>>
        %dma_wait3A_473 = tpu.memref_squeeze %dma_wait3A_472 : memref<1x32xi32, #tpu.memory_space<vmem>> -> memref<32xi32, #tpu.memory_space<vmem>>
        %dma_wait3A_474 = arith.constant 0 : i32
        %dma_wait3A_475 = arith.constant 0 : i32
        %dma_wait3A_476 = tpu.memref_slice %arg12[%dma_wait3A_474, %dma_wait3A_475] : memref<10240x128xf32, #tpu.memory_space<vmem_shared>> -> memref<10240x128xf32, #tpu.memory_space<vmem_shared>>
        tpu.wait_indirect_dma semaphore(%arg18 : memref<!tpu.dma_semaphore, #tpu.memory_space<semaphore_mem>>) src(%dma_wait3A_470 : memref<32x128xf32, #tpu.memory_space<vmem>>) dst(%dma_wait3A_476 : memref<10240x128xf32, #tpu.memory_space<vmem_shared>>)
        %dma_wait3A_477 = arith.constant 2 : i32
        %dma_wait3A_478 = arith.constant 0 : i32
        %dma_wait3A_479 = arith.constant 0 : i32
        %dma_wait3A_480 = tpu.memref_slice %arg11[%dma_wait3A_477, %dma_wait3A_478, %dma_wait3A_479] : memref<4x32x128xf32, #tpu.memory_space<vmem>> -> memref<1x32x128xf32, #tpu.memory_space<vmem>>
        %dma_wait3A_481 = tpu.memref_squeeze %dma_wait3A_480 : memref<1x32x128xf32, #tpu.memory_space<vmem>> -> memref<32x128xf32, #tpu.memory_space<vmem>>
        %dma_wait3A_482 = arith.constant 0 : i32
        %dma_wait3A_483 = tpu.memref_slice %arg10[%add3A_417, %dma_wait3A_482] : memref<48x32xi32, #tpu.memory_space<vmem>> -> memref<1x32xi32, #tpu.memory_space<vmem>>
        %dma_wait3A_484 = tpu.memref_squeeze %dma_wait3A_483 : memref<1x32xi32, #tpu.memory_space<vmem>> -> memref<32xi32, #tpu.memory_space<vmem>>
        %dma_wait3A_485 = arith.constant 0 : i32
        %dma_wait3A_486 = arith.constant 0 : i32
        %dma_wait3A_487 = tpu.memref_slice %arg12[%dma_wait3A_485, %dma_wait3A_486] : memref<10240x128xf32, #tpu.memory_space<vmem_shared>> -> memref<10240x128xf32, #tpu.memory_space<vmem_shared>>
        tpu.wait_indirect_dma semaphore(%arg19 : memref<!tpu.dma_semaphore, #tpu.memory_space<semaphore_mem>>) src(%dma_wait3A_481 : memref<32x128xf32, #tpu.memory_space<vmem>>) dst(%dma_wait3A_487 : memref<10240x128xf32, #tpu.memory_space<vmem_shared>>)
        %dma_wait3A_488 = arith.constant 3 : i32
        %dma_wait3A_489 = arith.constant 0 : i32
        %dma_wait3A_490 = arith.constant 0 : i32
        %dma_wait3A_491 = tpu.memref_slice %arg11[%dma_wait3A_488, %dma_wait3A_489, %dma_wait3A_490] : memref<4x32x128xf32, #tpu.memory_space<vmem>> -> memref<1x32x128xf32, #tpu.memory_space<vmem>>
        %dma_wait3A_492 = tpu.memref_squeeze %dma_wait3A_491 : memref<1x32x128xf32, #tpu.memory_space<vmem>> -> memref<32x128xf32, #tpu.memory_space<vmem>>
        %dma_wait3A_493 = arith.constant 0 : i32
        %dma_wait3A_494 = tpu.memref_slice %arg10[%add3A_443, %dma_wait3A_493] : memref<48x32xi32, #tpu.memory_space<vmem>> -> memref<1x32xi32, #tpu.memory_space<vmem>>
        %dma_wait3A_495 = tpu.memref_squeeze %dma_wait3A_494 : memref<1x32xi32, #tpu.memory_space<vmem>> -> memref<32xi32, #tpu.memory_space<vmem>>
        %dma_wait3A_496 = arith.constant 0 : i32
        %dma_wait3A_497 = arith.constant 0 : i32
        %dma_wait3A_498 = tpu.memref_slice %arg12[%dma_wait3A_496, %dma_wait3A_497] : memref<10240x128xf32, #tpu.memory_space<vmem_shared>> -> memref<10240x128xf32, #tpu.memory_space<vmem_shared>>
        tpu.wait_indirect_dma semaphore(%arg20 : memref<!tpu.dma_semaphore, #tpu.memory_space<semaphore_mem>>) src(%dma_wait3A_492 : memref<32x128xf32, #tpu.memory_space<vmem>>) dst(%dma_wait3A_498 : memref<10240x128xf32, #tpu.memory_space<vmem_shared>>)
      }
      %scan3A_28 = arith.constant 6 : i32
    }
    %scan3A_7 = arith.constant 7 : i32
    %barrier3A_8 = arith.constant 0 : index
    tpu.barrier barrier_id(%barrier3A_8)
    %mul3A_9 = arith.constant 10240 : i32
    %mul3A_10 = arith.muli %arg0, %mul3A_9 : i32
    %add3A_11 = arith.addi %mul3A_10, %mul3A_2 : i32
    "tpu.region"() ({
      %run_scoped3A = tpu.sem_alloc : memref<!tpu.dma_semaphore, #tpu.memory_space<semaphore_mem>>
      %dma_start3A = arith.constant 0 : i32
      %dma_start3A_14 = tpu.memref_slice %arg7[%add3A_11, %dma_start3A] : memref<20480x128xf32, #tpu.memory_space<hbm>> -> memref<640x128xf32, #tpu.memory_space<hbm>>
      %dma_start3A_15 = arith.constant 0 : i32
      %dma_start3A_16 = tpu.memref_slice %arg12[%mul3A_2, %dma_start3A_15] : memref<10240x128xf32, #tpu.memory_space<vmem_shared>> -> memref<640x128xf32, #tpu.memory_space<vmem_shared>>
      tpu.enqueue_dma source(%dma_start3A_16 : memref<640x128xf32, #tpu.memory_space<vmem_shared>>) target(%dma_start3A_14 : memref<640x128xf32, #tpu.memory_space<hbm>>) target_semaphore(%run_scoped3A : memref<!tpu.dma_semaphore, #tpu.memory_space<semaphore_mem>>)
      %dma_wait3A = arith.constant 0 : i32
      %dma_wait3A_17 = tpu.memref_slice %arg7[%add3A_11, %dma_wait3A] : memref<20480x128xf32, #tpu.memory_space<hbm>> -> memref<640x128xf32, #tpu.memory_space<hbm>>
      %dma_wait3A_18 = arith.constant 0 : i32
      %dma_wait3A_19 = tpu.memref_slice %arg12[%mul3A_2, %dma_wait3A_18] : memref<10240x128xf32, #tpu.memory_space<vmem_shared>> -> memref<640x128xf32, #tpu.memory_space<vmem_shared>>
      tpu.wait_dma2 semaphore(%run_scoped3A : memref<!tpu.dma_semaphore, #tpu.memory_space<semaphore_mem>>) src(%dma_wait3A_19 : memref<640x128xf32, #tpu.memory_space<vmem_shared>>) dst(%dma_wait3A_17 : memref<640x128xf32, #tpu.memory_space<hbm>>)
      tpu.yield
    }) : () -> ()
    %mul3A_12 = arith.constant 10240 : i32
    %mul3A_13 = arith.muli %add3A, %mul3A_12 : i32
    "tpu.region"() ({
      %run_scoped3A = tpu.sem_alloc : memref<!tpu.dma_semaphore, #tpu.memory_space<semaphore_mem>>
      %dma_start3A = tpu.memref_slice %arg8[%mul3A_13] : memref<327680xf32, #tpu.memory_space<hbm>> -> memref<10240xf32, #tpu.memory_space<hbm>>
      %dma_start3A_14 = tpu.memref_slice %arg8[%mul3A_13] : memref<327680xf32, #tpu.memory_space<hbm>> -> memref<10240xf32, #tpu.memory_space<hbm>>
      tpu.enqueue_dma source(%arg21 : memref<10240xf32, #tpu.memory_space<vmem>>) target(%dma_start3A_14 : memref<10240xf32, #tpu.memory_space<hbm>>) target_semaphore(%run_scoped3A : memref<!tpu.dma_semaphore, #tpu.memory_space<semaphore_mem>>)
      %dma_wait3A = tpu.memref_slice %arg8[%mul3A_13] : memref<327680xf32, #tpu.memory_space<hbm>> -> memref<10240xf32, #tpu.memory_space<hbm>>
      %dma_wait3A_15 = tpu.memref_slice %arg8[%mul3A_13] : memref<327680xf32, #tpu.memory_space<hbm>> -> memref<10240xf32, #tpu.memory_space<hbm>>
      tpu.wait_dma2 semaphore(%run_scoped3A : memref<!tpu.dma_semaphore, #tpu.memory_space<semaphore_mem>>) src(%arg21 : memref<10240xf32, #tpu.memory_space<vmem>>) dst(%dma_wait3A_15 : memref<10240xf32, #tpu.memory_space<hbm>>)
      tpu.yield
    }) : () -> ()
    return
  }
}

#map = affine_map<(d0, d1) -> (0, 0)>
module attributes {stable_mosaic.version = 14 : i64} {
  func.func @body(%arg0: i32, %arg1: i32, %arg2: memref<10000x128xf32, #tpu.memory_space<hbm>>, %arg3: memref<10752x32xi32, #tpu.memory_space<hbm>>, %arg4: memref<10752x32xi32, #tpu.memory_space<hbm>>, %arg5: memref<640x128xf32, #tpu.memory_space<hbm>>, %arg6: memref<20480x128xf32, #tpu.memory_space<hbm>>, %arg7: memref<48x32xi32, #tpu.memory_space<vmem>>, %arg8: memref<48x32xi32, #tpu.memory_space<vmem>>, %arg9: memref<6x32x128xf32, #tpu.memory_space<vmem>>, %arg10: memref<10240x128xf32, #tpu.memory_space<vmem_shared>>, %arg11: memref<!tpu.dma_semaphore, #tpu.memory_space<semaphore_mem>>, %arg12: memref<!tpu.dma_semaphore, #tpu.memory_space<semaphore_mem>>, %arg13: memref<!tpu.dma_semaphore, #tpu.memory_space<semaphore_mem>>, %arg14: memref<!tpu.dma_semaphore, #tpu.memory_space<semaphore_mem>>, %arg15: memref<!tpu.dma_semaphore, #tpu.memory_space<semaphore_mem>>, %arg16: memref<!tpu.dma_semaphore, #tpu.memory_space<semaphore_mem>>, %arg17: memref<!tpu.dma_semaphore, #tpu.memory_space<semaphore_mem>>, %arg18: memref<!tpu.dma_semaphore, #tpu.memory_space<semaphore_mem>>, %arg19: memref<!tpu.dma_semaphore, #tpu.memory_space<semaphore_mem>>, %arg20: memref<!tpu.dma_semaphore, #tpu.memory_space<semaphore_mem>>, %arg21: memref<!tpu.dma_semaphore, #tpu.memory_space<semaphore_mem>>, %arg22: memref<!tpu.dma_semaphore, #tpu.memory_space<semaphore_mem>>) attributes {dimension_semantics = [#tpu.dimension_semantics<core_parallel>, #tpu.dimension_semantics<subcore_parallel>], iteration_bounds = array<i64: 2, 16>, scalar_prefetch = 0 : i64, scratch_operands = 16 : i64, tpu.core_type = #tpu.core_type<sc_vector_subcore>, window_params = [{transform_indices = #map}, {transform_indices = #map}, {transform_indices = #map}, {transform_indices = #map}, {transform_indices = #map}]} {
    %mul3A = arith.constant 16 : i32
    %mul3A_0 = arith.muli %arg0, %mul3A : i32
    %add3A = arith.addi %mul3A_0, %arg1 : i32
    %mul3A_1 = arith.constant 640 : i32
    %mul3A_2 = arith.muli %arg1, %mul3A_1 : i32
    "tpu.region"() ({
      %run_scoped3A = tpu.sem_alloc : memref<!tpu.dma_semaphore, #tpu.memory_space<semaphore_mem>>
      %dma_start3A = arith.constant 0 : i32
      %dma_start3A_11 = tpu.memref_slice %arg10[%mul3A_2, %dma_start3A] : memref<10240x128xf32, #tpu.memory_space<vmem_shared>> -> memref<640x128xf32, #tpu.memory_space<vmem_shared>>
      tpu.enqueue_dma source(%arg5 : memref<640x128xf32, #tpu.memory_space<hbm>>) target(%dma_start3A_11 : memref<640x128xf32, #tpu.memory_space<vmem_shared>>) target_semaphore(%run_scoped3A : memref<!tpu.dma_semaphore, #tpu.memory_space<semaphore_mem>>)
      %dma_wait3A = arith.constant 0 : i32
      %dma_wait3A_12 = tpu.memref_slice %arg10[%mul3A_2, %dma_wait3A] : memref<10240x128xf32, #tpu.memory_space<vmem_shared>> -> memref<640x128xf32, #tpu.memory_space<vmem_shared>>
      tpu.wait_dma2 semaphore(%run_scoped3A : memref<!tpu.dma_semaphore, #tpu.memory_space<semaphore_mem>>) src(%arg5 : memref<640x128xf32, #tpu.memory_space<hbm>>) dst(%dma_wait3A_12 : memref<640x128xf32, #tpu.memory_space<vmem_shared>>)
      tpu.yield
    }) : () -> ()
    %barrier3A = arith.constant 0 : index
    tpu.barrier barrier_id(%barrier3A)
    %scan3A = arith.constant 0 : i32
    %scan3A_3 = arith.constant 7 : i32
    %scan3A_4 = arith.addi %scan3A, %scan3A_3 : i32
    %scan3A_5 = arith.constant 1 : i32
    scf.for %scan3A_11 = %scan3A to %scan3A_4 step %scan3A_5  : i32 {
      %mul3A_12 = arith.constant 1 : i32
      %mul3A_13 = arith.muli %scan3A_11, %mul3A_12 : i32
      %add3A_14 = arith.constant 0 : i32
      %add3A_15 = arith.addi %add3A_14, %mul3A_13 : i32
      %mul3A_16 = arith.constant 336 : i32
      %mul3A_17 = arith.muli %add3A, %mul3A_16 : i32
      %mul3A_18 = arith.constant 48 : i32
      %mul3A_19 = arith.muli %add3A_15, %mul3A_18 : i32
      %add3A_20 = arith.addi %mul3A_17, %mul3A_19 : i32
      "tpu.region"() ({
        %run_scoped3A = tpu.sem_alloc : memref<!tpu.dma_semaphore, #tpu.memory_space<semaphore_mem>>
        %dma_start3A = arith.constant 0 : i32
        %dma_start3A_26 = tpu.memref_slice %arg3[%add3A_20, %dma_start3A] : memref<10752x32xi32, #tpu.memory_space<hbm>> -> memref<48x32xi32, #tpu.memory_space<hbm>>
        %dma_start3A_27 = arith.constant 0 : i32
        %dma_start3A_28 = tpu.memref_slice %arg3[%add3A_20, %dma_start3A_27] : memref<10752x32xi32, #tpu.memory_space<hbm>> -> memref<48x32xi32, #tpu.memory_space<hbm>>
        tpu.enqueue_dma source(%dma_start3A_28 : memref<48x32xi32, #tpu.memory_space<hbm>>) target(%arg7 : memref<48x32xi32, #tpu.memory_space<vmem>>) target_semaphore(%run_scoped3A : memref<!tpu.dma_semaphore, #tpu.memory_space<semaphore_mem>>)
        %dma_wait3A = arith.constant 0 : i32
        %dma_wait3A_29 = tpu.memref_slice %arg3[%add3A_20, %dma_wait3A] : memref<10752x32xi32, #tpu.memory_space<hbm>> -> memref<48x32xi32, #tpu.memory_space<hbm>>
        %dma_wait3A_30 = arith.constant 0 : i32
        %dma_wait3A_31 = tpu.memref_slice %arg3[%add3A_20, %dma_wait3A_30] : memref<10752x32xi32, #tpu.memory_space<hbm>> -> memref<48x32xi32, #tpu.memory_space<hbm>>
        tpu.wait_dma2 semaphore(%run_scoped3A : memref<!tpu.dma_semaphore, #tpu.memory_space<semaphore_mem>>) src(%dma_wait3A_31 : memref<48x32xi32, #tpu.memory_space<hbm>>) dst(%arg7 : memref<48x32xi32, #tpu.memory_space<vmem>>)
        tpu.yield
      }) : () -> ()
      "tpu.region"() ({
        %run_scoped3A = tpu.sem_alloc : memref<!tpu.dma_semaphore, #tpu.memory_space<semaphore_mem>>
        %dma_start3A = arith.constant 0 : i32
        %dma_start3A_26 = tpu.memref_slice %arg4[%add3A_20, %dma_start3A] : memref<10752x32xi32, #tpu.memory_space<hbm>> -> memref<48x32xi32, #tpu.memory_space<hbm>>
        %dma_start3A_27 = arith.constant 0 : i32
        %dma_start3A_28 = tpu.memref_slice %arg4[%add3A_20, %dma_start3A_27] : memref<10752x32xi32, #tpu.memory_space<hbm>> -> memref<48x32xi32, #tpu.memory_space<hbm>>
        tpu.enqueue_dma source(%dma_start3A_28 : memref<48x32xi32, #tpu.memory_space<hbm>>) target(%arg8 : memref<48x32xi32, #tpu.memory_space<vmem>>) target_semaphore(%run_scoped3A : memref<!tpu.dma_semaphore, #tpu.memory_space<semaphore_mem>>)
        %dma_wait3A = arith.constant 0 : i32
        %dma_wait3A_29 = tpu.memref_slice %arg4[%add3A_20, %dma_wait3A] : memref<10752x32xi32, #tpu.memory_space<hbm>> -> memref<48x32xi32, #tpu.memory_space<hbm>>
        %dma_wait3A_30 = arith.constant 0 : i32
        %dma_wait3A_31 = tpu.memref_slice %arg4[%add3A_20, %dma_wait3A_30] : memref<10752x32xi32, #tpu.memory_space<hbm>> -> memref<48x32xi32, #tpu.memory_space<hbm>>
        tpu.wait_dma2 semaphore(%run_scoped3A : memref<!tpu.dma_semaphore, #tpu.memory_space<semaphore_mem>>) src(%dma_wait3A_31 : memref<48x32xi32, #tpu.memory_space<hbm>>) dst(%arg8 : memref<48x32xi32, #tpu.memory_space<vmem>>)
        tpu.yield
      }) : () -> ()
      %scan3A_21 = arith.constant 0 : i32
      %scan3A_22 = arith.constant 4 : i32
      %scan3A_23 = arith.addi %scan3A_21, %scan3A_22 : i32
      %scan3A_24 = arith.constant 1 : i32
      scf.for %scan3A_26 = %scan3A_21 to %scan3A_23 step %scan3A_24  : i32 {
        %mul3A_27 = arith.constant 1 : i32
        %mul3A_28 = arith.muli %scan3A_26, %mul3A_27 : i32
        %add3A_29 = arith.constant 0 : i32
        %add3A_30 = arith.addi %add3A_29, %mul3A_28 : i32
        %mul3A_31 = arith.constant 2 : i32
        %mul3A_32 = arith.muli %add3A_30, %mul3A_31 : i32
        %mul3A_33 = arith.constant 6 : i32
        %mul3A_34 = arith.muli %mul3A_32, %mul3A_33 : i32
        %add3A_35 = arith.constant 0 : i32
        %add3A_36 = arith.addi %mul3A_34, %add3A_35 : i32
        %dma_start3A = arith.constant 0 : i32
        %dma_start3A_37 = arith.constant 0 : i32
        %dma_start3A_38 = arith.constant 0 : i32
        %dma_start3A_39 = tpu.memref_slice %arg9[%dma_start3A, %dma_start3A_37, %dma_start3A_38] : memref<6x32x128xf32, #tpu.memory_space<vmem>> -> memref<1x32x128xf32, #tpu.memory_space<vmem>>
        %dma_start3A_40 = tpu.memref_squeeze %dma_start3A_39 : memref<1x32x128xf32, #tpu.memory_space<vmem>> -> memref<32x128xf32, #tpu.memory_space<vmem>>
        %dma_start3A_41 = arith.constant 0 : i32
        %dma_start3A_42 = tpu.memref_slice %arg7[%add3A_36, %dma_start3A_41] : memref<48x32xi32, #tpu.memory_space<vmem>> -> memref<1x32xi32, #tpu.memory_space<vmem>>
        %dma_start3A_43 = tpu.memref_squeeze %dma_start3A_42 : memref<1x32xi32, #tpu.memory_space<vmem>> -> memref<32xi32, #tpu.memory_space<vmem>>
        %dma_start3A_44 = arith.constant 0 : i32
        %dma_start3A_45 = arith.constant 0 : i32
        %dma_start3A_46 = tpu.memref_slice %arg2[%dma_start3A_44, %dma_start3A_45] : memref<10000x128xf32, #tpu.memory_space<hbm>> -> memref<10000x128xf32, #tpu.memory_space<hbm>>
        tpu.enqueue_indirect_dma source(%dma_start3A_46 : memref<10000x128xf32, #tpu.memory_space<hbm>>) target(%dma_start3A_40 : memref<32x128xf32, #tpu.memory_space<vmem>>) offsets(%dma_start3A_43 : memref<32xi32, #tpu.memory_space<vmem>>) semaphore(%arg11 : memref<!tpu.dma_semaphore, #tpu.memory_space<semaphore_mem>>)
        %add3A_47 = arith.constant 1 : i32
        %add3A_48 = arith.addi %mul3A_34, %add3A_47 : i32
        %dma_start3A_49 = arith.constant 1 : i32
        %dma_start3A_50 = arith.constant 0 : i32
        %dma_start3A_51 = arith.constant 0 : i32
        %dma_start3A_52 = tpu.memref_slice %arg9[%dma_start3A_49, %dma_start3A_50, %dma_start3A_51] : memref<6x32x128xf32, #tpu.memory_space<vmem>> -> memref<1x32x128xf32, #tpu.memory_space<vmem>>
        %dma_start3A_53 = tpu.memref_squeeze %dma_start3A_52 : memref<1x32x128xf32, #tpu.memory_space<vmem>> -> memref<32x128xf32, #tpu.memory_space<vmem>>
        %dma_start3A_54 = arith.constant 0 : i32
        %dma_start3A_55 = tpu.memref_slice %arg7[%add3A_48, %dma_start3A_54] : memref<48x32xi32, #tpu.memory_space<vmem>> -> memref<1x32xi32, #tpu.memory_space<vmem>>
        %dma_start3A_56 = tpu.memref_squeeze %dma_start3A_55 : memref<1x32xi32, #tpu.memory_space<vmem>> -> memref<32xi32, #tpu.memory_space<vmem>>
        %dma_start3A_57 = arith.constant 0 : i32
        %dma_start3A_58 = arith.constant 0 : i32
        %dma_start3A_59 = tpu.memref_slice %arg2[%dma_start3A_57, %dma_start3A_58] : memref<10000x128xf32, #tpu.memory_space<hbm>> -> memref<10000x128xf32, #tpu.memory_space<hbm>>
        tpu.enqueue_indirect_dma source(%dma_start3A_59 : memref<10000x128xf32, #tpu.memory_space<hbm>>) target(%dma_start3A_53 : memref<32x128xf32, #tpu.memory_space<vmem>>) offsets(%dma_start3A_56 : memref<32xi32, #tpu.memory_space<vmem>>) semaphore(%arg12 : memref<!tpu.dma_semaphore, #tpu.memory_space<semaphore_mem>>)
        %add3A_60 = arith.constant 2 : i32
        %add3A_61 = arith.addi %mul3A_34, %add3A_60 : i32
        %dma_start3A_62 = arith.constant 2 : i32
        %dma_start3A_63 = arith.constant 0 : i32
        %dma_start3A_64 = arith.constant 0 : i32
        %dma_start3A_65 = tpu.memref_slice %arg9[%dma_start3A_62, %dma_start3A_63, %dma_start3A_64] : memref<6x32x128xf32, #tpu.memory_space<vmem>> -> memref<1x32x128xf32, #tpu.memory_space<vmem>>
        %dma_start3A_66 = tpu.memref_squeeze %dma_start3A_65 : memref<1x32x128xf32, #tpu.memory_space<vmem>> -> memref<32x128xf32, #tpu.memory_space<vmem>>
        %dma_start3A_67 = arith.constant 0 : i32
        %dma_start3A_68 = tpu.memref_slice %arg7[%add3A_61, %dma_start3A_67] : memref<48x32xi32, #tpu.memory_space<vmem>> -> memref<1x32xi32, #tpu.memory_space<vmem>>
        %dma_start3A_69 = tpu.memref_squeeze %dma_start3A_68 : memref<1x32xi32, #tpu.memory_space<vmem>> -> memref<32xi32, #tpu.memory_space<vmem>>
        %dma_start3A_70 = arith.constant 0 : i32
        %dma_start3A_71 = arith.constant 0 : i32
        %dma_start3A_72 = tpu.memref_slice %arg2[%dma_start3A_70, %dma_start3A_71] : memref<10000x128xf32, #tpu.memory_space<hbm>> -> memref<10000x128xf32, #tpu.memory_space<hbm>>
        tpu.enqueue_indirect_dma source(%dma_start3A_72 : memref<10000x128xf32, #tpu.memory_space<hbm>>) target(%dma_start3A_66 : memref<32x128xf32, #tpu.memory_space<vmem>>) offsets(%dma_start3A_69 : memref<32xi32, #tpu.memory_space<vmem>>) semaphore(%arg13 : memref<!tpu.dma_semaphore, #tpu.memory_space<semaphore_mem>>)
        %add3A_73 = arith.constant 3 : i32
        %add3A_74 = arith.addi %mul3A_34, %add3A_73 : i32
        %dma_start3A_75 = arith.constant 3 : i32
        %dma_start3A_76 = arith.constant 0 : i32
        %dma_start3A_77 = arith.constant 0 : i32
        %dma_start3A_78 = tpu.memref_slice %arg9[%dma_start3A_75, %dma_start3A_76, %dma_start3A_77] : memref<6x32x128xf32, #tpu.memory_space<vmem>> -> memref<1x32x128xf32, #tpu.memory_space<vmem>>
        %dma_start3A_79 = tpu.memref_squeeze %dma_start3A_78 : memref<1x32x128xf32, #tpu.memory_space<vmem>> -> memref<32x128xf32, #tpu.memory_space<vmem>>
        %dma_start3A_80 = arith.constant 0 : i32
        %dma_start3A_81 = tpu.memref_slice %arg7[%add3A_74, %dma_start3A_80] : memref<48x32xi32, #tpu.memory_space<vmem>> -> memref<1x32xi32, #tpu.memory_space<vmem>>
        %dma_start3A_82 = tpu.memref_squeeze %dma_start3A_81 : memref<1x32xi32, #tpu.memory_space<vmem>> -> memref<32xi32, #tpu.memory_space<vmem>>
        %dma_start3A_83 = arith.constant 0 : i32
        %dma_start3A_84 = arith.constant 0 : i32
        %dma_start3A_85 = tpu.memref_slice %arg2[%dma_start3A_83, %dma_start3A_84] : memref<10000x128xf32, #tpu.memory_space<hbm>> -> memref<10000x128xf32, #tpu.memory_space<hbm>>
        tpu.enqueue_indirect_dma source(%dma_start3A_85 : memref<10000x128xf32, #tpu.memory_space<hbm>>) target(%dma_start3A_79 : memref<32x128xf32, #tpu.memory_space<vmem>>) offsets(%dma_start3A_82 : memref<32xi32, #tpu.memory_space<vmem>>) semaphore(%arg14 : memref<!tpu.dma_semaphore, #tpu.memory_space<semaphore_mem>>)
        %add3A_86 = arith.constant 4 : i32
        %add3A_87 = arith.addi %mul3A_34, %add3A_86 : i32
        %dma_start3A_88 = arith.constant 4 : i32
        %dma_start3A_89 = arith.constant 0 : i32
        %dma_start3A_90 = arith.constant 0 : i32
        %dma_start3A_91 = tpu.memref_slice %arg9[%dma_start3A_88, %dma_start3A_89, %dma_start3A_90] : memref<6x32x128xf32, #tpu.memory_space<vmem>> -> memref<1x32x128xf32, #tpu.memory_space<vmem>>
        %dma_start3A_92 = tpu.memref_squeeze %dma_start3A_91 : memref<1x32x128xf32, #tpu.memory_space<vmem>> -> memref<32x128xf32, #tpu.memory_space<vmem>>
        %dma_start3A_93 = arith.constant 0 : i32
        %dma_start3A_94 = tpu.memref_slice %arg7[%add3A_87, %dma_start3A_93] : memref<48x32xi32, #tpu.memory_space<vmem>> -> memref<1x32xi32, #tpu.memory_space<vmem>>
        %dma_start3A_95 = tpu.memref_squeeze %dma_start3A_94 : memref<1x32xi32, #tpu.memory_space<vmem>> -> memref<32xi32, #tpu.memory_space<vmem>>
        %dma_start3A_96 = arith.constant 0 : i32
        %dma_start3A_97 = arith.constant 0 : i32
        %dma_start3A_98 = tpu.memref_slice %arg2[%dma_start3A_96, %dma_start3A_97] : memref<10000x128xf32, #tpu.memory_space<hbm>> -> memref<10000x128xf32, #tpu.memory_space<hbm>>
        tpu.enqueue_indirect_dma source(%dma_start3A_98 : memref<10000x128xf32, #tpu.memory_space<hbm>>) target(%dma_start3A_92 : memref<32x128xf32, #tpu.memory_space<vmem>>) offsets(%dma_start3A_95 : memref<32xi32, #tpu.memory_space<vmem>>) semaphore(%arg15 : memref<!tpu.dma_semaphore, #tpu.memory_space<semaphore_mem>>)
        %add3A_99 = arith.constant 5 : i32
        %add3A_100 = arith.addi %mul3A_34, %add3A_99 : i32
        %dma_start3A_101 = arith.constant 5 : i32
        %dma_start3A_102 = arith.constant 0 : i32
        %dma_start3A_103 = arith.constant 0 : i32
        %dma_start3A_104 = tpu.memref_slice %arg9[%dma_start3A_101, %dma_start3A_102, %dma_start3A_103] : memref<6x32x128xf32, #tpu.memory_space<vmem>> -> memref<1x32x128xf32, #tpu.memory_space<vmem>>
        %dma_start3A_105 = tpu.memref_squeeze %dma_start3A_104 : memref<1x32x128xf32, #tpu.memory_space<vmem>> -> memref<32x128xf32, #tpu.memory_space<vmem>>
        %dma_start3A_106 = arith.constant 0 : i32
        %dma_start3A_107 = tpu.memref_slice %arg7[%add3A_100, %dma_start3A_106] : memref<48x32xi32, #tpu.memory_space<vmem>> -> memref<1x32xi32, #tpu.memory_space<vmem>>
        %dma_start3A_108 = tpu.memref_squeeze %dma_start3A_107 : memref<1x32xi32, #tpu.memory_space<vmem>> -> memref<32xi32, #tpu.memory_space<vmem>>
        %dma_start3A_109 = arith.constant 0 : i32
        %dma_start3A_110 = arith.constant 0 : i32
        %dma_start3A_111 = tpu.memref_slice %arg2[%dma_start3A_109, %dma_start3A_110] : memref<10000x128xf32, #tpu.memory_space<hbm>> -> memref<10000x128xf32, #tpu.memory_space<hbm>>
        tpu.enqueue_indirect_dma source(%dma_start3A_111 : memref<10000x128xf32, #tpu.memory_space<hbm>>) target(%dma_start3A_105 : memref<32x128xf32, #tpu.memory_space<vmem>>) offsets(%dma_start3A_108 : memref<32xi32, #tpu.memory_space<vmem>>) semaphore(%arg16 : memref<!tpu.dma_semaphore, #tpu.memory_space<semaphore_mem>>)
        %dma_wait3A = arith.constant 0 : i32
        %dma_wait3A_112 = arith.constant 0 : i32
        %dma_wait3A_113 = arith.constant 0 : i32
        %dma_wait3A_114 = tpu.memref_slice %arg9[%dma_wait3A, %dma_wait3A_112, %dma_wait3A_113] : memref<6x32x128xf32, #tpu.memory_space<vmem>> -> memref<1x32x128xf32, #tpu.memory_space<vmem>>
        %dma_wait3A_115 = tpu.memref_squeeze %dma_wait3A_114 : memref<1x32x128xf32, #tpu.memory_space<vmem>> -> memref<32x128xf32, #tpu.memory_space<vmem>>
        %dma_wait3A_116 = arith.constant 0 : i32
        %dma_wait3A_117 = tpu.memref_slice %arg7[%add3A_36, %dma_wait3A_116] : memref<48x32xi32, #tpu.memory_space<vmem>> -> memref<1x32xi32, #tpu.memory_space<vmem>>
        %dma_wait3A_118 = tpu.memref_squeeze %dma_wait3A_117 : memref<1x32xi32, #tpu.memory_space<vmem>> -> memref<32xi32, #tpu.memory_space<vmem>>
        %dma_wait3A_119 = arith.constant 0 : i32
        %dma_wait3A_120 = arith.constant 0 : i32
        %dma_wait3A_121 = tpu.memref_slice %arg2[%dma_wait3A_119, %dma_wait3A_120] : memref<10000x128xf32, #tpu.memory_space<hbm>> -> memref<10000x128xf32, #tpu.memory_space<hbm>>
        tpu.wait_indirect_dma semaphore(%arg11 : memref<!tpu.dma_semaphore, #tpu.memory_space<semaphore_mem>>) src(%dma_wait3A_121 : memref<10000x128xf32, #tpu.memory_space<hbm>>) dst(%dma_wait3A_115 : memref<32x128xf32, #tpu.memory_space<vmem>>)
        %add3A_122 = arith.constant 0 : i32
        %add3A_123 = arith.addi %mul3A_34, %add3A_122 : i32
        %dma_start3A_124 = arith.constant 0 : i32
        %dma_start3A_125 = arith.constant 0 : i32
        %dma_start3A_126 = arith.constant 0 : i32
        %dma_start3A_127 = tpu.memref_slice %arg9[%dma_start3A_124, %dma_start3A_125, %dma_start3A_126] : memref<6x32x128xf32, #tpu.memory_space<vmem>> -> memref<1x32x128xf32, #tpu.memory_space<vmem>>
        %dma_start3A_128 = tpu.memref_squeeze %dma_start3A_127 : memref<1x32x128xf32, #tpu.memory_space<vmem>> -> memref<32x128xf32, #tpu.memory_space<vmem>>
        %dma_start3A_129 = arith.constant 0 : i32
        %dma_start3A_130 = tpu.memref_slice %arg8[%add3A_123, %dma_start3A_129] : memref<48x32xi32, #tpu.memory_space<vmem>> -> memref<1x32xi32, #tpu.memory_space<vmem>>
        %dma_start3A_131 = tpu.memref_squeeze %dma_start3A_130 : memref<1x32xi32, #tpu.memory_space<vmem>> -> memref<32xi32, #tpu.memory_space<vmem>>
        %dma_start3A_132 = arith.constant 0 : i32
        %dma_start3A_133 = arith.constant 0 : i32
        %dma_start3A_134 = tpu.memref_slice %arg10[%dma_start3A_132, %dma_start3A_133] : memref<10240x128xf32, #tpu.memory_space<vmem_shared>> -> memref<10240x128xf32, #tpu.memory_space<vmem_shared>>
        tpu.enqueue_indirect_dma source(%dma_start3A_128 : memref<32x128xf32, #tpu.memory_space<vmem>>) target(%dma_start3A_134 : memref<10240x128xf32, #tpu.memory_space<vmem_shared>>) offsets(%dma_start3A_131 : memref<32xi32, #tpu.memory_space<vmem>>) semaphore(%arg17 : memref<!tpu.dma_semaphore, #tpu.memory_space<semaphore_mem>>) {add = true}
        %dma_wait3A_135 = arith.constant 1 : i32
        %dma_wait3A_136 = arith.constant 0 : i32
        %dma_wait3A_137 = arith.constant 0 : i32
        %dma_wait3A_138 = tpu.memref_slice %arg9[%dma_wait3A_135, %dma_wait3A_136, %dma_wait3A_137] : memref<6x32x128xf32, #tpu.memory_space<vmem>> -> memref<1x32x128xf32, #tpu.memory_space<vmem>>
        %dma_wait3A_139 = tpu.memref_squeeze %dma_wait3A_138 : memref<1x32x128xf32, #tpu.memory_space<vmem>> -> memref<32x128xf32, #tpu.memory_space<vmem>>
        %dma_wait3A_140 = arith.constant 0 : i32
        %dma_wait3A_141 = tpu.memref_slice %arg7[%add3A_48, %dma_wait3A_140] : memref<48x32xi32, #tpu.memory_space<vmem>> -> memref<1x32xi32, #tpu.memory_space<vmem>>
        %dma_wait3A_142 = tpu.memref_squeeze %dma_wait3A_141 : memref<1x32xi32, #tpu.memory_space<vmem>> -> memref<32xi32, #tpu.memory_space<vmem>>
        %dma_wait3A_143 = arith.constant 0 : i32
        %dma_wait3A_144 = arith.constant 0 : i32
        %dma_wait3A_145 = tpu.memref_slice %arg2[%dma_wait3A_143, %dma_wait3A_144] : memref<10000x128xf32, #tpu.memory_space<hbm>> -> memref<10000x128xf32, #tpu.memory_space<hbm>>
        tpu.wait_indirect_dma semaphore(%arg12 : memref<!tpu.dma_semaphore, #tpu.memory_space<semaphore_mem>>) src(%dma_wait3A_145 : memref<10000x128xf32, #tpu.memory_space<hbm>>) dst(%dma_wait3A_139 : memref<32x128xf32, #tpu.memory_space<vmem>>)
        %add3A_146 = arith.constant 1 : i32
        %add3A_147 = arith.addi %mul3A_34, %add3A_146 : i32
        %dma_start3A_148 = arith.constant 1 : i32
        %dma_start3A_149 = arith.constant 0 : i32
        %dma_start3A_150 = arith.constant 0 : i32
        %dma_start3A_151 = tpu.memref_slice %arg9[%dma_start3A_148, %dma_start3A_149, %dma_start3A_150] : memref<6x32x128xf32, #tpu.memory_space<vmem>> -> memref<1x32x128xf32, #tpu.memory_space<vmem>>
        %dma_start3A_152 = tpu.memref_squeeze %dma_start3A_151 : memref<1x32x128xf32, #tpu.memory_space<vmem>> -> memref<32x128xf32, #tpu.memory_space<vmem>>
        %dma_start3A_153 = arith.constant 0 : i32
        %dma_start3A_154 = tpu.memref_slice %arg8[%add3A_147, %dma_start3A_153] : memref<48x32xi32, #tpu.memory_space<vmem>> -> memref<1x32xi32, #tpu.memory_space<vmem>>
        %dma_start3A_155 = tpu.memref_squeeze %dma_start3A_154 : memref<1x32xi32, #tpu.memory_space<vmem>> -> memref<32xi32, #tpu.memory_space<vmem>>
        %dma_start3A_156 = arith.constant 0 : i32
        %dma_start3A_157 = arith.constant 0 : i32
        %dma_start3A_158 = tpu.memref_slice %arg10[%dma_start3A_156, %dma_start3A_157] : memref<10240x128xf32, #tpu.memory_space<vmem_shared>> -> memref<10240x128xf32, #tpu.memory_space<vmem_shared>>
        tpu.enqueue_indirect_dma source(%dma_start3A_152 : memref<32x128xf32, #tpu.memory_space<vmem>>) target(%dma_start3A_158 : memref<10240x128xf32, #tpu.memory_space<vmem_shared>>) offsets(%dma_start3A_155 : memref<32xi32, #tpu.memory_space<vmem>>) semaphore(%arg18 : memref<!tpu.dma_semaphore, #tpu.memory_space<semaphore_mem>>) {add = true}
        %dma_wait3A_159 = arith.constant 2 : i32
        %dma_wait3A_160 = arith.constant 0 : i32
        %dma_wait3A_161 = arith.constant 0 : i32
        %dma_wait3A_162 = tpu.memref_slice %arg9[%dma_wait3A_159, %dma_wait3A_160, %dma_wait3A_161] : memref<6x32x128xf32, #tpu.memory_space<vmem>> -> memref<1x32x128xf32, #tpu.memory_space<vmem>>
        %dma_wait3A_163 = tpu.memref_squeeze %dma_wait3A_162 : memref<1x32x128xf32, #tpu.memory_space<vmem>> -> memref<32x128xf32, #tpu.memory_space<vmem>>
        %dma_wait3A_164 = arith.constant 0 : i32
        %dma_wait3A_165 = tpu.memref_slice %arg7[%add3A_61, %dma_wait3A_164] : memref<48x32xi32, #tpu.memory_space<vmem>> -> memref<1x32xi32, #tpu.memory_space<vmem>>
        %dma_wait3A_166 = tpu.memref_squeeze %dma_wait3A_165 : memref<1x32xi32, #tpu.memory_space<vmem>> -> memref<32xi32, #tpu.memory_space<vmem>>
        %dma_wait3A_167 = arith.constant 0 : i32
        %dma_wait3A_168 = arith.constant 0 : i32
        %dma_wait3A_169 = tpu.memref_slice %arg2[%dma_wait3A_167, %dma_wait3A_168] : memref<10000x128xf32, #tpu.memory_space<hbm>> -> memref<10000x128xf32, #tpu.memory_space<hbm>>
        tpu.wait_indirect_dma semaphore(%arg13 : memref<!tpu.dma_semaphore, #tpu.memory_space<semaphore_mem>>) src(%dma_wait3A_169 : memref<10000x128xf32, #tpu.memory_space<hbm>>) dst(%dma_wait3A_163 : memref<32x128xf32, #tpu.memory_space<vmem>>)
        %add3A_170 = arith.constant 2 : i32
        %add3A_171 = arith.addi %mul3A_34, %add3A_170 : i32
        %dma_start3A_172 = arith.constant 2 : i32
        %dma_start3A_173 = arith.constant 0 : i32
        %dma_start3A_174 = arith.constant 0 : i32
        %dma_start3A_175 = tpu.memref_slice %arg9[%dma_start3A_172, %dma_start3A_173, %dma_start3A_174] : memref<6x32x128xf32, #tpu.memory_space<vmem>> -> memref<1x32x128xf32, #tpu.memory_space<vmem>>
        %dma_start3A_176 = tpu.memref_squeeze %dma_start3A_175 : memref<1x32x128xf32, #tpu.memory_space<vmem>> -> memref<32x128xf32, #tpu.memory_space<vmem>>
        %dma_start3A_177 = arith.constant 0 : i32
        %dma_start3A_178 = tpu.memref_slice %arg8[%add3A_171, %dma_start3A_177] : memref<48x32xi32, #tpu.memory_space<vmem>> -> memref<1x32xi32, #tpu.memory_space<vmem>>
        %dma_start3A_179 = tpu.memref_squeeze %dma_start3A_178 : memref<1x32xi32, #tpu.memory_space<vmem>> -> memref<32xi32, #tpu.memory_space<vmem>>
        %dma_start3A_180 = arith.constant 0 : i32
        %dma_start3A_181 = arith.constant 0 : i32
        %dma_start3A_182 = tpu.memref_slice %arg10[%dma_start3A_180, %dma_start3A_181] : memref<10240x128xf32, #tpu.memory_space<vmem_shared>> -> memref<10240x128xf32, #tpu.memory_space<vmem_shared>>
        tpu.enqueue_indirect_dma source(%dma_start3A_176 : memref<32x128xf32, #tpu.memory_space<vmem>>) target(%dma_start3A_182 : memref<10240x128xf32, #tpu.memory_space<vmem_shared>>) offsets(%dma_start3A_179 : memref<32xi32, #tpu.memory_space<vmem>>) semaphore(%arg19 : memref<!tpu.dma_semaphore, #tpu.memory_space<semaphore_mem>>) {add = true}
        %dma_wait3A_183 = arith.constant 3 : i32
        %dma_wait3A_184 = arith.constant 0 : i32
        %dma_wait3A_185 = arith.constant 0 : i32
        %dma_wait3A_186 = tpu.memref_slice %arg9[%dma_wait3A_183, %dma_wait3A_184, %dma_wait3A_185] : memref<6x32x128xf32, #tpu.memory_space<vmem>> -> memref<1x32x128xf32, #tpu.memory_space<vmem>>
        %dma_wait3A_187 = tpu.memref_squeeze %dma_wait3A_186 : memref<1x32x128xf32, #tpu.memory_space<vmem>> -> memref<32x128xf32, #tpu.memory_space<vmem>>
        %dma_wait3A_188 = arith.constant 0 : i32
        %dma_wait3A_189 = tpu.memref_slice %arg7[%add3A_74, %dma_wait3A_188] : memref<48x32xi32, #tpu.memory_space<vmem>> -> memref<1x32xi32, #tpu.memory_space<vmem>>
        %dma_wait3A_190 = tpu.memref_squeeze %dma_wait3A_189 : memref<1x32xi32, #tpu.memory_space<vmem>> -> memref<32xi32, #tpu.memory_space<vmem>>
        %dma_wait3A_191 = arith.constant 0 : i32
        %dma_wait3A_192 = arith.constant 0 : i32
        %dma_wait3A_193 = tpu.memref_slice %arg2[%dma_wait3A_191, %dma_wait3A_192] : memref<10000x128xf32, #tpu.memory_space<hbm>> -> memref<10000x128xf32, #tpu.memory_space<hbm>>
        tpu.wait_indirect_dma semaphore(%arg14 : memref<!tpu.dma_semaphore, #tpu.memory_space<semaphore_mem>>) src(%dma_wait3A_193 : memref<10000x128xf32, #tpu.memory_space<hbm>>) dst(%dma_wait3A_187 : memref<32x128xf32, #tpu.memory_space<vmem>>)
        %add3A_194 = arith.constant 3 : i32
        %add3A_195 = arith.addi %mul3A_34, %add3A_194 : i32
        %dma_start3A_196 = arith.constant 3 : i32
        %dma_start3A_197 = arith.constant 0 : i32
        %dma_start3A_198 = arith.constant 0 : i32
        %dma_start3A_199 = tpu.memref_slice %arg9[%dma_start3A_196, %dma_start3A_197, %dma_start3A_198] : memref<6x32x128xf32, #tpu.memory_space<vmem>> -> memref<1x32x128xf32, #tpu.memory_space<vmem>>
        %dma_start3A_200 = tpu.memref_squeeze %dma_start3A_199 : memref<1x32x128xf32, #tpu.memory_space<vmem>> -> memref<32x128xf32, #tpu.memory_space<vmem>>
        %dma_start3A_201 = arith.constant 0 : i32
        %dma_start3A_202 = tpu.memref_slice %arg8[%add3A_195, %dma_start3A_201] : memref<48x32xi32, #tpu.memory_space<vmem>> -> memref<1x32xi32, #tpu.memory_space<vmem>>
        %dma_start3A_203 = tpu.memref_squeeze %dma_start3A_202 : memref<1x32xi32, #tpu.memory_space<vmem>> -> memref<32xi32, #tpu.memory_space<vmem>>
        %dma_start3A_204 = arith.constant 0 : i32
        %dma_start3A_205 = arith.constant 0 : i32
        %dma_start3A_206 = tpu.memref_slice %arg10[%dma_start3A_204, %dma_start3A_205] : memref<10240x128xf32, #tpu.memory_space<vmem_shared>> -> memref<10240x128xf32, #tpu.memory_space<vmem_shared>>
        tpu.enqueue_indirect_dma source(%dma_start3A_200 : memref<32x128xf32, #tpu.memory_space<vmem>>) target(%dma_start3A_206 : memref<10240x128xf32, #tpu.memory_space<vmem_shared>>) offsets(%dma_start3A_203 : memref<32xi32, #tpu.memory_space<vmem>>) semaphore(%arg20 : memref<!tpu.dma_semaphore, #tpu.memory_space<semaphore_mem>>) {add = true}
        %dma_wait3A_207 = arith.constant 4 : i32
        %dma_wait3A_208 = arith.constant 0 : i32
        %dma_wait3A_209 = arith.constant 0 : i32
        %dma_wait3A_210 = tpu.memref_slice %arg9[%dma_wait3A_207, %dma_wait3A_208, %dma_wait3A_209] : memref<6x32x128xf32, #tpu.memory_space<vmem>> -> memref<1x32x128xf32, #tpu.memory_space<vmem>>
        %dma_wait3A_211 = tpu.memref_squeeze %dma_wait3A_210 : memref<1x32x128xf32, #tpu.memory_space<vmem>> -> memref<32x128xf32, #tpu.memory_space<vmem>>
        %dma_wait3A_212 = arith.constant 0 : i32
        %dma_wait3A_213 = tpu.memref_slice %arg7[%add3A_87, %dma_wait3A_212] : memref<48x32xi32, #tpu.memory_space<vmem>> -> memref<1x32xi32, #tpu.memory_space<vmem>>
        %dma_wait3A_214 = tpu.memref_squeeze %dma_wait3A_213 : memref<1x32xi32, #tpu.memory_space<vmem>> -> memref<32xi32, #tpu.memory_space<vmem>>
        %dma_wait3A_215 = arith.constant 0 : i32
        %dma_wait3A_216 = arith.constant 0 : i32
        %dma_wait3A_217 = tpu.memref_slice %arg2[%dma_wait3A_215, %dma_wait3A_216] : memref<10000x128xf32, #tpu.memory_space<hbm>> -> memref<10000x128xf32, #tpu.memory_space<hbm>>
        tpu.wait_indirect_dma semaphore(%arg15 : memref<!tpu.dma_semaphore, #tpu.memory_space<semaphore_mem>>) src(%dma_wait3A_217 : memref<10000x128xf32, #tpu.memory_space<hbm>>) dst(%dma_wait3A_211 : memref<32x128xf32, #tpu.memory_space<vmem>>)
        %add3A_218 = arith.constant 4 : i32
        %add3A_219 = arith.addi %mul3A_34, %add3A_218 : i32
        %dma_start3A_220 = arith.constant 4 : i32
        %dma_start3A_221 = arith.constant 0 : i32
        %dma_start3A_222 = arith.constant 0 : i32
        %dma_start3A_223 = tpu.memref_slice %arg9[%dma_start3A_220, %dma_start3A_221, %dma_start3A_222] : memref<6x32x128xf32, #tpu.memory_space<vmem>> -> memref<1x32x128xf32, #tpu.memory_space<vmem>>
        %dma_start3A_224 = tpu.memref_squeeze %dma_start3A_223 : memref<1x32x128xf32, #tpu.memory_space<vmem>> -> memref<32x128xf32, #tpu.memory_space<vmem>>
        %dma_start3A_225 = arith.constant 0 : i32
        %dma_start3A_226 = tpu.memref_slice %arg8[%add3A_219, %dma_start3A_225] : memref<48x32xi32, #tpu.memory_space<vmem>> -> memref<1x32xi32, #tpu.memory_space<vmem>>
        %dma_start3A_227 = tpu.memref_squeeze %dma_start3A_226 : memref<1x32xi32, #tpu.memory_space<vmem>> -> memref<32xi32, #tpu.memory_space<vmem>>
        %dma_start3A_228 = arith.constant 0 : i32
        %dma_start3A_229 = arith.constant 0 : i32
        %dma_start3A_230 = tpu.memref_slice %arg10[%dma_start3A_228, %dma_start3A_229] : memref<10240x128xf32, #tpu.memory_space<vmem_shared>> -> memref<10240x128xf32, #tpu.memory_space<vmem_shared>>
        tpu.enqueue_indirect_dma source(%dma_start3A_224 : memref<32x128xf32, #tpu.memory_space<vmem>>) target(%dma_start3A_230 : memref<10240x128xf32, #tpu.memory_space<vmem_shared>>) offsets(%dma_start3A_227 : memref<32xi32, #tpu.memory_space<vmem>>) semaphore(%arg21 : memref<!tpu.dma_semaphore, #tpu.memory_space<semaphore_mem>>) {add = true}
        %dma_wait3A_231 = arith.constant 5 : i32
        %dma_wait3A_232 = arith.constant 0 : i32
        %dma_wait3A_233 = arith.constant 0 : i32
        %dma_wait3A_234 = tpu.memref_slice %arg9[%dma_wait3A_231, %dma_wait3A_232, %dma_wait3A_233] : memref<6x32x128xf32, #tpu.memory_space<vmem>> -> memref<1x32x128xf32, #tpu.memory_space<vmem>>
        %dma_wait3A_235 = tpu.memref_squeeze %dma_wait3A_234 : memref<1x32x128xf32, #tpu.memory_space<vmem>> -> memref<32x128xf32, #tpu.memory_space<vmem>>
        %dma_wait3A_236 = arith.constant 0 : i32
        %dma_wait3A_237 = tpu.memref_slice %arg7[%add3A_100, %dma_wait3A_236] : memref<48x32xi32, #tpu.memory_space<vmem>> -> memref<1x32xi32, #tpu.memory_space<vmem>>
        %dma_wait3A_238 = tpu.memref_squeeze %dma_wait3A_237 : memref<1x32xi32, #tpu.memory_space<vmem>> -> memref<32xi32, #tpu.memory_space<vmem>>
        %dma_wait3A_239 = arith.constant 0 : i32
        %dma_wait3A_240 = arith.constant 0 : i32
        %dma_wait3A_241 = tpu.memref_slice %arg2[%dma_wait3A_239, %dma_wait3A_240] : memref<10000x128xf32, #tpu.memory_space<hbm>> -> memref<10000x128xf32, #tpu.memory_space<hbm>>
        tpu.wait_indirect_dma semaphore(%arg16 : memref<!tpu.dma_semaphore, #tpu.memory_space<semaphore_mem>>) src(%dma_wait3A_241 : memref<10000x128xf32, #tpu.memory_space<hbm>>) dst(%dma_wait3A_235 : memref<32x128xf32, #tpu.memory_space<vmem>>)
        %add3A_242 = arith.constant 5 : i32
        %add3A_243 = arith.addi %mul3A_34, %add3A_242 : i32
        %dma_start3A_244 = arith.constant 5 : i32
        %dma_start3A_245 = arith.constant 0 : i32
        %dma_start3A_246 = arith.constant 0 : i32
        %dma_start3A_247 = tpu.memref_slice %arg9[%dma_start3A_244, %dma_start3A_245, %dma_start3A_246] : memref<6x32x128xf32, #tpu.memory_space<vmem>> -> memref<1x32x128xf32, #tpu.memory_space<vmem>>
        %dma_start3A_248 = tpu.memref_squeeze %dma_start3A_247 : memref<1x32x128xf32, #tpu.memory_space<vmem>> -> memref<32x128xf32, #tpu.memory_space<vmem>>
        %dma_start3A_249 = arith.constant 0 : i32
        %dma_start3A_250 = tpu.memref_slice %arg8[%add3A_243, %dma_start3A_249] : memref<48x32xi32, #tpu.memory_space<vmem>> -> memref<1x32xi32, #tpu.memory_space<vmem>>
        %dma_start3A_251 = tpu.memref_squeeze %dma_start3A_250 : memref<1x32xi32, #tpu.memory_space<vmem>> -> memref<32xi32, #tpu.memory_space<vmem>>
        %dma_start3A_252 = arith.constant 0 : i32
        %dma_start3A_253 = arith.constant 0 : i32
        %dma_start3A_254 = tpu.memref_slice %arg10[%dma_start3A_252, %dma_start3A_253] : memref<10240x128xf32, #tpu.memory_space<vmem_shared>> -> memref<10240x128xf32, #tpu.memory_space<vmem_shared>>
        tpu.enqueue_indirect_dma source(%dma_start3A_248 : memref<32x128xf32, #tpu.memory_space<vmem>>) target(%dma_start3A_254 : memref<10240x128xf32, #tpu.memory_space<vmem_shared>>) offsets(%dma_start3A_251 : memref<32xi32, #tpu.memory_space<vmem>>) semaphore(%arg22 : memref<!tpu.dma_semaphore, #tpu.memory_space<semaphore_mem>>) {add = true}
        %dma_wait3A_255 = arith.constant 0 : i32
        %dma_wait3A_256 = arith.constant 0 : i32
        %dma_wait3A_257 = arith.constant 0 : i32
        %dma_wait3A_258 = tpu.memref_slice %arg9[%dma_wait3A_255, %dma_wait3A_256, %dma_wait3A_257] : memref<6x32x128xf32, #tpu.memory_space<vmem>> -> memref<1x32x128xf32, #tpu.memory_space<vmem>>
        %dma_wait3A_259 = tpu.memref_squeeze %dma_wait3A_258 : memref<1x32x128xf32, #tpu.memory_space<vmem>> -> memref<32x128xf32, #tpu.memory_space<vmem>>
        %dma_wait3A_260 = arith.constant 0 : i32
        %dma_wait3A_261 = tpu.memref_slice %arg8[%add3A_123, %dma_wait3A_260] : memref<48x32xi32, #tpu.memory_space<vmem>> -> memref<1x32xi32, #tpu.memory_space<vmem>>
        %dma_wait3A_262 = tpu.memref_squeeze %dma_wait3A_261 : memref<1x32xi32, #tpu.memory_space<vmem>> -> memref<32xi32, #tpu.memory_space<vmem>>
        %dma_wait3A_263 = arith.constant 0 : i32
        %dma_wait3A_264 = arith.constant 0 : i32
        %dma_wait3A_265 = tpu.memref_slice %arg10[%dma_wait3A_263, %dma_wait3A_264] : memref<10240x128xf32, #tpu.memory_space<vmem_shared>> -> memref<10240x128xf32, #tpu.memory_space<vmem_shared>>
        tpu.wait_indirect_dma semaphore(%arg17 : memref<!tpu.dma_semaphore, #tpu.memory_space<semaphore_mem>>) src(%dma_wait3A_259 : memref<32x128xf32, #tpu.memory_space<vmem>>) dst(%dma_wait3A_265 : memref<10240x128xf32, #tpu.memory_space<vmem_shared>>)
        %add3A_266 = arith.constant 6 : i32
        %add3A_267 = arith.addi %mul3A_34, %add3A_266 : i32
        %add3A_268 = arith.constant 0 : i32
        %add3A_269 = arith.addi %add3A_267, %add3A_268 : i32
        %dma_start3A_270 = arith.constant 0 : i32
        %dma_start3A_271 = arith.constant 0 : i32
        %dma_start3A_272 = arith.constant 0 : i32
        %dma_start3A_273 = tpu.memref_slice %arg9[%dma_start3A_270, %dma_start3A_271, %dma_start3A_272] : memref<6x32x128xf32, #tpu.memory_space<vmem>> -> memref<1x32x128xf32, #tpu.memory_space<vmem>>
        %dma_start3A_274 = tpu.memref_squeeze %dma_start3A_273 : memref<1x32x128xf32, #tpu.memory_space<vmem>> -> memref<32x128xf32, #tpu.memory_space<vmem>>
        %dma_start3A_275 = arith.constant 0 : i32
        %dma_start3A_276 = tpu.memref_slice %arg7[%add3A_269, %dma_start3A_275] : memref<48x32xi32, #tpu.memory_space<vmem>> -> memref<1x32xi32, #tpu.memory_space<vmem>>
        %dma_start3A_277 = tpu.memref_squeeze %dma_start3A_276 : memref<1x32xi32, #tpu.memory_space<vmem>> -> memref<32xi32, #tpu.memory_space<vmem>>
        %dma_start3A_278 = arith.constant 0 : i32
        %dma_start3A_279 = arith.constant 0 : i32
        %dma_start3A_280 = tpu.memref_slice %arg2[%dma_start3A_278, %dma_start3A_279] : memref<10000x128xf32, #tpu.memory_space<hbm>> -> memref<10000x128xf32, #tpu.memory_space<hbm>>
        tpu.enqueue_indirect_dma source(%dma_start3A_280 : memref<10000x128xf32, #tpu.memory_space<hbm>>) target(%dma_start3A_274 : memref<32x128xf32, #tpu.memory_space<vmem>>) offsets(%dma_start3A_277 : memref<32xi32, #tpu.memory_space<vmem>>) semaphore(%arg11 : memref<!tpu.dma_semaphore, #tpu.memory_space<semaphore_mem>>)
        %dma_wait3A_281 = arith.constant 1 : i32
        %dma_wait3A_282 = arith.constant 0 : i32
        %dma_wait3A_283 = arith.constant 0 : i32
        %dma_wait3A_284 = tpu.memref_slice %arg9[%dma_wait3A_281, %dma_wait3A_282, %dma_wait3A_283] : memref<6x32x128xf32, #tpu.memory_space<vmem>> -> memref<1x32x128xf32, #tpu.memory_space<vmem>>
        %dma_wait3A_285 = tpu.memref_squeeze %dma_wait3A_284 : memref<1x32x128xf32, #tpu.memory_space<vmem>> -> memref<32x128xf32, #tpu.memory_space<vmem>>
        %dma_wait3A_286 = arith.constant 0 : i32
        %dma_wait3A_287 = tpu.memref_slice %arg8[%add3A_147, %dma_wait3A_286] : memref<48x32xi32, #tpu.memory_space<vmem>> -> memref<1x32xi32, #tpu.memory_space<vmem>>
        %dma_wait3A_288 = tpu.memref_squeeze %dma_wait3A_287 : memref<1x32xi32, #tpu.memory_space<vmem>> -> memref<32xi32, #tpu.memory_space<vmem>>
        %dma_wait3A_289 = arith.constant 0 : i32
        %dma_wait3A_290 = arith.constant 0 : i32
        %dma_wait3A_291 = tpu.memref_slice %arg10[%dma_wait3A_289, %dma_wait3A_290] : memref<10240x128xf32, #tpu.memory_space<vmem_shared>> -> memref<10240x128xf32, #tpu.memory_space<vmem_shared>>
        tpu.wait_indirect_dma semaphore(%arg18 : memref<!tpu.dma_semaphore, #tpu.memory_space<semaphore_mem>>) src(%dma_wait3A_285 : memref<32x128xf32, #tpu.memory_space<vmem>>) dst(%dma_wait3A_291 : memref<10240x128xf32, #tpu.memory_space<vmem_shared>>)
        %add3A_292 = arith.constant 6 : i32
        %add3A_293 = arith.addi %mul3A_34, %add3A_292 : i32
        %add3A_294 = arith.constant 1 : i32
        %add3A_295 = arith.addi %add3A_293, %add3A_294 : i32
        %dma_start3A_296 = arith.constant 1 : i32
        %dma_start3A_297 = arith.constant 0 : i32
        %dma_start3A_298 = arith.constant 0 : i32
        %dma_start3A_299 = tpu.memref_slice %arg9[%dma_start3A_296, %dma_start3A_297, %dma_start3A_298] : memref<6x32x128xf32, #tpu.memory_space<vmem>> -> memref<1x32x128xf32, #tpu.memory_space<vmem>>
        %dma_start3A_300 = tpu.memref_squeeze %dma_start3A_299 : memref<1x32x128xf32, #tpu.memory_space<vmem>> -> memref<32x128xf32, #tpu.memory_space<vmem>>
        %dma_start3A_301 = arith.constant 0 : i32
        %dma_start3A_302 = tpu.memref_slice %arg7[%add3A_295, %dma_start3A_301] : memref<48x32xi32, #tpu.memory_space<vmem>> -> memref<1x32xi32, #tpu.memory_space<vmem>>
        %dma_start3A_303 = tpu.memref_squeeze %dma_start3A_302 : memref<1x32xi32, #tpu.memory_space<vmem>> -> memref<32xi32, #tpu.memory_space<vmem>>
        %dma_start3A_304 = arith.constant 0 : i32
        %dma_start3A_305 = arith.constant 0 : i32
        %dma_start3A_306 = tpu.memref_slice %arg2[%dma_start3A_304, %dma_start3A_305] : memref<10000x128xf32, #tpu.memory_space<hbm>> -> memref<10000x128xf32, #tpu.memory_space<hbm>>
        tpu.enqueue_indirect_dma source(%dma_start3A_306 : memref<10000x128xf32, #tpu.memory_space<hbm>>) target(%dma_start3A_300 : memref<32x128xf32, #tpu.memory_space<vmem>>) offsets(%dma_start3A_303 : memref<32xi32, #tpu.memory_space<vmem>>) semaphore(%arg12 : memref<!tpu.dma_semaphore, #tpu.memory_space<semaphore_mem>>)
        %dma_wait3A_307 = arith.constant 2 : i32
        %dma_wait3A_308 = arith.constant 0 : i32
        %dma_wait3A_309 = arith.constant 0 : i32
        %dma_wait3A_310 = tpu.memref_slice %arg9[%dma_wait3A_307, %dma_wait3A_308, %dma_wait3A_309] : memref<6x32x128xf32, #tpu.memory_space<vmem>> -> memref<1x32x128xf32, #tpu.memory_space<vmem>>
        %dma_wait3A_311 = tpu.memref_squeeze %dma_wait3A_310 : memref<1x32x128xf32, #tpu.memory_space<vmem>> -> memref<32x128xf32, #tpu.memory_space<vmem>>
        %dma_wait3A_312 = arith.constant 0 : i32
        %dma_wait3A_313 = tpu.memref_slice %arg8[%add3A_171, %dma_wait3A_312] : memref<48x32xi32, #tpu.memory_space<vmem>> -> memref<1x32xi32, #tpu.memory_space<vmem>>
        %dma_wait3A_314 = tpu.memref_squeeze %dma_wait3A_313 : memref<1x32xi32, #tpu.memory_space<vmem>> -> memref<32xi32, #tpu.memory_space<vmem>>
        %dma_wait3A_315 = arith.constant 0 : i32
        %dma_wait3A_316 = arith.constant 0 : i32
        %dma_wait3A_317 = tpu.memref_slice %arg10[%dma_wait3A_315, %dma_wait3A_316] : memref<10240x128xf32, #tpu.memory_space<vmem_shared>> -> memref<10240x128xf32, #tpu.memory_space<vmem_shared>>
        tpu.wait_indirect_dma semaphore(%arg19 : memref<!tpu.dma_semaphore, #tpu.memory_space<semaphore_mem>>) src(%dma_wait3A_311 : memref<32x128xf32, #tpu.memory_space<vmem>>) dst(%dma_wait3A_317 : memref<10240x128xf32, #tpu.memory_space<vmem_shared>>)
        %add3A_318 = arith.constant 6 : i32
        %add3A_319 = arith.addi %mul3A_34, %add3A_318 : i32
        %add3A_320 = arith.constant 2 : i32
        %add3A_321 = arith.addi %add3A_319, %add3A_320 : i32
        %dma_start3A_322 = arith.constant 2 : i32
        %dma_start3A_323 = arith.constant 0 : i32
        %dma_start3A_324 = arith.constant 0 : i32
        %dma_start3A_325 = tpu.memref_slice %arg9[%dma_start3A_322, %dma_start3A_323, %dma_start3A_324] : memref<6x32x128xf32, #tpu.memory_space<vmem>> -> memref<1x32x128xf32, #tpu.memory_space<vmem>>
        %dma_start3A_326 = tpu.memref_squeeze %dma_start3A_325 : memref<1x32x128xf32, #tpu.memory_space<vmem>> -> memref<32x128xf32, #tpu.memory_space<vmem>>
        %dma_start3A_327 = arith.constant 0 : i32
        %dma_start3A_328 = tpu.memref_slice %arg7[%add3A_321, %dma_start3A_327] : memref<48x32xi32, #tpu.memory_space<vmem>> -> memref<1x32xi32, #tpu.memory_space<vmem>>
        %dma_start3A_329 = tpu.memref_squeeze %dma_start3A_328 : memref<1x32xi32, #tpu.memory_space<vmem>> -> memref<32xi32, #tpu.memory_space<vmem>>
        %dma_start3A_330 = arith.constant 0 : i32
        %dma_start3A_331 = arith.constant 0 : i32
        %dma_start3A_332 = tpu.memref_slice %arg2[%dma_start3A_330, %dma_start3A_331] : memref<10000x128xf32, #tpu.memory_space<hbm>> -> memref<10000x128xf32, #tpu.memory_space<hbm>>
        tpu.enqueue_indirect_dma source(%dma_start3A_332 : memref<10000x128xf32, #tpu.memory_space<hbm>>) target(%dma_start3A_326 : memref<32x128xf32, #tpu.memory_space<vmem>>) offsets(%dma_start3A_329 : memref<32xi32, #tpu.memory_space<vmem>>) semaphore(%arg13 : memref<!tpu.dma_semaphore, #tpu.memory_space<semaphore_mem>>)
        %dma_wait3A_333 = arith.constant 3 : i32
        %dma_wait3A_334 = arith.constant 0 : i32
        %dma_wait3A_335 = arith.constant 0 : i32
        %dma_wait3A_336 = tpu.memref_slice %arg9[%dma_wait3A_333, %dma_wait3A_334, %dma_wait3A_335] : memref<6x32x128xf32, #tpu.memory_space<vmem>> -> memref<1x32x128xf32, #tpu.memory_space<vmem>>
        %dma_wait3A_337 = tpu.memref_squeeze %dma_wait3A_336 : memref<1x32x128xf32, #tpu.memory_space<vmem>> -> memref<32x128xf32, #tpu.memory_space<vmem>>
        %dma_wait3A_338 = arith.constant 0 : i32
        %dma_wait3A_339 = tpu.memref_slice %arg8[%add3A_195, %dma_wait3A_338] : memref<48x32xi32, #tpu.memory_space<vmem>> -> memref<1x32xi32, #tpu.memory_space<vmem>>
        %dma_wait3A_340 = tpu.memref_squeeze %dma_wait3A_339 : memref<1x32xi32, #tpu.memory_space<vmem>> -> memref<32xi32, #tpu.memory_space<vmem>>
        %dma_wait3A_341 = arith.constant 0 : i32
        %dma_wait3A_342 = arith.constant 0 : i32
        %dma_wait3A_343 = tpu.memref_slice %arg10[%dma_wait3A_341, %dma_wait3A_342] : memref<10240x128xf32, #tpu.memory_space<vmem_shared>> -> memref<10240x128xf32, #tpu.memory_space<vmem_shared>>
        tpu.wait_indirect_dma semaphore(%arg20 : memref<!tpu.dma_semaphore, #tpu.memory_space<semaphore_mem>>) src(%dma_wait3A_337 : memref<32x128xf32, #tpu.memory_space<vmem>>) dst(%dma_wait3A_343 : memref<10240x128xf32, #tpu.memory_space<vmem_shared>>)
        %add3A_344 = arith.constant 6 : i32
        %add3A_345 = arith.addi %mul3A_34, %add3A_344 : i32
        %add3A_346 = arith.constant 3 : i32
        %add3A_347 = arith.addi %add3A_345, %add3A_346 : i32
        %dma_start3A_348 = arith.constant 3 : i32
        %dma_start3A_349 = arith.constant 0 : i32
        %dma_start3A_350 = arith.constant 0 : i32
        %dma_start3A_351 = tpu.memref_slice %arg9[%dma_start3A_348, %dma_start3A_349, %dma_start3A_350] : memref<6x32x128xf32, #tpu.memory_space<vmem>> -> memref<1x32x128xf32, #tpu.memory_space<vmem>>
        %dma_start3A_352 = tpu.memref_squeeze %dma_start3A_351 : memref<1x32x128xf32, #tpu.memory_space<vmem>> -> memref<32x128xf32, #tpu.memory_space<vmem>>
        %dma_start3A_353 = arith.constant 0 : i32
        %dma_start3A_354 = tpu.memref_slice %arg7[%add3A_347, %dma_start3A_353] : memref<48x32xi32, #tpu.memory_space<vmem>> -> memref<1x32xi32, #tpu.memory_space<vmem>>
        %dma_start3A_355 = tpu.memref_squeeze %dma_start3A_354 : memref<1x32xi32, #tpu.memory_space<vmem>> -> memref<32xi32, #tpu.memory_space<vmem>>
        %dma_start3A_356 = arith.constant 0 : i32
        %dma_start3A_357 = arith.constant 0 : i32
        %dma_start3A_358 = tpu.memref_slice %arg2[%dma_start3A_356, %dma_start3A_357] : memref<10000x128xf32, #tpu.memory_space<hbm>> -> memref<10000x128xf32, #tpu.memory_space<hbm>>
        tpu.enqueue_indirect_dma source(%dma_start3A_358 : memref<10000x128xf32, #tpu.memory_space<hbm>>) target(%dma_start3A_352 : memref<32x128xf32, #tpu.memory_space<vmem>>) offsets(%dma_start3A_355 : memref<32xi32, #tpu.memory_space<vmem>>) semaphore(%arg14 : memref<!tpu.dma_semaphore, #tpu.memory_space<semaphore_mem>>)
        %dma_wait3A_359 = arith.constant 4 : i32
        %dma_wait3A_360 = arith.constant 0 : i32
        %dma_wait3A_361 = arith.constant 0 : i32
        %dma_wait3A_362 = tpu.memref_slice %arg9[%dma_wait3A_359, %dma_wait3A_360, %dma_wait3A_361] : memref<6x32x128xf32, #tpu.memory_space<vmem>> -> memref<1x32x128xf32, #tpu.memory_space<vmem>>
        %dma_wait3A_363 = tpu.memref_squeeze %dma_wait3A_362 : memref<1x32x128xf32, #tpu.memory_space<vmem>> -> memref<32x128xf32, #tpu.memory_space<vmem>>
        %dma_wait3A_364 = arith.constant 0 : i32
        %dma_wait3A_365 = tpu.memref_slice %arg8[%add3A_219, %dma_wait3A_364] : memref<48x32xi32, #tpu.memory_space<vmem>> -> memref<1x32xi32, #tpu.memory_space<vmem>>
        %dma_wait3A_366 = tpu.memref_squeeze %dma_wait3A_365 : memref<1x32xi32, #tpu.memory_space<vmem>> -> memref<32xi32, #tpu.memory_space<vmem>>
        %dma_wait3A_367 = arith.constant 0 : i32
        %dma_wait3A_368 = arith.constant 0 : i32
        %dma_wait3A_369 = tpu.memref_slice %arg10[%dma_wait3A_367, %dma_wait3A_368] : memref<10240x128xf32, #tpu.memory_space<vmem_shared>> -> memref<10240x128xf32, #tpu.memory_space<vmem_shared>>
        tpu.wait_indirect_dma semaphore(%arg21 : memref<!tpu.dma_semaphore, #tpu.memory_space<semaphore_mem>>) src(%dma_wait3A_363 : memref<32x128xf32, #tpu.memory_space<vmem>>) dst(%dma_wait3A_369 : memref<10240x128xf32, #tpu.memory_space<vmem_shared>>)
        %add3A_370 = arith.constant 6 : i32
        %add3A_371 = arith.addi %mul3A_34, %add3A_370 : i32
        %add3A_372 = arith.constant 4 : i32
        %add3A_373 = arith.addi %add3A_371, %add3A_372 : i32
        %dma_start3A_374 = arith.constant 4 : i32
        %dma_start3A_375 = arith.constant 0 : i32
        %dma_start3A_376 = arith.constant 0 : i32
        %dma_start3A_377 = tpu.memref_slice %arg9[%dma_start3A_374, %dma_start3A_375, %dma_start3A_376] : memref<6x32x128xf32, #tpu.memory_space<vmem>> -> memref<1x32x128xf32, #tpu.memory_space<vmem>>
        %dma_start3A_378 = tpu.memref_squeeze %dma_start3A_377 : memref<1x32x128xf32, #tpu.memory_space<vmem>> -> memref<32x128xf32, #tpu.memory_space<vmem>>
        %dma_start3A_379 = arith.constant 0 : i32
        %dma_start3A_380 = tpu.memref_slice %arg7[%add3A_373, %dma_start3A_379] : memref<48x32xi32, #tpu.memory_space<vmem>> -> memref<1x32xi32, #tpu.memory_space<vmem>>
        %dma_start3A_381 = tpu.memref_squeeze %dma_start3A_380 : memref<1x32xi32, #tpu.memory_space<vmem>> -> memref<32xi32, #tpu.memory_space<vmem>>
        %dma_start3A_382 = arith.constant 0 : i32
        %dma_start3A_383 = arith.constant 0 : i32
        %dma_start3A_384 = tpu.memref_slice %arg2[%dma_start3A_382, %dma_start3A_383] : memref<10000x128xf32, #tpu.memory_space<hbm>> -> memref<10000x128xf32, #tpu.memory_space<hbm>>
        tpu.enqueue_indirect_dma source(%dma_start3A_384 : memref<10000x128xf32, #tpu.memory_space<hbm>>) target(%dma_start3A_378 : memref<32x128xf32, #tpu.memory_space<vmem>>) offsets(%dma_start3A_381 : memref<32xi32, #tpu.memory_space<vmem>>) semaphore(%arg15 : memref<!tpu.dma_semaphore, #tpu.memory_space<semaphore_mem>>)
        %dma_wait3A_385 = arith.constant 5 : i32
        %dma_wait3A_386 = arith.constant 0 : i32
        %dma_wait3A_387 = arith.constant 0 : i32
        %dma_wait3A_388 = tpu.memref_slice %arg9[%dma_wait3A_385, %dma_wait3A_386, %dma_wait3A_387] : memref<6x32x128xf32, #tpu.memory_space<vmem>> -> memref<1x32x128xf32, #tpu.memory_space<vmem>>
        %dma_wait3A_389 = tpu.memref_squeeze %dma_wait3A_388 : memref<1x32x128xf32, #tpu.memory_space<vmem>> -> memref<32x128xf32, #tpu.memory_space<vmem>>
        %dma_wait3A_390 = arith.constant 0 : i32
        %dma_wait3A_391 = tpu.memref_slice %arg8[%add3A_243, %dma_wait3A_390] : memref<48x32xi32, #tpu.memory_space<vmem>> -> memref<1x32xi32, #tpu.memory_space<vmem>>
        %dma_wait3A_392 = tpu.memref_squeeze %dma_wait3A_391 : memref<1x32xi32, #tpu.memory_space<vmem>> -> memref<32xi32, #tpu.memory_space<vmem>>
        %dma_wait3A_393 = arith.constant 0 : i32
        %dma_wait3A_394 = arith.constant 0 : i32
        %dma_wait3A_395 = tpu.memref_slice %arg10[%dma_wait3A_393, %dma_wait3A_394] : memref<10240x128xf32, #tpu.memory_space<vmem_shared>> -> memref<10240x128xf32, #tpu.memory_space<vmem_shared>>
        tpu.wait_indirect_dma semaphore(%arg22 : memref<!tpu.dma_semaphore, #tpu.memory_space<semaphore_mem>>) src(%dma_wait3A_389 : memref<32x128xf32, #tpu.memory_space<vmem>>) dst(%dma_wait3A_395 : memref<10240x128xf32, #tpu.memory_space<vmem_shared>>)
        %add3A_396 = arith.constant 6 : i32
        %add3A_397 = arith.addi %mul3A_34, %add3A_396 : i32
        %add3A_398 = arith.constant 5 : i32
        %add3A_399 = arith.addi %add3A_397, %add3A_398 : i32
        %dma_start3A_400 = arith.constant 5 : i32
        %dma_start3A_401 = arith.constant 0 : i32
        %dma_start3A_402 = arith.constant 0 : i32
        %dma_start3A_403 = tpu.memref_slice %arg9[%dma_start3A_400, %dma_start3A_401, %dma_start3A_402] : memref<6x32x128xf32, #tpu.memory_space<vmem>> -> memref<1x32x128xf32, #tpu.memory_space<vmem>>
        %dma_start3A_404 = tpu.memref_squeeze %dma_start3A_403 : memref<1x32x128xf32, #tpu.memory_space<vmem>> -> memref<32x128xf32, #tpu.memory_space<vmem>>
        %dma_start3A_405 = arith.constant 0 : i32
        %dma_start3A_406 = tpu.memref_slice %arg7[%add3A_399, %dma_start3A_405] : memref<48x32xi32, #tpu.memory_space<vmem>> -> memref<1x32xi32, #tpu.memory_space<vmem>>
        %dma_start3A_407 = tpu.memref_squeeze %dma_start3A_406 : memref<1x32xi32, #tpu.memory_space<vmem>> -> memref<32xi32, #tpu.memory_space<vmem>>
        %dma_start3A_408 = arith.constant 0 : i32
        %dma_start3A_409 = arith.constant 0 : i32
        %dma_start3A_410 = tpu.memref_slice %arg2[%dma_start3A_408, %dma_start3A_409] : memref<10000x128xf32, #tpu.memory_space<hbm>> -> memref<10000x128xf32, #tpu.memory_space<hbm>>
        tpu.enqueue_indirect_dma source(%dma_start3A_410 : memref<10000x128xf32, #tpu.memory_space<hbm>>) target(%dma_start3A_404 : memref<32x128xf32, #tpu.memory_space<vmem>>) offsets(%dma_start3A_407 : memref<32xi32, #tpu.memory_space<vmem>>) semaphore(%arg16 : memref<!tpu.dma_semaphore, #tpu.memory_space<semaphore_mem>>)
        %dma_wait3A_411 = arith.constant 0 : i32
        %dma_wait3A_412 = arith.constant 0 : i32
        %dma_wait3A_413 = arith.constant 0 : i32
        %dma_wait3A_414 = tpu.memref_slice %arg9[%dma_wait3A_411, %dma_wait3A_412, %dma_wait3A_413] : memref<6x32x128xf32, #tpu.memory_space<vmem>> -> memref<1x32x128xf32, #tpu.memory_space<vmem>>
        %dma_wait3A_415 = tpu.memref_squeeze %dma_wait3A_414 : memref<1x32x128xf32, #tpu.memory_space<vmem>> -> memref<32x128xf32, #tpu.memory_space<vmem>>
        %dma_wait3A_416 = arith.constant 0 : i32
        %dma_wait3A_417 = tpu.memref_slice %arg7[%add3A_269, %dma_wait3A_416] : memref<48x32xi32, #tpu.memory_space<vmem>> -> memref<1x32xi32, #tpu.memory_space<vmem>>
        %dma_wait3A_418 = tpu.memref_squeeze %dma_wait3A_417 : memref<1x32xi32, #tpu.memory_space<vmem>> -> memref<32xi32, #tpu.memory_space<vmem>>
        %dma_wait3A_419 = arith.constant 0 : i32
        %dma_wait3A_420 = arith.constant 0 : i32
        %dma_wait3A_421 = tpu.memref_slice %arg2[%dma_wait3A_419, %dma_wait3A_420] : memref<10000x128xf32, #tpu.memory_space<hbm>> -> memref<10000x128xf32, #tpu.memory_space<hbm>>
        tpu.wait_indirect_dma semaphore(%arg11 : memref<!tpu.dma_semaphore, #tpu.memory_space<semaphore_mem>>) src(%dma_wait3A_421 : memref<10000x128xf32, #tpu.memory_space<hbm>>) dst(%dma_wait3A_415 : memref<32x128xf32, #tpu.memory_space<vmem>>)
        %add3A_422 = arith.constant 6 : i32
        %add3A_423 = arith.addi %mul3A_34, %add3A_422 : i32
        %add3A_424 = arith.constant 0 : i32
        %add3A_425 = arith.addi %add3A_423, %add3A_424 : i32
        %dma_start3A_426 = arith.constant 0 : i32
        %dma_start3A_427 = arith.constant 0 : i32
        %dma_start3A_428 = arith.constant 0 : i32
        %dma_start3A_429 = tpu.memref_slice %arg9[%dma_start3A_426, %dma_start3A_427, %dma_start3A_428] : memref<6x32x128xf32, #tpu.memory_space<vmem>> -> memref<1x32x128xf32, #tpu.memory_space<vmem>>
        %dma_start3A_430 = tpu.memref_squeeze %dma_start3A_429 : memref<1x32x128xf32, #tpu.memory_space<vmem>> -> memref<32x128xf32, #tpu.memory_space<vmem>>
        %dma_start3A_431 = arith.constant 0 : i32
        %dma_start3A_432 = tpu.memref_slice %arg8[%add3A_425, %dma_start3A_431] : memref<48x32xi32, #tpu.memory_space<vmem>> -> memref<1x32xi32, #tpu.memory_space<vmem>>
        %dma_start3A_433 = tpu.memref_squeeze %dma_start3A_432 : memref<1x32xi32, #tpu.memory_space<vmem>> -> memref<32xi32, #tpu.memory_space<vmem>>
        %dma_start3A_434 = arith.constant 0 : i32
        %dma_start3A_435 = arith.constant 0 : i32
        %dma_start3A_436 = tpu.memref_slice %arg10[%dma_start3A_434, %dma_start3A_435] : memref<10240x128xf32, #tpu.memory_space<vmem_shared>> -> memref<10240x128xf32, #tpu.memory_space<vmem_shared>>
        tpu.enqueue_indirect_dma source(%dma_start3A_430 : memref<32x128xf32, #tpu.memory_space<vmem>>) target(%dma_start3A_436 : memref<10240x128xf32, #tpu.memory_space<vmem_shared>>) offsets(%dma_start3A_433 : memref<32xi32, #tpu.memory_space<vmem>>) semaphore(%arg17 : memref<!tpu.dma_semaphore, #tpu.memory_space<semaphore_mem>>) {add = true}
        %dma_wait3A_437 = arith.constant 1 : i32
        %dma_wait3A_438 = arith.constant 0 : i32
        %dma_wait3A_439 = arith.constant 0 : i32
        %dma_wait3A_440 = tpu.memref_slice %arg9[%dma_wait3A_437, %dma_wait3A_438, %dma_wait3A_439] : memref<6x32x128xf32, #tpu.memory_space<vmem>> -> memref<1x32x128xf32, #tpu.memory_space<vmem>>
        %dma_wait3A_441 = tpu.memref_squeeze %dma_wait3A_440 : memref<1x32x128xf32, #tpu.memory_space<vmem>> -> memref<32x128xf32, #tpu.memory_space<vmem>>
        %dma_wait3A_442 = arith.constant 0 : i32
        %dma_wait3A_443 = tpu.memref_slice %arg7[%add3A_295, %dma_wait3A_442] : memref<48x32xi32, #tpu.memory_space<vmem>> -> memref<1x32xi32, #tpu.memory_space<vmem>>
        %dma_wait3A_444 = tpu.memref_squeeze %dma_wait3A_443 : memref<1x32xi32, #tpu.memory_space<vmem>> -> memref<32xi32, #tpu.memory_space<vmem>>
        %dma_wait3A_445 = arith.constant 0 : i32
        %dma_wait3A_446 = arith.constant 0 : i32
        %dma_wait3A_447 = tpu.memref_slice %arg2[%dma_wait3A_445, %dma_wait3A_446] : memref<10000x128xf32, #tpu.memory_space<hbm>> -> memref<10000x128xf32, #tpu.memory_space<hbm>>
        tpu.wait_indirect_dma semaphore(%arg12 : memref<!tpu.dma_semaphore, #tpu.memory_space<semaphore_mem>>) src(%dma_wait3A_447 : memref<10000x128xf32, #tpu.memory_space<hbm>>) dst(%dma_wait3A_441 : memref<32x128xf32, #tpu.memory_space<vmem>>)
        %add3A_448 = arith.constant 6 : i32
        %add3A_449 = arith.addi %mul3A_34, %add3A_448 : i32
        %add3A_450 = arith.constant 1 : i32
        %add3A_451 = arith.addi %add3A_449, %add3A_450 : i32
        %dma_start3A_452 = arith.constant 1 : i32
        %dma_start3A_453 = arith.constant 0 : i32
        %dma_start3A_454 = arith.constant 0 : i32
        %dma_start3A_455 = tpu.memref_slice %arg9[%dma_start3A_452, %dma_start3A_453, %dma_start3A_454] : memref<6x32x128xf32, #tpu.memory_space<vmem>> -> memref<1x32x128xf32, #tpu.memory_space<vmem>>
        %dma_start3A_456 = tpu.memref_squeeze %dma_start3A_455 : memref<1x32x128xf32, #tpu.memory_space<vmem>> -> memref<32x128xf32, #tpu.memory_space<vmem>>
        %dma_start3A_457 = arith.constant 0 : i32
        %dma_start3A_458 = tpu.memref_slice %arg8[%add3A_451, %dma_start3A_457] : memref<48x32xi32, #tpu.memory_space<vmem>> -> memref<1x32xi32, #tpu.memory_space<vmem>>
        %dma_start3A_459 = tpu.memref_squeeze %dma_start3A_458 : memref<1x32xi32, #tpu.memory_space<vmem>> -> memref<32xi32, #tpu.memory_space<vmem>>
        %dma_start3A_460 = arith.constant 0 : i32
        %dma_start3A_461 = arith.constant 0 : i32
        %dma_start3A_462 = tpu.memref_slice %arg10[%dma_start3A_460, %dma_start3A_461] : memref<10240x128xf32, #tpu.memory_space<vmem_shared>> -> memref<10240x128xf32, #tpu.memory_space<vmem_shared>>
        tpu.enqueue_indirect_dma source(%dma_start3A_456 : memref<32x128xf32, #tpu.memory_space<vmem>>) target(%dma_start3A_462 : memref<10240x128xf32, #tpu.memory_space<vmem_shared>>) offsets(%dma_start3A_459 : memref<32xi32, #tpu.memory_space<vmem>>) semaphore(%arg18 : memref<!tpu.dma_semaphore, #tpu.memory_space<semaphore_mem>>) {add = true}
        %dma_wait3A_463 = arith.constant 2 : i32
        %dma_wait3A_464 = arith.constant 0 : i32
        %dma_wait3A_465 = arith.constant 0 : i32
        %dma_wait3A_466 = tpu.memref_slice %arg9[%dma_wait3A_463, %dma_wait3A_464, %dma_wait3A_465] : memref<6x32x128xf32, #tpu.memory_space<vmem>> -> memref<1x32x128xf32, #tpu.memory_space<vmem>>
        %dma_wait3A_467 = tpu.memref_squeeze %dma_wait3A_466 : memref<1x32x128xf32, #tpu.memory_space<vmem>> -> memref<32x128xf32, #tpu.memory_space<vmem>>
        %dma_wait3A_468 = arith.constant 0 : i32
        %dma_wait3A_469 = tpu.memref_slice %arg7[%add3A_321, %dma_wait3A_468] : memref<48x32xi32, #tpu.memory_space<vmem>> -> memref<1x32xi32, #tpu.memory_space<vmem>>
        %dma_wait3A_470 = tpu.memref_squeeze %dma_wait3A_469 : memref<1x32xi32, #tpu.memory_space<vmem>> -> memref<32xi32, #tpu.memory_space<vmem>>
        %dma_wait3A_471 = arith.constant 0 : i32
        %dma_wait3A_472 = arith.constant 0 : i32
        %dma_wait3A_473 = tpu.memref_slice %arg2[%dma_wait3A_471, %dma_wait3A_472] : memref<10000x128xf32, #tpu.memory_space<hbm>> -> memref<10000x128xf32, #tpu.memory_space<hbm>>
        tpu.wait_indirect_dma semaphore(%arg13 : memref<!tpu.dma_semaphore, #tpu.memory_space<semaphore_mem>>) src(%dma_wait3A_473 : memref<10000x128xf32, #tpu.memory_space<hbm>>) dst(%dma_wait3A_467 : memref<32x128xf32, #tpu.memory_space<vmem>>)
        %add3A_474 = arith.constant 6 : i32
        %add3A_475 = arith.addi %mul3A_34, %add3A_474 : i32
        %add3A_476 = arith.constant 2 : i32
        %add3A_477 = arith.addi %add3A_475, %add3A_476 : i32
        %dma_start3A_478 = arith.constant 2 : i32
        %dma_start3A_479 = arith.constant 0 : i32
        %dma_start3A_480 = arith.constant 0 : i32
        %dma_start3A_481 = tpu.memref_slice %arg9[%dma_start3A_478, %dma_start3A_479, %dma_start3A_480] : memref<6x32x128xf32, #tpu.memory_space<vmem>> -> memref<1x32x128xf32, #tpu.memory_space<vmem>>
        %dma_start3A_482 = tpu.memref_squeeze %dma_start3A_481 : memref<1x32x128xf32, #tpu.memory_space<vmem>> -> memref<32x128xf32, #tpu.memory_space<vmem>>
        %dma_start3A_483 = arith.constant 0 : i32
        %dma_start3A_484 = tpu.memref_slice %arg8[%add3A_477, %dma_start3A_483] : memref<48x32xi32, #tpu.memory_space<vmem>> -> memref<1x32xi32, #tpu.memory_space<vmem>>
        %dma_start3A_485 = tpu.memref_squeeze %dma_start3A_484 : memref<1x32xi32, #tpu.memory_space<vmem>> -> memref<32xi32, #tpu.memory_space<vmem>>
        %dma_start3A_486 = arith.constant 0 : i32
        %dma_start3A_487 = arith.constant 0 : i32
        %dma_start3A_488 = tpu.memref_slice %arg10[%dma_start3A_486, %dma_start3A_487] : memref<10240x128xf32, #tpu.memory_space<vmem_shared>> -> memref<10240x128xf32, #tpu.memory_space<vmem_shared>>
        tpu.enqueue_indirect_dma source(%dma_start3A_482 : memref<32x128xf32, #tpu.memory_space<vmem>>) target(%dma_start3A_488 : memref<10240x128xf32, #tpu.memory_space<vmem_shared>>) offsets(%dma_start3A_485 : memref<32xi32, #tpu.memory_space<vmem>>) semaphore(%arg19 : memref<!tpu.dma_semaphore, #tpu.memory_space<semaphore_mem>>) {add = true}
        %dma_wait3A_489 = arith.constant 3 : i32
        %dma_wait3A_490 = arith.constant 0 : i32
        %dma_wait3A_491 = arith.constant 0 : i32
        %dma_wait3A_492 = tpu.memref_slice %arg9[%dma_wait3A_489, %dma_wait3A_490, %dma_wait3A_491] : memref<6x32x128xf32, #tpu.memory_space<vmem>> -> memref<1x32x128xf32, #tpu.memory_space<vmem>>
        %dma_wait3A_493 = tpu.memref_squeeze %dma_wait3A_492 : memref<1x32x128xf32, #tpu.memory_space<vmem>> -> memref<32x128xf32, #tpu.memory_space<vmem>>
        %dma_wait3A_494 = arith.constant 0 : i32
        %dma_wait3A_495 = tpu.memref_slice %arg7[%add3A_347, %dma_wait3A_494] : memref<48x32xi32, #tpu.memory_space<vmem>> -> memref<1x32xi32, #tpu.memory_space<vmem>>
        %dma_wait3A_496 = tpu.memref_squeeze %dma_wait3A_495 : memref<1x32xi32, #tpu.memory_space<vmem>> -> memref<32xi32, #tpu.memory_space<vmem>>
        %dma_wait3A_497 = arith.constant 0 : i32
        %dma_wait3A_498 = arith.constant 0 : i32
        %dma_wait3A_499 = tpu.memref_slice %arg2[%dma_wait3A_497, %dma_wait3A_498] : memref<10000x128xf32, #tpu.memory_space<hbm>> -> memref<10000x128xf32, #tpu.memory_space<hbm>>
        tpu.wait_indirect_dma semaphore(%arg14 : memref<!tpu.dma_semaphore, #tpu.memory_space<semaphore_mem>>) src(%dma_wait3A_499 : memref<10000x128xf32, #tpu.memory_space<hbm>>) dst(%dma_wait3A_493 : memref<32x128xf32, #tpu.memory_space<vmem>>)
        %add3A_500 = arith.constant 6 : i32
        %add3A_501 = arith.addi %mul3A_34, %add3A_500 : i32
        %add3A_502 = arith.constant 3 : i32
        %add3A_503 = arith.addi %add3A_501, %add3A_502 : i32
        %dma_start3A_504 = arith.constant 3 : i32
        %dma_start3A_505 = arith.constant 0 : i32
        %dma_start3A_506 = arith.constant 0 : i32
        %dma_start3A_507 = tpu.memref_slice %arg9[%dma_start3A_504, %dma_start3A_505, %dma_start3A_506] : memref<6x32x128xf32, #tpu.memory_space<vmem>> -> memref<1x32x128xf32, #tpu.memory_space<vmem>>
        %dma_start3A_508 = tpu.memref_squeeze %dma_start3A_507 : memref<1x32x128xf32, #tpu.memory_space<vmem>> -> memref<32x128xf32, #tpu.memory_space<vmem>>
        %dma_start3A_509 = arith.constant 0 : i32
        %dma_start3A_510 = tpu.memref_slice %arg8[%add3A_503, %dma_start3A_509] : memref<48x32xi32, #tpu.memory_space<vmem>> -> memref<1x32xi32, #tpu.memory_space<vmem>>
        %dma_start3A_511 = tpu.memref_squeeze %dma_start3A_510 : memref<1x32xi32, #tpu.memory_space<vmem>> -> memref<32xi32, #tpu.memory_space<vmem>>
        %dma_start3A_512 = arith.constant 0 : i32
        %dma_start3A_513 = arith.constant 0 : i32
        %dma_start3A_514 = tpu.memref_slice %arg10[%dma_start3A_512, %dma_start3A_513] : memref<10240x128xf32, #tpu.memory_space<vmem_shared>> -> memref<10240x128xf32, #tpu.memory_space<vmem_shared>>
        tpu.enqueue_indirect_dma source(%dma_start3A_508 : memref<32x128xf32, #tpu.memory_space<vmem>>) target(%dma_start3A_514 : memref<10240x128xf32, #tpu.memory_space<vmem_shared>>) offsets(%dma_start3A_511 : memref<32xi32, #tpu.memory_space<vmem>>) semaphore(%arg20 : memref<!tpu.dma_semaphore, #tpu.memory_space<semaphore_mem>>) {add = true}
        %dma_wait3A_515 = arith.constant 4 : i32
        %dma_wait3A_516 = arith.constant 0 : i32
        %dma_wait3A_517 = arith.constant 0 : i32
        %dma_wait3A_518 = tpu.memref_slice %arg9[%dma_wait3A_515, %dma_wait3A_516, %dma_wait3A_517] : memref<6x32x128xf32, #tpu.memory_space<vmem>> -> memref<1x32x128xf32, #tpu.memory_space<vmem>>
        %dma_wait3A_519 = tpu.memref_squeeze %dma_wait3A_518 : memref<1x32x128xf32, #tpu.memory_space<vmem>> -> memref<32x128xf32, #tpu.memory_space<vmem>>
        %dma_wait3A_520 = arith.constant 0 : i32
        %dma_wait3A_521 = tpu.memref_slice %arg7[%add3A_373, %dma_wait3A_520] : memref<48x32xi32, #tpu.memory_space<vmem>> -> memref<1x32xi32, #tpu.memory_space<vmem>>
        %dma_wait3A_522 = tpu.memref_squeeze %dma_wait3A_521 : memref<1x32xi32, #tpu.memory_space<vmem>> -> memref<32xi32, #tpu.memory_space<vmem>>
        %dma_wait3A_523 = arith.constant 0 : i32
        %dma_wait3A_524 = arith.constant 0 : i32
        %dma_wait3A_525 = tpu.memref_slice %arg2[%dma_wait3A_523, %dma_wait3A_524] : memref<10000x128xf32, #tpu.memory_space<hbm>> -> memref<10000x128xf32, #tpu.memory_space<hbm>>
        tpu.wait_indirect_dma semaphore(%arg15 : memref<!tpu.dma_semaphore, #tpu.memory_space<semaphore_mem>>) src(%dma_wait3A_525 : memref<10000x128xf32, #tpu.memory_space<hbm>>) dst(%dma_wait3A_519 : memref<32x128xf32, #tpu.memory_space<vmem>>)
        %add3A_526 = arith.constant 6 : i32
        %add3A_527 = arith.addi %mul3A_34, %add3A_526 : i32
        %add3A_528 = arith.constant 4 : i32
        %add3A_529 = arith.addi %add3A_527, %add3A_528 : i32
        %dma_start3A_530 = arith.constant 4 : i32
        %dma_start3A_531 = arith.constant 0 : i32
        %dma_start3A_532 = arith.constant 0 : i32
        %dma_start3A_533 = tpu.memref_slice %arg9[%dma_start3A_530, %dma_start3A_531, %dma_start3A_532] : memref<6x32x128xf32, #tpu.memory_space<vmem>> -> memref<1x32x128xf32, #tpu.memory_space<vmem>>
        %dma_start3A_534 = tpu.memref_squeeze %dma_start3A_533 : memref<1x32x128xf32, #tpu.memory_space<vmem>> -> memref<32x128xf32, #tpu.memory_space<vmem>>
        %dma_start3A_535 = arith.constant 0 : i32
        %dma_start3A_536 = tpu.memref_slice %arg8[%add3A_529, %dma_start3A_535] : memref<48x32xi32, #tpu.memory_space<vmem>> -> memref<1x32xi32, #tpu.memory_space<vmem>>
        %dma_start3A_537 = tpu.memref_squeeze %dma_start3A_536 : memref<1x32xi32, #tpu.memory_space<vmem>> -> memref<32xi32, #tpu.memory_space<vmem>>
        %dma_start3A_538 = arith.constant 0 : i32
        %dma_start3A_539 = arith.constant 0 : i32
        %dma_start3A_540 = tpu.memref_slice %arg10[%dma_start3A_538, %dma_start3A_539] : memref<10240x128xf32, #tpu.memory_space<vmem_shared>> -> memref<10240x128xf32, #tpu.memory_space<vmem_shared>>
        tpu.enqueue_indirect_dma source(%dma_start3A_534 : memref<32x128xf32, #tpu.memory_space<vmem>>) target(%dma_start3A_540 : memref<10240x128xf32, #tpu.memory_space<vmem_shared>>) offsets(%dma_start3A_537 : memref<32xi32, #tpu.memory_space<vmem>>) semaphore(%arg21 : memref<!tpu.dma_semaphore, #tpu.memory_space<semaphore_mem>>) {add = true}
        %dma_wait3A_541 = arith.constant 5 : i32
        %dma_wait3A_542 = arith.constant 0 : i32
        %dma_wait3A_543 = arith.constant 0 : i32
        %dma_wait3A_544 = tpu.memref_slice %arg9[%dma_wait3A_541, %dma_wait3A_542, %dma_wait3A_543] : memref<6x32x128xf32, #tpu.memory_space<vmem>> -> memref<1x32x128xf32, #tpu.memory_space<vmem>>
        %dma_wait3A_545 = tpu.memref_squeeze %dma_wait3A_544 : memref<1x32x128xf32, #tpu.memory_space<vmem>> -> memref<32x128xf32, #tpu.memory_space<vmem>>
        %dma_wait3A_546 = arith.constant 0 : i32
        %dma_wait3A_547 = tpu.memref_slice %arg7[%add3A_399, %dma_wait3A_546] : memref<48x32xi32, #tpu.memory_space<vmem>> -> memref<1x32xi32, #tpu.memory_space<vmem>>
        %dma_wait3A_548 = tpu.memref_squeeze %dma_wait3A_547 : memref<1x32xi32, #tpu.memory_space<vmem>> -> memref<32xi32, #tpu.memory_space<vmem>>
        %dma_wait3A_549 = arith.constant 0 : i32
        %dma_wait3A_550 = arith.constant 0 : i32
        %dma_wait3A_551 = tpu.memref_slice %arg2[%dma_wait3A_549, %dma_wait3A_550] : memref<10000x128xf32, #tpu.memory_space<hbm>> -> memref<10000x128xf32, #tpu.memory_space<hbm>>
        tpu.wait_indirect_dma semaphore(%arg16 : memref<!tpu.dma_semaphore, #tpu.memory_space<semaphore_mem>>) src(%dma_wait3A_551 : memref<10000x128xf32, #tpu.memory_space<hbm>>) dst(%dma_wait3A_545 : memref<32x128xf32, #tpu.memory_space<vmem>>)
        %add3A_552 = arith.constant 6 : i32
        %add3A_553 = arith.addi %mul3A_34, %add3A_552 : i32
        %add3A_554 = arith.constant 5 : i32
        %add3A_555 = arith.addi %add3A_553, %add3A_554 : i32
        %dma_start3A_556 = arith.constant 5 : i32
        %dma_start3A_557 = arith.constant 0 : i32
        %dma_start3A_558 = arith.constant 0 : i32
        %dma_start3A_559 = tpu.memref_slice %arg9[%dma_start3A_556, %dma_start3A_557, %dma_start3A_558] : memref<6x32x128xf32, #tpu.memory_space<vmem>> -> memref<1x32x128xf32, #tpu.memory_space<vmem>>
        %dma_start3A_560 = tpu.memref_squeeze %dma_start3A_559 : memref<1x32x128xf32, #tpu.memory_space<vmem>> -> memref<32x128xf32, #tpu.memory_space<vmem>>
        %dma_start3A_561 = arith.constant 0 : i32
        %dma_start3A_562 = tpu.memref_slice %arg8[%add3A_555, %dma_start3A_561] : memref<48x32xi32, #tpu.memory_space<vmem>> -> memref<1x32xi32, #tpu.memory_space<vmem>>
        %dma_start3A_563 = tpu.memref_squeeze %dma_start3A_562 : memref<1x32xi32, #tpu.memory_space<vmem>> -> memref<32xi32, #tpu.memory_space<vmem>>
        %dma_start3A_564 = arith.constant 0 : i32
        %dma_start3A_565 = arith.constant 0 : i32
        %dma_start3A_566 = tpu.memref_slice %arg10[%dma_start3A_564, %dma_start3A_565] : memref<10240x128xf32, #tpu.memory_space<vmem_shared>> -> memref<10240x128xf32, #tpu.memory_space<vmem_shared>>
        tpu.enqueue_indirect_dma source(%dma_start3A_560 : memref<32x128xf32, #tpu.memory_space<vmem>>) target(%dma_start3A_566 : memref<10240x128xf32, #tpu.memory_space<vmem_shared>>) offsets(%dma_start3A_563 : memref<32xi32, #tpu.memory_space<vmem>>) semaphore(%arg22 : memref<!tpu.dma_semaphore, #tpu.memory_space<semaphore_mem>>) {add = true}
        %dma_wait3A_567 = arith.constant 0 : i32
        %dma_wait3A_568 = arith.constant 0 : i32
        %dma_wait3A_569 = arith.constant 0 : i32
        %dma_wait3A_570 = tpu.memref_slice %arg9[%dma_wait3A_567, %dma_wait3A_568, %dma_wait3A_569] : memref<6x32x128xf32, #tpu.memory_space<vmem>> -> memref<1x32x128xf32, #tpu.memory_space<vmem>>
        %dma_wait3A_571 = tpu.memref_squeeze %dma_wait3A_570 : memref<1x32x128xf32, #tpu.memory_space<vmem>> -> memref<32x128xf32, #tpu.memory_space<vmem>>
        %dma_wait3A_572 = arith.constant 0 : i32
        %dma_wait3A_573 = tpu.memref_slice %arg8[%add3A_425, %dma_wait3A_572] : memref<48x32xi32, #tpu.memory_space<vmem>> -> memref<1x32xi32, #tpu.memory_space<vmem>>
        %dma_wait3A_574 = tpu.memref_squeeze %dma_wait3A_573 : memref<1x32xi32, #tpu.memory_space<vmem>> -> memref<32xi32, #tpu.memory_space<vmem>>
        %dma_wait3A_575 = arith.constant 0 : i32
        %dma_wait3A_576 = arith.constant 0 : i32
        %dma_wait3A_577 = tpu.memref_slice %arg10[%dma_wait3A_575, %dma_wait3A_576] : memref<10240x128xf32, #tpu.memory_space<vmem_shared>> -> memref<10240x128xf32, #tpu.memory_space<vmem_shared>>
        tpu.wait_indirect_dma semaphore(%arg17 : memref<!tpu.dma_semaphore, #tpu.memory_space<semaphore_mem>>) src(%dma_wait3A_571 : memref<32x128xf32, #tpu.memory_space<vmem>>) dst(%dma_wait3A_577 : memref<10240x128xf32, #tpu.memory_space<vmem_shared>>)
        %dma_wait3A_578 = arith.constant 1 : i32
        %dma_wait3A_579 = arith.constant 0 : i32
        %dma_wait3A_580 = arith.constant 0 : i32
        %dma_wait3A_581 = tpu.memref_slice %arg9[%dma_wait3A_578, %dma_wait3A_579, %dma_wait3A_580] : memref<6x32x128xf32, #tpu.memory_space<vmem>> -> memref<1x32x128xf32, #tpu.memory_space<vmem>>
        %dma_wait3A_582 = tpu.memref_squeeze %dma_wait3A_581 : memref<1x32x128xf32, #tpu.memory_space<vmem>> -> memref<32x128xf32, #tpu.memory_space<vmem>>
        %dma_wait3A_583 = arith.constant 0 : i32
        %dma_wait3A_584 = tpu.memref_slice %arg8[%add3A_451, %dma_wait3A_583] : memref<48x32xi32, #tpu.memory_space<vmem>> -> memref<1x32xi32, #tpu.memory_space<vmem>>
        %dma_wait3A_585 = tpu.memref_squeeze %dma_wait3A_584 : memref<1x32xi32, #tpu.memory_space<vmem>> -> memref<32xi32, #tpu.memory_space<vmem>>
        %dma_wait3A_586 = arith.constant 0 : i32
        %dma_wait3A_587 = arith.constant 0 : i32
        %dma_wait3A_588 = tpu.memref_slice %arg10[%dma_wait3A_586, %dma_wait3A_587] : memref<10240x128xf32, #tpu.memory_space<vmem_shared>> -> memref<10240x128xf32, #tpu.memory_space<vmem_shared>>
        tpu.wait_indirect_dma semaphore(%arg18 : memref<!tpu.dma_semaphore, #tpu.memory_space<semaphore_mem>>) src(%dma_wait3A_582 : memref<32x128xf32, #tpu.memory_space<vmem>>) dst(%dma_wait3A_588 : memref<10240x128xf32, #tpu.memory_space<vmem_shared>>)
        %dma_wait3A_589 = arith.constant 2 : i32
        %dma_wait3A_590 = arith.constant 0 : i32
        %dma_wait3A_591 = arith.constant 0 : i32
        %dma_wait3A_592 = tpu.memref_slice %arg9[%dma_wait3A_589, %dma_wait3A_590, %dma_wait3A_591] : memref<6x32x128xf32, #tpu.memory_space<vmem>> -> memref<1x32x128xf32, #tpu.memory_space<vmem>>
        %dma_wait3A_593 = tpu.memref_squeeze %dma_wait3A_592 : memref<1x32x128xf32, #tpu.memory_space<vmem>> -> memref<32x128xf32, #tpu.memory_space<vmem>>
        %dma_wait3A_594 = arith.constant 0 : i32
        %dma_wait3A_595 = tpu.memref_slice %arg8[%add3A_477, %dma_wait3A_594] : memref<48x32xi32, #tpu.memory_space<vmem>> -> memref<1x32xi32, #tpu.memory_space<vmem>>
        %dma_wait3A_596 = tpu.memref_squeeze %dma_wait3A_595 : memref<1x32xi32, #tpu.memory_space<vmem>> -> memref<32xi32, #tpu.memory_space<vmem>>
        %dma_wait3A_597 = arith.constant 0 : i32
        %dma_wait3A_598 = arith.constant 0 : i32
        %dma_wait3A_599 = tpu.memref_slice %arg10[%dma_wait3A_597, %dma_wait3A_598] : memref<10240x128xf32, #tpu.memory_space<vmem_shared>> -> memref<10240x128xf32, #tpu.memory_space<vmem_shared>>
        tpu.wait_indirect_dma semaphore(%arg19 : memref<!tpu.dma_semaphore, #tpu.memory_space<semaphore_mem>>) src(%dma_wait3A_593 : memref<32x128xf32, #tpu.memory_space<vmem>>) dst(%dma_wait3A_599 : memref<10240x128xf32, #tpu.memory_space<vmem_shared>>)
        %dma_wait3A_600 = arith.constant 3 : i32
        %dma_wait3A_601 = arith.constant 0 : i32
        %dma_wait3A_602 = arith.constant 0 : i32
        %dma_wait3A_603 = tpu.memref_slice %arg9[%dma_wait3A_600, %dma_wait3A_601, %dma_wait3A_602] : memref<6x32x128xf32, #tpu.memory_space<vmem>> -> memref<1x32x128xf32, #tpu.memory_space<vmem>>
        %dma_wait3A_604 = tpu.memref_squeeze %dma_wait3A_603 : memref<1x32x128xf32, #tpu.memory_space<vmem>> -> memref<32x128xf32, #tpu.memory_space<vmem>>
        %dma_wait3A_605 = arith.constant 0 : i32
        %dma_wait3A_606 = tpu.memref_slice %arg8[%add3A_503, %dma_wait3A_605] : memref<48x32xi32, #tpu.memory_space<vmem>> -> memref<1x32xi32, #tpu.memory_space<vmem>>
        %dma_wait3A_607 = tpu.memref_squeeze %dma_wait3A_606 : memref<1x32xi32, #tpu.memory_space<vmem>> -> memref<32xi32, #tpu.memory_space<vmem>>
        %dma_wait3A_608 = arith.constant 0 : i32
        %dma_wait3A_609 = arith.constant 0 : i32
        %dma_wait3A_610 = tpu.memref_slice %arg10[%dma_wait3A_608, %dma_wait3A_609] : memref<10240x128xf32, #tpu.memory_space<vmem_shared>> -> memref<10240x128xf32, #tpu.memory_space<vmem_shared>>
        tpu.wait_indirect_dma semaphore(%arg20 : memref<!tpu.dma_semaphore, #tpu.memory_space<semaphore_mem>>) src(%dma_wait3A_604 : memref<32x128xf32, #tpu.memory_space<vmem>>) dst(%dma_wait3A_610 : memref<10240x128xf32, #tpu.memory_space<vmem_shared>>)
        %dma_wait3A_611 = arith.constant 4 : i32
        %dma_wait3A_612 = arith.constant 0 : i32
        %dma_wait3A_613 = arith.constant 0 : i32
        %dma_wait3A_614 = tpu.memref_slice %arg9[%dma_wait3A_611, %dma_wait3A_612, %dma_wait3A_613] : memref<6x32x128xf32, #tpu.memory_space<vmem>> -> memref<1x32x128xf32, #tpu.memory_space<vmem>>
        %dma_wait3A_615 = tpu.memref_squeeze %dma_wait3A_614 : memref<1x32x128xf32, #tpu.memory_space<vmem>> -> memref<32x128xf32, #tpu.memory_space<vmem>>
        %dma_wait3A_616 = arith.constant 0 : i32
        %dma_wait3A_617 = tpu.memref_slice %arg8[%add3A_529, %dma_wait3A_616] : memref<48x32xi32, #tpu.memory_space<vmem>> -> memref<1x32xi32, #tpu.memory_space<vmem>>
        %dma_wait3A_618 = tpu.memref_squeeze %dma_wait3A_617 : memref<1x32xi32, #tpu.memory_space<vmem>> -> memref<32xi32, #tpu.memory_space<vmem>>
        %dma_wait3A_619 = arith.constant 0 : i32
        %dma_wait3A_620 = arith.constant 0 : i32
        %dma_wait3A_621 = tpu.memref_slice %arg10[%dma_wait3A_619, %dma_wait3A_620] : memref<10240x128xf32, #tpu.memory_space<vmem_shared>> -> memref<10240x128xf32, #tpu.memory_space<vmem_shared>>
        tpu.wait_indirect_dma semaphore(%arg21 : memref<!tpu.dma_semaphore, #tpu.memory_space<semaphore_mem>>) src(%dma_wait3A_615 : memref<32x128xf32, #tpu.memory_space<vmem>>) dst(%dma_wait3A_621 : memref<10240x128xf32, #tpu.memory_space<vmem_shared>>)
        %dma_wait3A_622 = arith.constant 5 : i32
        %dma_wait3A_623 = arith.constant 0 : i32
        %dma_wait3A_624 = arith.constant 0 : i32
        %dma_wait3A_625 = tpu.memref_slice %arg9[%dma_wait3A_622, %dma_wait3A_623, %dma_wait3A_624] : memref<6x32x128xf32, #tpu.memory_space<vmem>> -> memref<1x32x128xf32, #tpu.memory_space<vmem>>
        %dma_wait3A_626 = tpu.memref_squeeze %dma_wait3A_625 : memref<1x32x128xf32, #tpu.memory_space<vmem>> -> memref<32x128xf32, #tpu.memory_space<vmem>>
        %dma_wait3A_627 = arith.constant 0 : i32
        %dma_wait3A_628 = tpu.memref_slice %arg8[%add3A_555, %dma_wait3A_627] : memref<48x32xi32, #tpu.memory_space<vmem>> -> memref<1x32xi32, #tpu.memory_space<vmem>>
        %dma_wait3A_629 = tpu.memref_squeeze %dma_wait3A_628 : memref<1x32xi32, #tpu.memory_space<vmem>> -> memref<32xi32, #tpu.memory_space<vmem>>
        %dma_wait3A_630 = arith.constant 0 : i32
        %dma_wait3A_631 = arith.constant 0 : i32
        %dma_wait3A_632 = tpu.memref_slice %arg10[%dma_wait3A_630, %dma_wait3A_631] : memref<10240x128xf32, #tpu.memory_space<vmem_shared>> -> memref<10240x128xf32, #tpu.memory_space<vmem_shared>>
        tpu.wait_indirect_dma semaphore(%arg22 : memref<!tpu.dma_semaphore, #tpu.memory_space<semaphore_mem>>) src(%dma_wait3A_626 : memref<32x128xf32, #tpu.memory_space<vmem>>) dst(%dma_wait3A_632 : memref<10240x128xf32, #tpu.memory_space<vmem_shared>>)
      }
      %scan3A_25 = arith.constant 4 : i32
    }
    %scan3A_6 = arith.constant 7 : i32
    %barrier3A_7 = arith.constant 0 : index
    tpu.barrier barrier_id(%barrier3A_7)
    %mul3A_8 = arith.constant 10240 : i32
    %mul3A_9 = arith.muli %arg0, %mul3A_8 : i32
    %add3A_10 = arith.addi %mul3A_9, %mul3A_2 : i32
    "tpu.region"() ({
      %run_scoped3A = tpu.sem_alloc : memref<!tpu.dma_semaphore, #tpu.memory_space<semaphore_mem>>
      %dma_start3A = arith.constant 0 : i32
      %dma_start3A_11 = tpu.memref_slice %arg6[%add3A_10, %dma_start3A] : memref<20480x128xf32, #tpu.memory_space<hbm>> -> memref<640x128xf32, #tpu.memory_space<hbm>>
      %dma_start3A_12 = arith.constant 0 : i32
      %dma_start3A_13 = tpu.memref_slice %arg10[%mul3A_2, %dma_start3A_12] : memref<10240x128xf32, #tpu.memory_space<vmem_shared>> -> memref<640x128xf32, #tpu.memory_space<vmem_shared>>
      tpu.enqueue_dma source(%dma_start3A_13 : memref<640x128xf32, #tpu.memory_space<vmem_shared>>) target(%dma_start3A_11 : memref<640x128xf32, #tpu.memory_space<hbm>>) target_semaphore(%run_scoped3A : memref<!tpu.dma_semaphore, #tpu.memory_space<semaphore_mem>>)
      %dma_wait3A = arith.constant 0 : i32
      %dma_wait3A_14 = tpu.memref_slice %arg6[%add3A_10, %dma_wait3A] : memref<20480x128xf32, #tpu.memory_space<hbm>> -> memref<640x128xf32, #tpu.memory_space<hbm>>
      %dma_wait3A_15 = arith.constant 0 : i32
      %dma_wait3A_16 = tpu.memref_slice %arg10[%mul3A_2, %dma_wait3A_15] : memref<10240x128xf32, #tpu.memory_space<vmem_shared>> -> memref<640x128xf32, #tpu.memory_space<vmem_shared>>
      tpu.wait_dma2 semaphore(%run_scoped3A : memref<!tpu.dma_semaphore, #tpu.memory_space<semaphore_mem>>) src(%dma_wait3A_16 : memref<640x128xf32, #tpu.memory_space<vmem_shared>>) dst(%dma_wait3A_14 : memref<640x128xf32, #tpu.memory_space<hbm>>)
      tpu.yield
    }) : () -> ()
    return
  }
}

module attributes {stable_mosaic.version = 14 : i64} {
  func.func @body(%arg0: i32, %arg1: memref<2x2048x128xf32, #tpu.memory_space<vmem>>, %arg2: memref<32x2048xf32, #tpu.memory_space<vmem>>, %arg3: memref<2048x128xf32, #tpu.memory_space<vmem>>, %arg4: memref<128x128xf32, #tpu.memory_space<vmem>>, %arg5: memref<128x128xf32, #tpu.memory_space<vmem>>, %arg6: memref<1x128xf32, #tpu.memory_space<vmem>>, %arg7: memref<2048x128xf32, #tpu.memory_space<vmem>>) attributes {dimension_semantics = [#tpu.dimension_semantics<arbitrary>], iteration_bounds = array<i64: 5>, scalar_prefetch = 0 : i64, scratch_operands = 0 : i64, tpu.core_type = #tpu.core_type<tc>, window_params = [{transform_indices = @transform_0, window_bounds = array<i64: 2, 2048, 128>}, {transform_indices = @transform_1, window_bounds = array<i64: 32, 2048>}, {transform_indices = @transform_2, window_bounds = array<i64: 2048, 128>}, {pipeline_mode = #tpu.pipeline_mode<synchronous>, transform_indices = @transform_3, window_bounds = array<i64: 128, 128>}, {pipeline_mode = #tpu.pipeline_mode<synchronous>, transform_indices = @transform_4, window_bounds = array<i64: 128, 128>}, {pipeline_mode = #tpu.pipeline_mode<synchronous>, transform_indices = @transform_5, window_bounds = array<i64: 1, 128>}, {transform_indices = @transform_6, window_bounds = array<i64: 2048, 128>}]} {
    %get3A = arith.constant 0 : index
    %get3A_0 = arith.constant 0 : index
    %get3A_1 = arith.constant 0 : index
    %get3A_2 = vector.load %arg1[%get3A, %get3A_0, %get3A_1] : memref<2x2048x128xf32, #tpu.memory_space<vmem>>, vector<1x2048x128xf32>
    %get3A_3 = vector.shape_cast %get3A_2 : vector<1x2048x128xf32> to vector<2048x128xf32>
    %get3A_4 = arith.constant 1 : index
    %get3A_5 = arith.constant 0 : index
    %get3A_6 = arith.constant 0 : index
    %get3A_7 = vector.load %arg1[%get3A_4, %get3A_5, %get3A_6] : memref<2x2048x128xf32, #tpu.memory_space<vmem>>, vector<1x2048x128xf32>
    %get3A_8 = vector.shape_cast %get3A_7 : vector<1x2048x128xf32> to vector<2048x128xf32>
    %add3A = arith.addf %get3A_3, %get3A_8 : vector<2048x128xf32>
    %broadcast_in_dim3A = arith.constant 1.000000e+00 : f32
    %broadcast_in_dim3A_9 = vector.broadcast %broadcast_in_dim3A : f32 to vector<32x1xf32>
    %get3A_10 = arith.constant 0 : index
    %get3A_11 = arith.constant 0 : index
    %get3A_12 = vector.load %arg2[%get3A_10, %get3A_11] : memref<32x2048xf32, #tpu.memory_space<vmem>>, vector<32x2048xf32>
    %dot_general3A = arith.constant dense<0.000000e+00> : vector<2048x1xf32>
    %dot_general3A_13 = tpu.matmul %get3A_12, %broadcast_in_dim3A_9, %dot_general3A {dimension_numbers = #tpu.dot_dimension_numbers<[0], [0], [1], [1], [0, 1, 1, 1], [], []>, transpose_lhs_hint = false} : vector<32x2048xf32>, vector<32x1xf32>, vector<2048x1xf32> -> vector<2048x1xf32>
    %max3A = arith.constant 1.000000e+00 : f32
    %max3A_14 = vector.broadcast %max3A : f32 to vector<2048x1xf32>
    %max3A_15 = arith.maximumf %dot_general3A_13, %max3A_14 : vector<2048x1xf32>
    %div3A = arith.constant 1.000000e+00 : f32
    %div3A_16 = vector.broadcast %div3A : f32 to vector<2048x1xf32>
    %div3A_17 = arith.divf %div3A_16, %max3A_15 : vector<2048x1xf32>
    %mul3A = vector.broadcast %div3A_17 : vector<2048x1xf32> to vector<2048x128xf32>
    %mul3A_18 = arith.mulf %add3A, %mul3A : vector<2048x128xf32>
    %get3A_19 = arith.constant 0 : index
    %get3A_20 = arith.constant 0 : index
    %get3A_21 = vector.load %arg4[%get3A_19, %get3A_20] : memref<128x128xf32, #tpu.memory_space<vmem>>, vector<128x128xf32>
    %dot_general3A_22 = arith.constant dense<0.000000e+00> : vector<2048x128xf32>
    %dot_general3A_23 = tpu.matmul %mul3A_18, %get3A_21, %dot_general3A_22 {dimension_numbers = #tpu.dot_dimension_numbers<[1], [1], [0], [0], [0, 0, 1, 0], [], []>, transpose_lhs_hint = false} : vector<2048x128xf32>, vector<128x128xf32>, vector<2048x128xf32> -> vector<2048x128xf32>
    %get3A_24 = arith.constant 0 : index
    %get3A_25 = arith.constant 0 : index
    %get3A_26 = vector.load %arg3[%get3A_24, %get3A_25] : memref<2048x128xf32, #tpu.memory_space<vmem>>, vector<2048x128xf32>
    %get3A_27 = arith.constant 0 : index
    %get3A_28 = arith.constant 0 : index
    %get3A_29 = vector.load %arg5[%get3A_27, %get3A_28] : memref<128x128xf32, #tpu.memory_space<vmem>>, vector<128x128xf32>
    %dot_general3A_30 = arith.constant dense<0.000000e+00> : vector<2048x128xf32>
    %dot_general3A_31 = tpu.matmul %get3A_26, %get3A_29, %dot_general3A_30 {dimension_numbers = #tpu.dot_dimension_numbers<[1], [1], [0], [0], [0, 0, 1, 0], [], []>, transpose_lhs_hint = false} : vector<2048x128xf32>, vector<128x128xf32>, vector<2048x128xf32> -> vector<2048x128xf32>
    %add3A_32 = arith.addf %dot_general3A_23, %dot_general3A_31 : vector<2048x128xf32>
    %get3A_33 = arith.constant 0 : index
    %get3A_34 = arith.constant 0 : index
    %get3A_35 = vector.load %arg6[%get3A_33, %get3A_34] : memref<1x128xf32, #tpu.memory_space<vmem>>, vector<1x128xf32>
    %add3A_36 = vector.broadcast %get3A_35 : vector<1x128xf32> to vector<2048x128xf32>
    %add3A_37 = arith.addf %add3A_32, %add3A_36 : vector<2048x128xf32>
    %max3A_38 = arith.constant 0.000000e+00 : f32
    %max3A_39 = vector.broadcast %max3A_38 : f32 to vector<2048x128xf32>
    %max3A_40 = arith.maximumf %add3A_37, %max3A_39 : vector<2048x128xf32>
    %swap3A = arith.constant 0 : index
    %swap3A_41 = arith.constant 0 : index
    %swap3A_42 = vector.load %arg7[%swap3A, %swap3A_41] : memref<2048x128xf32, #tpu.memory_space<vmem>>, vector<2048x128xf32>
    tpu.vector_store %arg7[%swap3A, %swap3A_41], %max3A_40 {strides = array<i32>} : memref<2048x128xf32, #tpu.memory_space<vmem>>, vector<2048x128xf32>,
    return
  }
  func.func @transform_0(%arg0: i32) -> (i32, i32, i32) {
    %c0_i32 = arith.constant 0 : i32
    %c0_i32_0 = arith.constant 0 : i32
    %c0_i32_1 = arith.constant 0 : i32
    return %c0_i32, %arg0, %c0_i32_0 : i32, i32, i32
  }
  func.func @transform_1(%arg0: i32) -> (i32, i32) {
    %c0_i32 = arith.constant 0 : i32
    %c0_i32_0 = arith.constant 0 : i32
    return %c0_i32, %arg0 : i32, i32
  }
  func.func @transform_2(%arg0: i32) -> (i32, i32) {
    %c0_i32 = arith.constant 0 : i32
    %c0_i32_0 = arith.constant 0 : i32
    return %arg0, %c0_i32 : i32, i32
  }
  func.func @transform_3(%arg0: i32) -> (i32, i32) {
    %c0_i32 = arith.constant 0 : i32
    %c0_i32_0 = arith.constant 0 : i32
    %c0_i32_1 = arith.constant 0 : i32
    return %c0_i32, %c0_i32_0 : i32, i32
  }
  func.func @transform_4(%arg0: i32) -> (i32, i32) {
    %c0_i32 = arith.constant 0 : i32
    %c0_i32_0 = arith.constant 0 : i32
    %c0_i32_1 = arith.constant 0 : i32
    return %c0_i32, %c0_i32_0 : i32, i32
  }
  func.func @transform_5(%arg0: i32) -> (i32, i32) {
    %c0_i32 = arith.constant 0 : i32
    %c0_i32_0 = arith.constant 0 : i32
    %c0_i32_1 = arith.constant 0 : i32
    return %c0_i32, %c0_i32_0 : i32, i32
  }
  func.func @transform_6(%arg0: i32) -> (i32, i32) {
    %c0_i32 = arith.constant 0 : i32
    %c0_i32_0 = arith.constant 0 : i32
    return %arg0, %c0_i32 : i32, i32
  }
}

module attributes {stable_mosaic.version = 14 : i64} {
  func.func @body(%arg0: i32, %arg1: memref<2x2048x128xf32, #tpu.memory_space<vmem>>, %arg2: memref<32x2048xf32, #tpu.memory_space<vmem>>, %arg3: memref<2048x128xf32, #tpu.memory_space<vmem>>, %arg4: memref<128x128xf32, #tpu.memory_space<vmem>>, %arg5: memref<128x128xf32, #tpu.memory_space<vmem>>, %arg6: memref<1x128xf32, #tpu.memory_space<vmem>>, %arg7: memref<2048x128xf32, #tpu.memory_space<vmem>>) attributes {dimension_semantics = [#tpu.dimension_semantics<arbitrary>], iteration_bounds = array<i64: 5>, scalar_prefetch = 0 : i64, scratch_operands = 0 : i64, tpu.core_type = #tpu.core_type<tc>, window_params = [{transform_indices = @transform_0, window_bounds = array<i64: 2, 2048, 128>}, {transform_indices = @transform_1, window_bounds = array<i64: 32, 2048>}, {transform_indices = @transform_2, window_bounds = array<i64: 2048, 128>}, {pipeline_mode = #tpu.pipeline_mode<synchronous>, transform_indices = @transform_3, window_bounds = array<i64: 128, 128>}, {pipeline_mode = #tpu.pipeline_mode<synchronous>, transform_indices = @transform_4, window_bounds = array<i64: 128, 128>}, {pipeline_mode = #tpu.pipeline_mode<synchronous>, transform_indices = @transform_5, window_bounds = array<i64: 1, 128>}, {transform_indices = @transform_6, window_bounds = array<i64: 2048, 128>}]} {
    %get3A = arith.constant 0 : index
    %get3A_0 = arith.constant 0 : index
    %get3A_1 = arith.constant 0 : index
    %get3A_2 = vector.load %arg1[%get3A, %get3A_0, %get3A_1] : memref<2x2048x128xf32, #tpu.memory_space<vmem>>, vector<1x2048x128xf32>
    %get3A_3 = vector.shape_cast %get3A_2 : vector<1x2048x128xf32> to vector<2048x128xf32>
    %get3A_4 = arith.constant 1 : index
    %get3A_5 = arith.constant 0 : index
    %get3A_6 = arith.constant 0 : index
    %get3A_7 = vector.load %arg1[%get3A_4, %get3A_5, %get3A_6] : memref<2x2048x128xf32, #tpu.memory_space<vmem>>, vector<1x2048x128xf32>
    %get3A_8 = vector.shape_cast %get3A_7 : vector<1x2048x128xf32> to vector<2048x128xf32>
    %add3A = arith.addf %get3A_3, %get3A_8 : vector<2048x128xf32>
    %broadcast_in_dim3A = arith.constant 1.000000e+00 : f32
    %broadcast_in_dim3A_9 = vector.broadcast %broadcast_in_dim3A : f32 to vector<32x1xf32>
    %get3A_10 = arith.constant 0 : index
    %get3A_11 = arith.constant 0 : index
    %get3A_12 = vector.load %arg2[%get3A_10, %get3A_11] : memref<32x2048xf32, #tpu.memory_space<vmem>>, vector<32x2048xf32>
    %dot_general3A = arith.constant dense<0.000000e+00> : vector<2048x1xf32>
    %dot_general3A_13 = tpu.matmul %get3A_12, %broadcast_in_dim3A_9, %dot_general3A {dimension_numbers = #tpu.dot_dimension_numbers<[0], [0], [1], [1], [0, 1, 1, 1], [], []>, transpose_lhs_hint = false} : vector<32x2048xf32>, vector<32x1xf32>, vector<2048x1xf32> -> vector<2048x1xf32>
    %max3A = arith.constant 1.000000e+00 : f32
    %max3A_14 = vector.broadcast %max3A : f32 to vector<2048x1xf32>
    %max3A_15 = arith.maximumf %dot_general3A_13, %max3A_14 : vector<2048x1xf32>
    %div3A = arith.constant 1.000000e+00 : f32
    %div3A_16 = vector.broadcast %div3A : f32 to vector<2048x1xf32>
    %div3A_17 = arith.divf %div3A_16, %max3A_15 : vector<2048x1xf32>
    %mul3A = vector.broadcast %div3A_17 : vector<2048x1xf32> to vector<2048x128xf32>
    %mul3A_18 = arith.mulf %add3A, %mul3A : vector<2048x128xf32>
    %get3A_19 = arith.constant 0 : index
    %get3A_20 = arith.constant 0 : index
    %get3A_21 = vector.load %arg4[%get3A_19, %get3A_20] : memref<128x128xf32, #tpu.memory_space<vmem>>, vector<128x128xf32>
    %dot_general3A_22 = arith.constant dense<0.000000e+00> : vector<2048x128xf32>
    %dot_general3A_23 = tpu.matmul %mul3A_18, %get3A_21, %dot_general3A_22 {dimension_numbers = #tpu.dot_dimension_numbers<[1], [1], [0], [0], [0, 0, 1, 0], [], []>, transpose_lhs_hint = false} : vector<2048x128xf32>, vector<128x128xf32>, vector<2048x128xf32> -> vector<2048x128xf32>
    %get3A_24 = arith.constant 0 : index
    %get3A_25 = arith.constant 0 : index
    %get3A_26 = vector.load %arg3[%get3A_24, %get3A_25] : memref<2048x128xf32, #tpu.memory_space<vmem>>, vector<2048x128xf32>
    %get3A_27 = arith.constant 0 : index
    %get3A_28 = arith.constant 0 : index
    %get3A_29 = vector.load %arg5[%get3A_27, %get3A_28] : memref<128x128xf32, #tpu.memory_space<vmem>>, vector<128x128xf32>
    %dot_general3A_30 = arith.constant dense<0.000000e+00> : vector<2048x128xf32>
    %dot_general3A_31 = tpu.matmul %get3A_26, %get3A_29, %dot_general3A_30 {dimension_numbers = #tpu.dot_dimension_numbers<[1], [1], [0], [0], [0, 0, 1, 0], [], []>, transpose_lhs_hint = false} : vector<2048x128xf32>, vector<128x128xf32>, vector<2048x128xf32> -> vector<2048x128xf32>
    %add3A_32 = arith.addf %dot_general3A_23, %dot_general3A_31 : vector<2048x128xf32>
    %get3A_33 = arith.constant 0 : index
    %get3A_34 = arith.constant 0 : index
    %get3A_35 = vector.load %arg6[%get3A_33, %get3A_34] : memref<1x128xf32, #tpu.memory_space<vmem>>, vector<1x128xf32>
    %add3A_36 = vector.broadcast %get3A_35 : vector<1x128xf32> to vector<2048x128xf32>
    %add3A_37 = arith.addf %add3A_32, %add3A_36 : vector<2048x128xf32>
    %swap3A = arith.constant 0 : index
    %swap3A_38 = arith.constant 0 : index
    %swap3A_39 = vector.load %arg7[%swap3A, %swap3A_38] : memref<2048x128xf32, #tpu.memory_space<vmem>>, vector<2048x128xf32>
    tpu.vector_store %arg7[%swap3A, %swap3A_38], %add3A_37 {strides = array<i32>} : memref<2048x128xf32, #tpu.memory_space<vmem>>, vector<2048x128xf32>,
    return
  }
  func.func @transform_0(%arg0: i32) -> (i32, i32, i32) {
    %c0_i32 = arith.constant 0 : i32
    %c0_i32_0 = arith.constant 0 : i32
    %c0_i32_1 = arith.constant 0 : i32
    return %c0_i32, %arg0, %c0_i32_0 : i32, i32, i32
  }
  func.func @transform_1(%arg0: i32) -> (i32, i32) {
    %c0_i32 = arith.constant 0 : i32
    %c0_i32_0 = arith.constant 0 : i32
    return %c0_i32, %arg0 : i32, i32
  }
  func.func @transform_2(%arg0: i32) -> (i32, i32) {
    %c0_i32 = arith.constant 0 : i32
    %c0_i32_0 = arith.constant 0 : i32
    return %arg0, %c0_i32 : i32, i32
  }
  func.func @transform_3(%arg0: i32) -> (i32, i32) {
    %c0_i32 = arith.constant 0 : i32
    %c0_i32_0 = arith.constant 0 : i32
    %c0_i32_1 = arith.constant 0 : i32
    return %c0_i32, %c0_i32_0 : i32, i32
  }
  func.func @transform_4(%arg0: i32) -> (i32, i32) {
    %c0_i32 = arith.constant 0 : i32
    %c0_i32_0 = arith.constant 0 : i32
    %c0_i32_1 = arith.constant 0 : i32
    return %c0_i32, %c0_i32_0 : i32, i32
  }
  func.func @transform_5(%arg0: i32) -> (i32, i32) {
    %c0_i32 = arith.constant 0 : i32
    %c0_i32_0 = arith.constant 0 : i32
    %c0_i32_1 = arith.constant 0 : i32
    return %c0_i32, %c0_i32_0 : i32, i32
  }
  func.func @transform_6(%arg0: i32) -> (i32, i32) {
    %c0_i32 = arith.constant 0 : i32
    %c0_i32_0 = arith.constant 0 : i32
    return %arg0, %c0_i32 : i32, i32
  }
}

</mosaic_0001>

<sc_bundles>
// kernel: kernel.6.cloned.1.call-start
scs
__scs_entry_jumppad:
0x0: {  	(pc) =	sbr.rel $0x88, $3  }
0x1: {  	(tag) =	ssettag $0x0;
	lr =	simm.s32 $0x1  }
0x2: {  	[smem:$0x3F99] =	sst lr;
	_ =	strace $0xD0000000  }
0x3: {  	_ = 	snop  }
0x4: {  	_ = 	snop  }
0x5: {  	_ = 	snop  }
0x6: {  	_ = 	snop  }
0x7: {  	_ = 	snop  }
__scs_overlays_trampoline_lowered:
0x8: {  	[smem:$0x3FA8] =	sst s0  }
0x9: {  	[smem:$0x3FA9] =	sst s1  }
0xa: {  	[smem:$0x3FAA] =	sst s2  }
0xb: {  	[smem:$0x3FAB] =	sst s3  }
0xc: {  	[smem:$0x3FAC] =	sst s4  }
0xd: {  	[smem:$0x3FAD] =	sst s5  }
0xe: {  	[smem:$0x3FAE] =	sst s6  }
0xf: {  	[smem:$0x3FAF] =	sst s7  }
0x10: {  	[smem:$0x3FB0] =	sst s8  }
0x11: {  	[smem:$0x3FB1] =	sst s9;
	s0 =	simm.s32 @!p0 $0x0  }
0x12: {  	s1 =	sld [smem:$0x3F97];
	s0 =	simm.s32 @p0 $0x1  }
0x13: {  	[smem:$0x3FB2] =	sst s0;
	s0 =	simm.s32 @!p1 $0x0  }
0x14: {  	s2 =	sld [smem:$0x3F96];
	s0 =	simm.s32 @p1 $0x1  }
0x15: {  	[smem:$0x3FB3] =	sst s0;
	s0 =	simm.s32 @!p2 $0x0  }
0x16: {  	s3 =	sld [smem:$0x3FDB];
	s0 =	simm.s32 @p2 $0x1  }
0x17: {  	s4 =	simm.s32 $0x1BF5;
	[smem:$0x3FB5] =	sst s0  }
0x18: {  	s0 =	sld [smem:$0x3F98];
	_ =	swait.ge [sflag:s4], $0x0  }
0x19: {  	s7 =	sld [smem:$0x3F99]  }
0x1a: {  	s8 =	sadd.s32 $0xFFFFE003, lr  }
0x1b: {  	s9 =	sadd.s32 $0xFFFFFEF7, lr;
	s5 =	simm.s32 $0xFFFFFFFF;
	p2 =	slt.u32 s8, $0xFFFFF086  }
0x1c: {  	p1 =	slt.u32 s9, $0xF7A;
	s5 =	simm.s32 @!p2 $0x0  }
0x1d: {  	s5 =	simm.s32 @p1 $0x1;
	p0 =	seq.s32 s7, s2  }
0x1e: {  	s7 =	smul.u32 @!p0 $0xF7A, s2;
	p2 =	seq.s32 @!p0 s5, $0x0  }
0x1f: {  	s9 =	smul.u32 $0xF7A, s1;
	s8 =	simm.s32 @!p0 $0x1BF5;
	p2 =	por !p2, p0  }
0x20: {  	[sflag:s8] =	ssyncset.s32 @!p0 $0xFFFFF086;
	s6 =	sadd.s32 @!p0 s3, s7;
	s7 =	simm.s32 @!p0 $0x108  }
0x21: {  	s3 =	sadd.s32 s3, s9;
	s6 =	sadd.s32 @!p0 $0x88, s6;
	s7 =	simm.s32 @p2 $0x1082  }
0x22: {  	[simem:s7], [sflag:s8] =	dma.local @!p0 [hbm:s6], $0xF7A  }
0x23: {  	s9 =	sor.u32 $0xD0000000, s2;
	s6 =	simm.s32 $0x108;
	_ =	swait.ge @!p0 [sflag:s8], $0x0  }
0x24: {  	s3 =	sadd.s32 $0x88, s3;
	s6 =	simm.s32 @!p1 $0x1082;
	[sflag:s4] =	ssyncset.s32 $0xFFFFF086  }
0x25: {  	[simem:s6], [sflag:s4] =	dma.local [hbm:s3], $0xF7A  }
0x26: {  	[smem:$0x3F99] =	sst s1;
	(tag) =	ssettag s2;
	_ =	strace s9  }
0x27: {  	s1 =	sld [smem:$0x3FA9]  }
0x28: {  	s2 =	sld [smem:$0x3FAA]  }
0x29: {  	s4 =	sld [smem:$0x3FAC]  }
0x2a: {  	p0 =	seq.s32 s5, $0x0;
	s5 =	sld [smem:$0x3FAD]  }
0x2b: {  	s6 =	sld [smem:$0x3FAE]  }
0x2c: {  	s7 =	sld [smem:$0x3FAF]  }
0x2d: {  	s3 =	simm.s32 $0x108;
	s8 =	sld [smem:$0x3FB0]  }
0x2e: {  	s3 =	simm.s32 @!p0 $0x1082;
	s9 =	sld [smem:$0x3FB1]  }
0x2f: {  	lr =	sadd.s32 s0, s3;
	s0 =	sld [smem:$0x3FA8]  }
0x30: {  	s3 =	sld [smem:$0x3FAB]  }
0x31: {  	[smem:$0x3FB4] =	sst s10  }
0x32: {  	s10 =	sld [smem:$0x3FB2];
	_ =	sdelay $0x3  }
0x33: {  	p0 =	seq.s32 s10, $0x1;
	s10 =	sld [smem:$0x3FB4];
	_ =	sdelay $0x3  }
0x34: {  	[smem:$0x3FB4] =	sst s10  }
0x35: {  	s10 =	sld [smem:$0x3FB3];
	_ =	sdelay $0x3  }
0x36: {  	p1 =	seq.s32 s10, $0x1;
	s10 =	sld [smem:$0x3FB4];
	_ =	sdelay $0x3  }
0x37: {  	[smem:$0x3FB4] =	sst s10  }
0x38: {  	s10 =	sld [smem:$0x3FB5]  }
0x39: {  	_ = 	snop;
	(pc) =	sbr.ind lr, $3  }
0x3a: {  	_ = 	snop  }
0x3b: {  	_ = 	snop  }
0x3c: {  	p2 =	seq.s32 s10, $0x1;
	s10 =	sld [smem:$0x3FB4]  }
0x3d: {  	_ =	shalt  }
0x3e: {  	_ =	shalt  }
0x3f: {  	_ =	shalt  }
0x40: {  	_ =	shalt  }
0x41: {  	_ =	shalt  }
0x42: {  	_ =	shalt  }
0x43: {  	_ =	shalt  }
0x44: {  	_ =	shalt  }
0x45: {  	_ =	shalt  }
0x46: {  	_ =	shalt  }
0x47: {  	_ =	shalt  }
0x48: {  	_ =	shalt  }
0x49: {  	_ =	shalt  }
0x4a: {  	_ =	shalt  }
0x4b: {  	_ =	shalt  }
0x4c: {  	_ =	shalt  }
0x4d: {  	_ =	shalt  }
0x4e: {  	_ =	shalt  }
0x4f: {  	_ =	shalt  }
0x50: {  	_ =	shalt  }
0x51: {  	_ =	shalt  }
0x52: {  	_ =	shalt  }
0x53: {  	_ =	shalt  }
0x54: {  	_ =	shalt  }
0x55: {  	_ =	shalt  }
0x56: {  	_ =	shalt  }
0x57: {  	_ =	shalt  }
0x58: {  	_ =	shalt  }
0x59: {  	_ =	shalt  }
0x5a: {  	_ =	shalt  }
0x5b: {  	_ =	shalt  }
0x5c: {  	_ =	shalt  }
0x5d: {  	_ =	shalt  }
0x5e: {  	_ =	shalt  }
0x5f: {  	_ =	shalt  }
0x60: {  	_ =	shalt  }
0x61: {  	_ =	shalt  }
0x62: {  	_ =	shalt  }
0x63: {  	_ =	shalt  }
0x64: {  	_ =	shalt  }
0x65: {  	_ =	shalt  }
0x66: {  	_ =	shalt  }
0x67: {  	_ =	shalt  }
0x68: {  	_ =	shalt  }
0x69: {  	_ =	shalt  }
0x6a: {  	_ =	shalt  }
0x6b: {  	_ =	shalt  }
0x6c: {  	_ =	shalt  }
0x6d: {  	_ =	shalt  }
0x6e: {  	_ =	shalt  }
0x6f: {  	_ =	shalt  }
0x70: {  	_ =	shalt  }
0x71: {  	_ =	shalt  }
0x72: {  	_ =	shalt  }
0x73: {  	_ =	shalt  }
0x74: {  	_ =	shalt  }
0x75: {  	_ =	shalt  }
0x76: {  	_ =	shalt  }
0x77: {  	_ =	shalt  }
0x78: {  	_ =	shalt  }
0x79: {  	_ =	shalt  }
0x7a: {  	_ =	shalt  }
0x7b: {  	_ =	shalt  }
0x7c: {  	_ =	shalt  }
0x7d: {  	_ =	shalt  }
0x7e: {  	_ =	shalt  }
0x7f: {  	_ =	shalt  }
0x80: {  	_ =	shalt  }
0x81: {  	_ =	shalt  }
0x82: {  	_ =	shalt  }
0x83: {  	_ =	shalt  }
0x84: {  	_ =	shalt  }
0x85: {  	_ =	shalt  }
0x86: {  	_ =	shalt  }
0x87: {  	_ =	shalt  }
.Lfunc_end0:
.L_simem_size_0:
called_computation_lowered:
.L_overlay_start_0:
0x88: {  	s2 =	sld [smem:$0x3FD9]  }
0x89: {  	s3 =	sld [smem:$0x3FFE];
	_ =	sdelay $0x1  }
0x8a: {  	s1 =	srdreg.scid  }
0x8b: {  	s0 =	sand.u32 $0x1, s1  }
0x8c: {  	s17 =	sshll.u32 s0, $0xA;
	s2 =	sadd.s32 s3, s2  }
0x8d: {  	s2 =	sadd.s32 s2, s17  }
0x8e: {  	[smem:$0x3FC0] =	sst s2  }
0x8f: {  	_ = 	snop  }
0x90: {  	s2 =	sld [smem:$0x3FC9]  }
0x91: {  	s18 =	sld [smem:$0x3FD0];
	(tm) =	ssettm $0x1  }
0x92: {  	s4 =	sld [smem:$0x3FFB];
	_ =	sdelay $0x3  }
0x93: {  	_ =	strace s4  }
0x94: {  	s4 =	sld [smem:$0x3FFC];
	_ =	sdelay $0x3  }
0x95: {  	_ =	strace s4  }
0x96: {  	s4 =	sld [smem:$0x3FFD];
	_ =	sdelay $0x3  }
0x97: {  	_ =	strace s4  }
0x98: {  	_ =	strace $0x8FFFFFFF  }
0x99: {  	s19 =	sld [smem:$0x3FDB];
	_ =	sdelay $0x1  }
0x9a: {  	s5 =	simm.s32 $_scs_section_size  }
0x9b: {  	s6 =	simm.s32 $_size__tile_overlayer_lowered;
	s7 =	simm.s32 $_tile_overlayer_lowered  }
0x9c: {  	s22 =	simm.s32 $0x1BFF;
	s21 =	sshll.u32 s7, $0x1;
	s4 =	sadd.s32 s5, s19  }
0x9d: {  	s8 =	simm.s32 $0x0;
	s20 =	sshll.u32 s6, $0x1;
	s6 =	sadd.s32 s21, s4  }
0x9e: {  	[timem:s8], [sflag:s22] =	dma.local [hbm:s6], s20  }
0x9f: {  	_ =	swait.ge [sflag:s22], s20  }
0xa0: {  	s5 =	ssub.s32 $0x0, s20;
	[sflag:s22] =	ssyncset.done $0x0  }
0xa1: {  	[sflag:s22] =	ssyncadd.s32 s5;
	_ =	sdelay $0x1  }
0xa2: {  	s23 =	simm.s32 $0x1B8B  }
0xa3: {  	_ =	swait.ge [sflag:s23], $0x1  }
0xa4: {  	[sflag:s23] =	ssyncset.done $0x0  }
0xa5: {  	s25 =	simm.s32 $0x1B8E;
	s24 =	sld [smem:$0x3FFE];
	[sflag:s23] =	ssyncadd.s32 $0xFFFFFFFF  }
0xa6: {  	s26 =	simm.s32 $execute0_lowered;
	[smem:$0x3FD2] =	sst s25  }
0xa7: {  	s6 =	sshll.u32 s26, $0x1;
	_ =	strace $0x80000046;
	[dreg:$0x1] =	wrdreg $0xFFFFFFFF  }
0xa8: {  	s28 =	simm.s32 $_size_execute0_lowered;
	s4 =	sadd.s32 s4, s6;
	[dreg:$0x0] =	wrdreg $0x0  }
0xa9: {  	s6 =	sshll.u32 s28, $0x1;
	[dreg:$0x2] =	wrdreg s4  }
0xaa: {  	[dreg:$0x3] =	wrdreg s6  }
0xab: {  	[dreg:$0x4] =	wrdreg $0xC0  }
0xac: {  	_ =	task [dreg:s8], $0x5FFFF  }
0xad: {  	[dreg:$0x1] =	wrdreg $0xFFFFFFFF  }
0xae: {  	[dreg:$0x0] =	wrdreg $0x60  }
0xaf: {  	[dreg:$0x2] =	wrdreg s2  }
0xb0: {  	[dreg:$0x3] =	wrdreg s24  }
0xb1: {  	[dreg:$0x4] =	wrdreg s18  }
0xb2: {  	[dreg:$0x5] =	wrdreg $0x70000  }
0xb3: {  	[dreg:$0x6] =	wrdreg $0x9  }
0xb4: {  	_ =	task.clear_ibuf [dreg:s8], $0x7FFFF;
	_ =	strace $0x90000046  }
0xb5: {  	s29 =	simm.s32 $0x9;
	_ =	strace $0x80000048  }
0xb6: {  	_ =	swait.ge [sflag:s29], $0x1  }
0xb7: {  	[sflag:s29] =	ssyncadd.s32 $0xFFFFFFFF  }
0xb8: {  	_ =	strace $0x90000048  }
0xb9: {  	_ =	sfence  }
0xba: {  	s30 =	sld [smem:$0x0];
	_ =	sdelay $0x2  }
0xbb: {  	s31 =	sshll.u32 s1, $0xD;
	s1 =	sshrl.u32 s1, $0x2  }
0xbc: {  	s3 =	sand.u32 $0x4000, s31;
	s1 =	sadd.s32 s1, s30  }
0xbd: {  	s0 =	sor.u32 s3, s0;
	s1 =	sshll.u32 s1, $0x11  }
0xbe: {  	s0 =	sor.u32 s1, s0  }
0xbf: {  	s0 =	sadd.s32 $0x8F2B, s0  }
0xc0: {  	[sflag:s0] =	ssyncadd.remote.s32 $0x1  }
0xc1: {  	_ =	sfence.sel $0xFFFF  }
0xc2: {  	[dreg:$0x0] =	wrdreg $0xFFFFFFFF;
	(pc) =	sbr.abs _section_cstart, $3  }
0xc3: {  	[dreg:$0x1] =	wrdreg $0xFFFFFFFF  }
0xc4: {  	_ =	task.clear_ibuf [dreg:s8], $0x2FFFF;
	_ =	strace $0x9FFFFFFF  }
0xc5: {  	(tm) =	ssettm $0x7FFFFFFF  }
tec
execute0_lowered:
.L_overlay_start_1:
0x0: {  	(tag) =	ssettag $0x1  }
0x1: {  	s1 =	rddreg [dreg:$0x0]  }
0x2: {  	s0 =	rddreg [dreg:$0x1]  }
0x3: {  	s2 =	rddreg [dreg:$0x2]  }
0x4: {  	s3 =	rddreg [dreg:$0x3];
	s5 =	simm.s32 $0x0;
	s4 =	srdreg.scid  }
0x5: {  	s8 =	stileid.u32;
	s15 =	simm.s32 $0x9;
	s16 =	simm.s32 $0x1B000  }
0x6: {  	s17 =	simm.s32 $0x1800;
	s18 =	simm.s32 $0x20;
	s19 =	simm.s32 $0x3000  }
0x7: {  	s20 =	simm.s32 $0x4000;
	s28 =	simm.s32 $0x5;
	s29 =	simm.s32 $0x6  }
0x8: {  	s30 =	simm.s32 $0x7;
	s31 =	simm.s32 $0x8;
	[smem:$0x7FF] =	sst s5  }
0x9: {  	s4 =	sand.u32 $0x1, s4;
	s7 =	smul.u32 $0x2800, s8;
	s5 =	sadd.s32 $0x2200, s0  }
0xa: {  	s6 =	sadd.s32 $0x2C200, s0;
	s10 =	sadd.s32 $0x56800, s0;
	s21 =	sadd.s32 $0x56200, s0  }
0xb: {  	s11 =	smul.u32 $0x50000, s8;
	_ =	strace $0x80000047;
	[dreg:$0x5] =	wrdreg s10  }
0xc: {  	s26 =	sshll.u32 s8, $0x6;
	s9 =	smul.u32 $0x28000, s4;
	[dreg:$0x6] =	wrdreg s21  }
0xd: {  	s22 =	ssub.s32 $0x2, s4;
	s4 =	sshll.u32 s4, $0x4;
	s21 =	simm.s32 $0x5000  }
0xe: {  	s23 =	sshrl.u32 s22, $0x1;
	s4 =	sor.u32 s8, s4;
	s25 =	sshrl.u32 s11, $0x2  }
0xf: {  	s7 =	sadd.s32 s7, s9;
	s24 =	ssub.s32 s22, s23;
	s12 =	smul.u32 $0x500, s4  }
0x10: {  	s14 =	sadd.s32 s25, s3;
	s9 =	sor.u32 $0x1C09, s26;
	s10 =	smul.u32 $0x150, s4  }
0x11: {  	s22 =	simm.s32 $0x6000;
	s23 =	simm.s32 $0x1;
	s25 =	simm.s32 $0x3  }
0x12: {  	s26 =	simm.s32 $0x4;
	s0 =	sadd.s32 s7, s0;
	s13 =	smax.u32 s24, $0x1  }
0x13: {  	s14 =	sshrl.u32 s14, $0x3;
	s24 =	simm.s32 $0x2;
	s11 =	sadd.s32 $0x59000, s0  }
0x14: {  	v0 =	vimm.f32 $1.000000000e+00;
	s12 =	sadd.s32 s2, s12;
	s2 =	simm.s32 $0x0;
	s0 =	simm.s32 $0x0  }
.LBB2_1:
0x15: {  	s4 =	rddreg [dreg:$0x5]  }
0x16: {  	[spmem:s14], [sflag:s9] =	dma.local [hbm:s4], $0x2800  }
0x17: {  	_ =	swait.ge [sflag:s15], $0x2800  }
0x18: {  	[sflag:s15] =	ssyncset.done $0x0  }
0x19: {  	s8 =	rddreg [dreg:$0x6];
	[sflag:s15] =	ssyncadd.s32 $0xFFFFD800  }
0x1a: {  	[tilespmem:s16], [sflag:$0x9] =	stream.linear.gather [hbm4b:s8+s2], $0x2800, $0x38;
	[tilespmem:$0x1D800] =	vst v63  }
0x1b: {  	_ =	swait.ge [sflag:s15], $0x2800  }
0x1c: {  	[sflag:s15] =	ssyncset.done $0x0  }
0x1d: {  	[sflag:s15] =	ssyncadd.s32 $0xFFFFD800  }
0x1e: {  	s2 =	simm.s32 $0x0;
	[bflag:$0x0] =	sbarrier.arrive $0xFFFF  }
.LBB2_2:
0x1f: {  	s4 =	smul.u32 $0x30, s2;
	_ =	sdelay $0x1  }
0x20: {  	s4 =	sadd.s32 s10, s4  }
0x21: {  	s7 =	sshll.u32 s4, $0x4  }
0x22: {  	s4 =	simm.s32 $0x0;
	s8 =	sadd.s32 s5, s7  }
0x23: {  	[tilespmem:s4], [sflag:$0x9] =	stream.linear.gather [hbm4b:s8+s4], $0x1800, $0x38;
	[tilespmem:$0x1D800] =	vst v63  }
0x24: {  	_ =	swait.ge [sflag:s15], $0x1800  }
0x25: {  	[sflag:s15] =	ssyncset.done $0x0  }
0x26: {  	s7 =	sadd.s32 s6, s7;
	[sflag:s15] =	ssyncadd.s32 $0xFFFFE800  }
0x27: {  	[tilespmem:s17], [sflag:$0x9] =	stream.linear.gather [hbm4b:s7+s4], $0x1800, $0x38;
	[tilespmem:$0x1D800] =	vst v63  }
0x28: {  	_ =	swait.ge [sflag:s15], $0x1800  }
0x29: {  	[sflag:s15] =	ssyncset.done $0x0  }
0x2a: {  	[sflag:s15] =	ssyncadd.s32 $0xFFFFE800  }
.LBB2_3:
0x2b: {  	s7 =	sshra.s32 s4, $0x2  }
0x2c: {  	[tilespmem:s19], [sflag:$0x1] =	stream.indirect.gather [hbm4b:s1+s18], $0x80, s7, s18, $0xb8;
	[tilespmem:$0x1D800] =	vst v63  }
0x2d: {  	s8 =	sadd.s32 $0x80, s7  }
0x2e: {  	[tilespmem:s20], [sflag:$0x2] =	stream.indirect.gather [hbm4b:s1+s18], $0x80, s8, s18, $0xb8;
	[tilespmem:$0x1D800] =	vst v63  }
0x2f: {  	s8 =	sadd.s32 $0x100, s7  }
0x30: {  	[tilespmem:s21], [sflag:$0x3] =	stream.indirect.gather [hbm4b:s1+s18], $0x80, s8, s18, $0xb8;
	[tilespmem:$0x1D800] =	vst v63  }
0x31: {  	s8 =	sadd.s32 $0x180, s7  }
0x32: {  	[tilespmem:s22], [sflag:$0x4] =	stream.indirect.gather [hbm4b:s1+s18], $0x80, s8, s18, $0xb8;
	[tilespmem:$0x1D800] =	vst v63  }
0x33: {  	v1 =	vld [tilespmem:s7+$0x1800];
	_ =	sdelay $0x7  }
0x34: {  	[tilespmem:v1+s16+$0x0] =	vst.idx.add.f32.msk $0xffff, v0  }
0x35: {  	v1 =	vld [tilespmem:s7+$0x1810];
	_ =	sdelay $0x7  }
0x36: {  	[tilespmem:v1+s16+$0x0] =	vst.idx.add.f32.msk $0xffff, v0  }
0x37: {  	v1 =	vld [tilespmem:s7+$0x1880];
	_ =	sdelay $0x7  }
0x38: {  	[tilespmem:v1+s16+$0x0] =	vst.idx.add.f32.msk $0xffff, v0  }
0x39: {  	v1 =	vld [tilespmem:s7+$0x1890];
	_ =	sdelay $0x7  }
0x3a: {  	[tilespmem:v1+s16+$0x0] =	vst.idx.add.f32.msk $0xffff, v0  }
0x3b: {  	v1 =	vld [tilespmem:s7+$0x1900];
	_ =	sdelay $0x7  }
0x3c: {  	[tilespmem:v1+s16+$0x0] =	vst.idx.add.f32.msk $0xffff, v0  }
0x3d: {  	v1 =	vld [tilespmem:s7+$0x1910];
	_ =	sdelay $0x7  }
0x3e: {  	[tilespmem:v1+s16+$0x0] =	vst.idx.add.f32.msk $0xffff, v0  }
0x3f: {  	v1 =	vld [tilespmem:s7+$0x1980];
	_ =	sdelay $0x7  }
0x40: {  	[tilespmem:v1+s16+$0x0] =	vst.idx.add.f32.msk $0xffff, v0  }
0x41: {  	v1 =	vld [tilespmem:s7+$0x1990];
	_ =	sdelay $0x7  }
0x42: {  	[tilespmem:v1+s16+$0x0] =	vst.idx.add.f32.msk $0xffff, v0  }
0x43: {  	v1 =	vld [tilespmem:s7+$0x1A00];
	_ =	sdelay $0x7  }
0x44: {  	[tilespmem:v1+s16+$0x0] =	vst.idx.add.f32.msk $0xffff, v0  }
0x45: {  	v1 =	vld [tilespmem:s7+$0x1A10];
	_ =	sdelay $0x7  }
0x46: {  	[tilespmem:v1+s16+$0x0] =	vst.idx.add.f32.msk $0xffff, v0  }
0x47: {  	v1 =	vld [tilespmem:s7+$0x1A80];
	_ =	sdelay $0x7  }
0x48: {  	[tilespmem:v1+s16+$0x0] =	vst.idx.add.f32.msk $0xffff, v0  }
0x49: {  	v1 =	vld [tilespmem:s7+$0x1A90];
	_ =	sdelay $0x7  }
0x4a: {  	[tilespmem:v1+s16+$0x0] =	vst.idx.add.f32.msk $0xffff, v0  }
0x4b: {  	v1 =	vld [tilespmem:s7+$0x1B00];
	_ =	sdelay $0x7  }
0x4c: {  	[tilespmem:v1+s16+$0x0] =	vst.idx.add.f32.msk $0xffff, v0  }
0x4d: {  	v1 =	vld [tilespmem:s7+$0x1B10];
	_ =	sdelay $0x7  }
0x4e: {  	[tilespmem:v1+s16+$0x0] =	vst.idx.add.f32.msk $0xffff, v0  }
0x4f: {  	v1 =	vld [tilespmem:s7+$0x1B80];
	_ =	sdelay $0x7  }
0x50: {  	[tilespmem:v1+s16+$0x0] =	vst.idx.add.f32.msk $0xffff, v0  }
0x51: {  	v1 =	vld [tilespmem:s7+$0x1B90];
	_ =	sdelay $0x7  }
0x52: {  	[tilespmem:v1+s16+$0x0] =	vst.idx.add.f32.msk $0xffff, v0  }
0x53: {  	_ =	swait.ge [sflag:s23], $0x1000  }
0x54: {  	[sflag:s23] =	ssyncset.done $0x0  }
0x55: {  	s8 =	sadd.s32 $0x1800, s7;
	[sflag:s23] =	ssyncadd.s32 $0xFFFFF000  }
0x56: {  	[spmem:s3] =	stream.indirect.scatter.add.f32 [tilespmem:s19], [sflag:$0x5], $0x80, s8, s18, $0xb8;
	[tilespmem:$0x1D800] =	vst v63  }
0x57: {  	_ =	swait.ge [sflag:s24], $0x1000  }
0x58: {  	[sflag:s24] =	ssyncset.done $0x0  }
0x59: {  	s8 =	sadd.s32 $0x1880, s7;
	[sflag:s24] =	ssyncadd.s32 $0xFFFFF000  }
0x5a: {  	[spmem:s3] =	stream.indirect.scatter.add.f32 [tilespmem:s20], [sflag:$0x6], $0x80, s8, s18, $0xb8;
	[tilespmem:$0x1D800] =	vst v63  }
0x5b: {  	_ =	swait.ge [sflag:s25], $0x1000  }
0x5c: {  	[sflag:s25] =	ssyncset.done $0x0  }
0x5d: {  	s8 =	sadd.s32 $0x1900, s7;
	[sflag:s25] =	ssyncadd.s32 $0xFFFFF000  }
0x5e: {  	[spmem:s3] =	stream.indirect.scatter.add.f32 [tilespmem:s21], [sflag:$0x7], $0x80, s8, s18, $0xb8;
	[tilespmem:$0x1D800] =	vst v63  }
0x5f: {  	_ =	swait.ge [sflag:s26], $0x1000  }
0x60: {  	[sflag:s26] =	ssyncset.done $0x0  }
0x61: {  	s8 =	sadd.s32 $0x1980, s7;
	[sflag:s26] =	ssyncadd.s32 $0xFFFFF000  }
0x62: {  	[spmem:s3] =	stream.indirect.scatter.add.f32 [tilespmem:s22], [sflag:$0x8], $0x80, s8, s18, $0xb8;
	[tilespmem:$0x1D800] =	vst v63  }
0x63: {  	_ =	swait.ge [sflag:s28], $0x1000  }
0x64: {  	[sflag:s28] =	ssyncset.done $0x0  }
0x65: {  	s8 =	sadd.s32 $0x200, s7;
	[sflag:s28] =	ssyncadd.s32 $0xFFFFF000  }
0x66: {  	[tilespmem:s19], [sflag:$0x1] =	stream.indirect.gather [hbm4b:s1+s18], $0x80, s8, s18, $0xb8;
	[tilespmem:$0x1D800] =	vst v63  }
0x67: {  	_ =	swait.ge [sflag:s29], $0x1000  }
0x68: {  	[sflag:s29] =	ssyncset.done $0x0  }
0x69: {  	s8 =	sadd.s32 $0x280, s7;
	[sflag:s29] =	ssyncadd.s32 $0xFFFFF000  }
0x6a: {  	[tilespmem:s20], [sflag:$0x2] =	stream.indirect.gather [hbm4b:s1+s18], $0x80, s8, s18, $0xb8;
	[tilespmem:$0x1D800] =	vst v63  }
0x6b: {  	_ =	swait.ge [sflag:s30], $0x1000  }
0x6c: {  	[sflag:s30] =	ssyncset.done $0x0  }
0x6d: {  	s8 =	sadd.s32 $0x300, s7;
	[sflag:s30] =	ssyncadd.s32 $0xFFFFF000  }
0x6e: {  	[tilespmem:s21], [sflag:$0x3] =	stream.indirect.gather [hbm4b:s1+s18], $0x80, s8, s18, $0xb8;
	[tilespmem:$0x1D800] =	vst v63  }
0x6f: {  	_ =	swait.ge [sflag:s31], $0x1000  }
0x70: {  	[sflag:s31] =	ssyncset.done $0x0  }
0x71: {  	s8 =	sadd.s32 $0x380, s7;
	[sflag:s31] =	ssyncadd.s32 $0xFFFFF000  }
0x72: {  	[tilespmem:s22], [sflag:$0x4] =	stream.indirect.gather [hbm4b:s1+s18], $0x80, s8, s18, $0xb8;
	[tilespmem:$0x1D800] =	vst v63  }
0x73: {  	_ =	swait.ge [sflag:s23], $0x1000  }
0x74: {  	[sflag:s23] =	ssyncset.done $0x0  }
0x75: {  	s8 =	sadd.s32 $0x1A00, s7;
	[sflag:s23] =	ssyncadd.s32 $0xFFFFF000  }
0x76: {  	[spmem:s3] =	stream.indirect.scatter.add.f32 [tilespmem:s19], [sflag:$0x5], $0x80, s8, s18, $0xb8;
	[tilespmem:$0x1D800] =	vst v63  }
0x77: {  	_ =	swait.ge [sflag:s24], $0x1000  }
0x78: {  	[sflag:s24] =	ssyncset.done $0x0  }
0x79: {  	s8 =	sadd.s32 $0x1A80, s7;
	[sflag:s24] =	ssyncadd.s32 $0xFFFFF000  }
0x7a: {  	[spmem:s3] =	stream.indirect.scatter.add.f32 [tilespmem:s20], [sflag:$0x6], $0x80, s8, s18, $0xb8;
	[tilespmem:$0x1D800] =	vst v63  }
0x7b: {  	_ =	swait.ge [sflag:s25], $0x1000  }
0x7c: {  	[sflag:s25] =	ssyncset.done $0x0  }
0x7d: {  	s8 =	sadd.s32 $0x1B00, s7;
	[sflag:s25] =	ssyncadd.s32 $0xFFFFF000  }
0x7e: {  	[spmem:s3] =	stream.indirect.scatter.add.f32 [tilespmem:s21], [sflag:$0x7], $0x80, s8, s18, $0xb8;
	[tilespmem:$0x1D800] =	vst v63  }
0x7f: {  	_ =	swait.ge [sflag:s26], $0x1000  }
0x80: {  	[sflag:s26] =	ssyncset.done $0x0  }
0x81: {  	s7 =	sadd.s32 $0x1B80, s7;
	[sflag:s26] =	ssyncadd.s32 $0xFFFFF000  }
0x82: {  	[spmem:s3] =	stream.indirect.scatter.add.f32 [tilespmem:s22], [sflag:$0x8], $0x80, s7, s18, $0xb8;
	[tilespmem:$0x1D800] =	vst v63  }
0x83: {  	_ =	swait.ge [sflag:s28], $0x1000  }
0x84: {  	[sflag:s28] =	ssyncset.done $0x0  }
0x85: {  	[sflag:s28] =	ssyncadd.s32 $0xFFFFF000  }
0x86: {  	_ =	swait.ge [sflag:s29], $0x1000  }
0x87: {  	[sflag:s29] =	ssyncset.done $0x0  }
0x88: {  	[sflag:s29] =	ssyncadd.s32 $0xFFFFF000  }
0x89: {  	p0 =	sne.s32 s4, $0x5000;
	_ =	swait.ge [sflag:s30], $0x1000  }
.Ltmp0:
0x8a: {  	[sflag:s30] =	ssyncset.done $0x0;
	(pc) =	sbr.rel @p0 .LBB2_3-.Ltmp0, $4  }
0x8b: {  	[sflag:s30] =	ssyncadd.s32 $0xFFFFF000  }
0x8c: {  	_ =	swait.ge [sflag:s31], $0x1000  }
0x8d: {  	[sflag:s31] =	ssyncset.done $0x0  }
0x8e: {  	s4 =	sadd.s32 $0x1000, s4;
	[sflag:s31] =	ssyncadd.s32 $0xFFFFF000  }
0x8f: {  	s2 =	sadd.s32 $0x1, s2  }
0x90: {  	p0 =	sne.s32 s2, $0x7  }
.Ltmp1:
0x91: {  	_ = 	snop;
	(pc) =	sbr.rel @p0 .LBB2_2-.Ltmp1, $1  }
0x92: {  	_ =	sdelay $0x3  }
0x93: {  	[bflag:$0x0] =	sbarrier.arrive $0xFFFF  }
0x94: {  	[hbm:s11], [sflag:s9] =	dma.local [spmem:s14], $0x2800  }
0x95: {  	s0 =	sadd.s32 $0x1, s0;
	_ =	swait.ge [sflag:s15], $0x2800  }
0x96: {  	p0 =	sne.s32 s0, s13;
	[sflag:s15] =	ssyncset.done $0x0  }
.Ltmp2:
0x97: {  	s2 =	simm.s32 $0x0;
	[sflag:s15] =	ssyncadd.s32 $0xFFFFD800;
	(pc) =	sbr.rel @p0 .LBB2_1-.Ltmp2, $4  }
0x98: {  	[hbm4b:s12+s2] =	stream.linear.scatter [tilespmem:s16], [sflag:$0x9], $0x2800, $0x38;
	[tilespmem:$0x1D800] =	vst v63  }
0x99: {  	_ =	swait.ge [sflag:s15], $0x2800  }
0x9a: {  	[sflag:s15] =	ssyncset.done $0x0  }
0x9b: {  	[sflag:s15] =	ssyncadd.s32 $0xFFFFD800  }
0x9c: {  	_ =	sfence.sel $0x180000  }
0x9d: {  	[bflag:$0x0] =	sbarrier.arrive $0xFFFF  }
0x9e: {  	_ =	strace $0x90000047  }
0x9f: {  	s0 =	stileid.u32;
	[bflag:$0x2] =	sbarrier.arrive $0xFFFF  }
0xa0: {  	p0 =	sne.s32 s0, $0x0;
	s0 =	rddreg [dreg:$0x4]  }
0xa1: {  	s0 =	sadd.s32 @!p0 $0x100000, s0  }
0xa2: {  	[sflag:s0] =	ssyncadd.tile.s32 @!p0 $0x1;
	_ =	shalt  }
.Lfunc_end2:
_tile_overlayer_lowered:
.L_overlay_start_2:
0xa3: {  	(tag) =	ssettag $0x2  }
0xa4: {  	s0 =	rddreg [dreg:$0x0];
	s2 =	stileid.u32  }
0xa5: {  	s1 =	rddreg [dreg:$0x1];
	p0 =	sne.s32 s2, $0x0  }
0xa6: {  	s3 =	rddreg [dreg:$0x2];
	[bflag:$0x3] =	sbarrier.arrive $0xFFFF;
	s2 =	simm.s32 @!p0 $0x1C09  }
0xa7: {  	[timem:s3], [sflag:s2] =	dma.local @!p0 [hbm:s0], s1  }
0xa8: {  	s0 =	simm.s32 @!p0 $0x9  }
0xa9: {  	_ =	swait.ge @!p0 [sflag:s0], s1  }
0xaa: {  	s1 =	ssub.s32 @!p0 $0x0, s1;
	[sflag:s0] =	ssyncset.done @!p0 $0x0  }
0xab: {  	[sflag:s0] =	ssyncadd.s32 @!p0 s1  }
0xac: {  	[bflag:$0x3] =	sbarrier.arrive $0xFFFF  }
0xad: {  	_ =	shalt  }

// kernel: kernel.9.cloned.1.call-start
scs
__scs_entry_jumppad:
0x0: {  	(pc) =	sbr.rel $0x88, $3  }
0x1: {  	(tag) =	ssettag $0x0;
	lr =	simm.s32 $0x1  }
0x2: {  	[smem:$0x3F99] =	sst lr;
	_ =	strace $0xD0000000  }
0x3: {  	_ = 	snop  }
0x4: {  	_ = 	snop  }
0x5: {  	_ = 	snop  }
0x6: {  	_ = 	snop  }
0x7: {  	_ = 	snop  }
__scs_overlays_trampoline_lowered:
0x8: {  	[smem:$0x3FA8] =	sst s0  }
0x9: {  	[smem:$0x3FA9] =	sst s1  }
0xa: {  	[smem:$0x3FAA] =	sst s2  }
0xb: {  	[smem:$0x3FAB] =	sst s3  }
0xc: {  	[smem:$0x3FAC] =	sst s4  }
0xd: {  	[smem:$0x3FAD] =	sst s5  }
0xe: {  	[smem:$0x3FAE] =	sst s6  }
0xf: {  	[smem:$0x3FAF] =	sst s7  }
0x10: {  	[smem:$0x3FB0] =	sst s8  }
0x11: {  	[smem:$0x3FB1] =	sst s9;
	s0 =	simm.s32 @!p0 $0x0  }
0x12: {  	s1 =	sld [smem:$0x3F97];
	s0 =	simm.s32 @p0 $0x1  }
0x13: {  	[smem:$0x3FB2] =	sst s0;
	s0 =	simm.s32 @!p1 $0x0  }
0x14: {  	s2 =	sld [smem:$0x3F96];
	s0 =	simm.s32 @p1 $0x1  }
0x15: {  	[smem:$0x3FB3] =	sst s0;
	s0 =	simm.s32 @!p2 $0x0  }
0x16: {  	s3 =	sld [smem:$0x3FDB];
	s0 =	simm.s32 @p2 $0x1  }
0x17: {  	s4 =	simm.s32 $0x1BF5;
	[smem:$0x3FB5] =	sst s0  }
0x18: {  	s0 =	sld [smem:$0x3F98];
	_ =	swait.ge [sflag:s4], $0x0  }
0x19: {  	s7 =	sld [smem:$0x3F99]  }
0x1a: {  	s8 =	sadd.s32 $0xFFFFE003, lr  }
0x1b: {  	s9 =	sadd.s32 $0xFFFFFEF7, lr;
	s5 =	simm.s32 $0xFFFFFFFF;
	p2 =	slt.u32 s8, $0xFFFFF086  }
0x1c: {  	p1 =	slt.u32 s9, $0xF7A;
	s5 =	simm.s32 @!p2 $0x0  }
0x1d: {  	s5 =	simm.s32 @p1 $0x1;
	p0 =	seq.s32 s7, s2  }
0x1e: {  	s7 =	smul.u32 @!p0 $0xF7A, s2;
	p2 =	seq.s32 @!p0 s5, $0x0  }
0x1f: {  	s9 =	smul.u32 $0xF7A, s1;
	s8 =	simm.s32 @!p0 $0x1BF5;
	p2 =	por !p2, p0  }
0x20: {  	[sflag:s8] =	ssyncset.s32 @!p0 $0xFFFFF086;
	s6 =	sadd.s32 @!p0 s3, s7;
	s7 =	simm.s32 @!p0 $0x108  }
0x21: {  	s3 =	sadd.s32 s3, s9;
	s6 =	sadd.s32 @!p0 $0x88, s6;
	s7 =	simm.s32 @p2 $0x1082  }
0x22: {  	[simem:s7], [sflag:s8] =	dma.local @!p0 [hbm:s6], $0xF7A  }
0x23: {  	s9 =	sor.u32 $0xD0000000, s2;
	s6 =	simm.s32 $0x108;
	_ =	swait.ge @!p0 [sflag:s8], $0x0  }
0x24: {  	s3 =	sadd.s32 $0x88, s3;
	s6 =	simm.s32 @!p1 $0x1082;
	[sflag:s4] =	ssyncset.s32 $0xFFFFF086  }
0x25: {  	[simem:s6], [sflag:s4] =	dma.local [hbm:s3], $0xF7A  }
0x26: {  	[smem:$0x3F99] =	sst s1;
	(tag) =	ssettag s2;
	_ =	strace s9  }
0x27: {  	s1 =	sld [smem:$0x3FA9]  }
0x28: {  	s2 =	sld [smem:$0x3FAA]  }
0x29: {  	s4 =	sld [smem:$0x3FAC]  }
0x2a: {  	p0 =	seq.s32 s5, $0x0;
	s5 =	sld [smem:$0x3FAD]  }
0x2b: {  	s6 =	sld [smem:$0x3FAE]  }
0x2c: {  	s7 =	sld [smem:$0x3FAF]  }
0x2d: {  	s3 =	simm.s32 $0x108;
	s8 =	sld [smem:$0x3FB0]  }
0x2e: {  	s3 =	simm.s32 @!p0 $0x1082;
	s9 =	sld [smem:$0x3FB1]  }
0x2f: {  	lr =	sadd.s32 s0, s3;
	s0 =	sld [smem:$0x3FA8]  }
0x30: {  	s3 =	sld [smem:$0x3FAB]  }
0x31: {  	[smem:$0x3FB4] =	sst s10  }
0x32: {  	s10 =	sld [smem:$0x3FB2];
	_ =	sdelay $0x3  }
0x33: {  	p0 =	seq.s32 s10, $0x1;
	s10 =	sld [smem:$0x3FB4];
	_ =	sdelay $0x3  }
0x34: {  	[smem:$0x3FB4] =	sst s10  }
0x35: {  	s10 =	sld [smem:$0x3FB3];
	_ =	sdelay $0x3  }
0x36: {  	p1 =	seq.s32 s10, $0x1;
	s10 =	sld [smem:$0x3FB4];
	_ =	sdelay $0x3  }
0x37: {  	[smem:$0x3FB4] =	sst s10  }
0x38: {  	s10 =	sld [smem:$0x3FB5]  }
0x39: {  	_ = 	snop;
	(pc) =	sbr.ind lr, $3  }
0x3a: {  	_ = 	snop  }
0x3b: {  	_ = 	snop  }
0x3c: {  	p2 =	seq.s32 s10, $0x1;
	s10 =	sld [smem:$0x3FB4]  }
0x3d: {  	_ =	shalt  }
0x3e: {  	_ =	shalt  }
0x3f: {  	_ =	shalt  }
0x40: {  	_ =	shalt  }
0x41: {  	_ =	shalt  }
0x42: {  	_ =	shalt  }
0x43: {  	_ =	shalt  }
0x44: {  	_ =	shalt  }
0x45: {  	_ =	shalt  }
0x46: {  	_ =	shalt  }
0x47: {  	_ =	shalt  }
0x48: {  	_ =	shalt  }
0x49: {  	_ =	shalt  }
0x4a: {  	_ =	shalt  }
0x4b: {  	_ =	shalt  }
0x4c: {  	_ =	shalt  }
0x4d: {  	_ =	shalt  }
0x4e: {  	_ =	shalt  }
0x4f: {  	_ =	shalt  }
0x50: {  	_ =	shalt  }
0x51: {  	_ =	shalt  }
0x52: {  	_ =	shalt  }
0x53: {  	_ =	shalt  }
0x54: {  	_ =	shalt  }
0x55: {  	_ =	shalt  }
0x56: {  	_ =	shalt  }
0x57: {  	_ =	shalt  }
0x58: {  	_ =	shalt  }
0x59: {  	_ =	shalt  }
0x5a: {  	_ =	shalt  }
0x5b: {  	_ =	shalt  }
0x5c: {  	_ =	shalt  }
0x5d: {  	_ =	shalt  }
0x5e: {  	_ =	shalt  }
0x5f: {  	_ =	shalt  }
0x60: {  	_ =	shalt  }
0x61: {  	_ =	shalt  }
0x62: {  	_ =	shalt  }
0x63: {  	_ =	shalt  }
0x64: {  	_ =	shalt  }
0x65: {  	_ =	shalt  }
0x66: {  	_ =	shalt  }
0x67: {  	_ =	shalt  }
0x68: {  	_ =	shalt  }
0x69: {  	_ =	shalt  }
0x6a: {  	_ =	shalt  }
0x6b: {  	_ =	shalt  }
0x6c: {  	_ =	shalt  }
0x6d: {  	_ =	shalt  }
0x6e: {  	_ =	shalt  }
0x6f: {  	_ =	shalt  }
0x70: {  	_ =	shalt  }
0x71: {  	_ =	shalt  }
0x72: {  	_ =	shalt  }
0x73: {  	_ =	shalt  }
0x74: {  	_ =	shalt  }
0x75: {  	_ =	shalt  }
0x76: {  	_ =	shalt  }
0x77: {  	_ =	shalt  }
0x78: {  	_ =	shalt  }
0x79: {  	_ =	shalt  }
0x7a: {  	_ =	shalt  }
0x7b: {  	_ =	shalt  }
0x7c: {  	_ =	shalt  }
0x7d: {  	_ =	shalt  }
0x7e: {  	_ =	shalt  }
0x7f: {  	_ =	shalt  }
0x80: {  	_ =	shalt  }
0x81: {  	_ =	shalt  }
0x82: {  	_ =	shalt  }
0x83: {  	_ =	shalt  }
0x84: {  	_ =	shalt  }
0x85: {  	_ =	shalt  }
0x86: {  	_ =	shalt  }
0x87: {  	_ =	shalt  }
.Lfunc_end0:
.L_simem_size_0:
called_computation.1_lowered:
.L_overlay_start_0:
0x88: {  	s2 =	sld [smem:$0x3FD9]  }
0x89: {  	s3 =	sld [smem:$0x3FFE];
	_ =	sdelay $0x1  }
0x8a: {  	s1 =	srdreg.scid  }
0x8b: {  	s0 =	sand.u32 $0x1, s1  }
0x8c: {  	s17 =	sshll.u32 s0, $0xA;
	s2 =	sadd.s32 s3, s2  }
0x8d: {  	s2 =	sadd.s32 s2, s17  }
0x8e: {  	[smem:$0x3FC0] =	sst s2  }
0x8f: {  	_ = 	snop  }
0x90: {  	s2 =	sld [smem:$0x3FD0];
	(tm) =	ssettm $0x1  }
0x91: {  	s18 =	sld [smem:$0x3FFB];
	_ =	sdelay $0x3  }
0x92: {  	_ =	strace s18  }
0x93: {  	s3 =	sld [smem:$0x3FFC];
	_ =	sdelay $0x3  }
0x94: {  	_ =	strace s3  }
0x95: {  	s3 =	sld [smem:$0x3FFD];
	_ =	sdelay $0x3  }
0x96: {  	_ =	strace s3  }
0x97: {  	_ =	strace $0x8FFFFFFF  }
0x98: {  	s19 =	sld [smem:$0x3FDB];
	_ =	sdelay $0x1  }
0x99: {  	s4 =	simm.s32 $_scs_section_size  }
0x9a: {  	s5 =	simm.s32 $_size__tile_overlayer_lowered;
	s6 =	simm.s32 $_tile_overlayer_lowered  }
0x9b: {  	s22 =	simm.s32 $0x1BFF;
	s21 =	sshll.u32 s6, $0x1;
	s3 =	sadd.s32 s4, s19  }
0x9c: {  	s7 =	simm.s32 $0x0;
	s20 =	sshll.u32 s5, $0x1;
	s5 =	sadd.s32 s21, s3  }
0x9d: {  	[timem:s7], [sflag:s22] =	dma.local [hbm:s5], s20  }
0x9e: {  	_ =	swait.ge [sflag:s22], s20  }
0x9f: {  	s4 =	ssub.s32 $0x0, s20;
	[sflag:s22] =	ssyncset.done $0x0  }
0xa0: {  	[sflag:s22] =	ssyncadd.s32 s4;
	_ =	sdelay $0x1  }
0xa1: {  	s23 =	simm.s32 $0x1B8B  }
0xa2: {  	_ =	swait.ge [sflag:s23], $0x1  }
0xa3: {  	[sflag:s23] =	ssyncset.done $0x0  }
0xa4: {  	s25 =	simm.s32 $0x1B8E;
	s24 =	sld [smem:$0x3FFE];
	[sflag:s23] =	ssyncadd.s32 $0xFFFFFFFF  }
0xa5: {  	s26 =	simm.s32 $execute0_lowered;
	[smem:$0x3FD2] =	sst s25  }
0xa6: {  	s5 =	sshll.u32 s26, $0x1;
	_ =	strace $0x80000049;
	[dreg:$0x1] =	wrdreg $0xFFFFFFFF  }
0xa7: {  	s28 =	simm.s32 $_size_execute0_lowered;
	s3 =	sadd.s32 s3, s5;
	[dreg:$0x0] =	wrdreg $0x0  }
0xa8: {  	s5 =	sshll.u32 s28, $0x1;
	[dreg:$0x2] =	wrdreg s3  }
0xa9: {  	[dreg:$0x3] =	wrdreg s5  }
0xaa: {  	[dreg:$0x4] =	wrdreg $0xC0  }
0xab: {  	_ =	task [dreg:s7], $0x5FFFF  }
0xac: {  	[dreg:$0x1] =	wrdreg $0xFFFFFFFF  }
0xad: {  	[dreg:$0x0] =	wrdreg $0x60  }
0xae: {  	[dreg:$0x2] =	wrdreg s2  }
0xaf: {  	[dreg:$0x3] =	wrdreg s24  }
0xb0: {  	[dreg:$0x4] =	wrdreg $0x90000  }
0xb1: {  	[dreg:$0x5] =	wrdreg $0x9  }
0xb2: {  	_ =	task.clear_ibuf [dreg:s7], $0x6FFFF;
	_ =	strace $0x90000049  }
0xb3: {  	s29 =	simm.s32 $0x9;
	_ =	strace $0x8000004B  }
0xb4: {  	_ =	swait.ge [sflag:s29], $0x1  }
0xb5: {  	[sflag:s29] =	ssyncadd.s32 $0xFFFFFFFF  }
0xb6: {  	_ =	strace $0x9000004B  }
0xb7: {  	_ =	sfence  }
0xb8: {  	s30 =	sld [smem:$0x0];
	_ =	sdelay $0x2  }
0xb9: {  	s31 =	sshll.u32 s1, $0xD;
	s1 =	sshrl.u32 s1, $0x2  }
0xba: {  	s3 =	sand.u32 $0x4000, s31;
	s1 =	sadd.s32 s1, s30  }
0xbb: {  	s0 =	sor.u32 s3, s0;
	s1 =	sshll.u32 s1, $0x11  }
0xbc: {  	s0 =	sor.u32 s1, s0  }
0xbd: {  	s0 =	sadd.s32 $0x8F2B, s0  }
0xbe: {  	[sflag:s0] =	ssyncadd.remote.s32 $0x1  }
0xbf: {  	_ =	sfence.sel $0xFFFF  }
0xc0: {  	[dreg:$0x0] =	wrdreg $0xFFFFFFFF;
	(pc) =	sbr.abs _section_cstart, $3  }
0xc1: {  	[dreg:$0x1] =	wrdreg $0xFFFFFFFF  }
0xc2: {  	_ =	task.clear_ibuf [dreg:s7], $0x2FFFF;
	_ =	strace $0x9FFFFFFF  }
0xc3: {  	(tm) =	ssettm $0x7FFFFFFF  }
tec
execute0_lowered:
.L_overlay_start_1:
0x0: {  	(tag) =	ssettag $0x1  }
0x1: {  	s1 =	rddreg [dreg:$0x0]  }
0x2: {  	s0 =	rddreg [dreg:$0x1]  }
0x3: {  	s3 =	rddreg [dreg:$0x2];
	s11 =	simm.s32 $0x0;
	s2 =	srdreg.scid  }
0x4: {  	s10 =	stileid.u32;
	s13 =	simm.s32 $0xD;
	s14 =	simm.s32 $0x1800  }
0x5: {  	s15 =	simm.s32 $0x20;
	s16 =	simm.s32 $0x3000;
	s17 =	simm.s32 $0x4000  }
0x6: {  	s18 =	simm.s32 $0x5000;
	s19 =	simm.s32 $0x6000;
	s20 =	simm.s32 $0x7000  }
0x7: {  	s28 =	simm.s32 $0x6;
	s29 =	simm.s32 $0x7;
	s30 =	simm.s32 $0x8  }
0x8: {  	s31 =	simm.s32 $0x9;
	[smem:$0x7FF] =	sst s11;
	s2 =	sand.u32 $0x1, s2  }
0x9: {  	s4 =	smul.u32 $0x2800, s10;
	s5 =	sadd.s32 $0x2200, s0;
	s6 =	sadd.s32 $0x2C200, s0  }
0xa: {  	s8 =	sadd.s32 $0x56800, s0;
	s9 =	smul.u32 $0x50000, s10;
	s25 =	sshll.u32 s10, $0x6  }
0xb: {  	_ =	strace $0x8000004A;
	s7 =	smul.u32 $0x28000, s2;
	[dreg:$0x5] =	wrdreg s8  }
0xc: {  	s21 =	ssub.s32 $0x2, s2;
	s2 =	sshll.u32 s2, $0x4;
	s8 =	sor.u32 $0x1C0D, s25  }
0xd: {  	s25 =	simm.s32 $0x4;
	s22 =	sshrl.u32 s21, $0x1;
	s2 =	sor.u32 s10, s2  }
0xe: {  	s24 =	sshrl.u32 s9, $0x2;
	[dreg:$0x6] =	wrdreg s8;
	s4 =	sadd.s32 s4, s7  }
0xf: {  	s23 =	ssub.s32 s21, s22;
	s7 =	sadd.s32 s24, s3;
	s9 =	smul.u32 $0x150, s2  }
0x10: {  	s21 =	simm.s32 $0x8000;
	s22 =	simm.s32 $0x1;
	s24 =	simm.s32 $0x3  }
0x11: {  	s2 =	simm.s32 $0xB;
	s0 =	sadd.s32 s4, s0;
	s26 =	smax.u32 s23, $0x1  }
0x12: {  	s10 =	sshrl.u32 s7, $0x3;
	s23 =	simm.s32 $0x2;
	[dreg:$0x8] =	wrdreg s26  }
0x13: {  	s7 =	simm.s32 $0xC;
	s0 =	sadd.s32 $0x59000, s0;
	[dreg:$0x9] =	wrdreg s10  }
0x14: {  	s26 =	simm.s32 $0x5;
	[dreg:$0x7] =	wrdreg s0;
	s0 =	simm.s32 $0xA  }
.LBB2_1:
0x15: {  	[dreg:$0x4] =	wrdreg s11  }
0x16: {  	s4 =	rddreg [dreg:$0x5]  }
0x17: {  	[spmem:s10], [sflag:s8] =	dma.local [hbm:s4], $0x2800  }
0x18: {  	_ =	swait.ge [sflag:s13], $0x2800  }
0x19: {  	[sflag:s13] =	ssyncset.done $0x0  }
0x1a: {  	[sflag:s13] =	ssyncadd.s32 $0xFFFFD800  }
0x1b: {  	s10 =	simm.s32 $0x0;
	[bflag:$0x0] =	sbarrier.arrive $0xFFFF  }
.LBB2_2:
0x1c: {  	s4 =	smul.u32 $0x30, s10;
	_ =	sdelay $0x1  }
0x1d: {  	s4 =	sadd.s32 s9, s4  }
0x1e: {  	s4 =	sshll.u32 s4, $0x4  }
0x1f: {  	s11 =	simm.s32 $0x0;
	s8 =	sadd.s32 s5, s4  }
0x20: {  	[tilespmem:s11], [sflag:$0xD] =	stream.linear.gather [hbm4b:s8+s11], $0x1800, $0x38;
	[tilespmem:$0x1D000] =	vst v63  }
0x21: {  	_ =	swait.ge [sflag:s13], $0x1800  }
0x22: {  	[sflag:s13] =	ssyncset.done $0x0  }
0x23: {  	s4 =	sadd.s32 s6, s4;
	[sflag:s13] =	ssyncadd.s32 $0xFFFFE800  }
0x24: {  	[tilespmem:s14], [sflag:$0xD] =	stream.linear.gather [hbm4b:s4+s11], $0x1800, $0x38;
	[tilespmem:$0x1D000] =	vst v63  }
0x25: {  	_ =	swait.ge [sflag:s13], $0x1800  }
0x26: {  	[sflag:s13] =	ssyncset.done $0x0  }
0x27: {  	s8 =	simm.s32 $0x0;
	[sflag:s13] =	ssyncadd.s32 $0xFFFFE800  }
0x28: {  	[tilespmem:s16], [sflag:$0x1] =	stream.indirect.gather [hbm4b:s1+s15], $0x80, s8, s15, $0xb8;
	[tilespmem:$0x1D000] =	vst v63  }
0x29: {  	s11 =	simm.s32 $0x80  }
0x2a: {  	[tilespmem:s17], [sflag:$0x2] =	stream.indirect.gather [hbm4b:s1+s15], $0x80, s11, s15, $0xb8;
	[tilespmem:$0x1D000] =	vst v63  }
0x2b: {  	s12 =	simm.s32 $0x100  }
0x2c: {  	[tilespmem:s18], [sflag:$0x3] =	stream.indirect.gather [hbm4b:s1+s15], $0x80, s12, s15, $0xb8;
	[tilespmem:$0x1D000] =	vst v63  }
0x2d: {  	s8 =	simm.s32 $0x180  }
0x2e: {  	[tilespmem:s19], [sflag:$0x4] =	stream.indirect.gather [hbm4b:s1+s15], $0x80, s8, s15, $0xb8;
	[tilespmem:$0x1D000] =	vst v63  }
0x2f: {  	s11 =	simm.s32 $0x200  }
0x30: {  	[tilespmem:s20], [sflag:$0x5] =	stream.indirect.gather [hbm4b:s1+s15], $0x80, s11, s15, $0xb8;
	[tilespmem:$0x1D000] =	vst v63  }
0x31: {  	s12 =	simm.s32 $0x280  }
0x32: {  	[tilespmem:s21], [sflag:$0x6] =	stream.indirect.gather [hbm4b:s1+s15], $0x80, s12, s15, $0xb8;
	[tilespmem:$0x1D000] =	vst v63  }
0x33: {  	_ =	swait.ge [sflag:s22], $0x1000  }
0x34: {  	[sflag:s22] =	ssyncset.done $0x0  }
0x35: {  	s8 =	simm.s32 $0x1800;
	[sflag:s22] =	ssyncadd.s32 $0xFFFFF000  }
0x36: {  	[spmem:s3] =	stream.indirect.scatter.add.f32 [tilespmem:s16], [sflag:$0x7], $0x80, s8, s15, $0xb8;
	[tilespmem:$0x1D000] =	vst v63  }
0x37: {  	_ =	swait.ge [sflag:s23], $0x1000  }
0x38: {  	[sflag:s23] =	ssyncset.done $0x0  }
0x39: {  	s11 =	simm.s32 $0x1880;
	[sflag:s23] =	ssyncadd.s32 $0xFFFFF000  }
0x3a: {  	[spmem:s3] =	stream.indirect.scatter.add.f32 [tilespmem:s17], [sflag:$0x8], $0x80, s11, s15, $0xb8;
	[tilespmem:$0x1D000] =	vst v63  }
0x3b: {  	_ =	swait.ge [sflag:s24], $0x1000  }
0x3c: {  	[sflag:s24] =	ssyncset.done $0x0  }
0x3d: {  	s12 =	simm.s32 $0x1900;
	[sflag:s24] =	ssyncadd.s32 $0xFFFFF000  }
0x3e: {  	[spmem:s3] =	stream.indirect.scatter.add.f32 [tilespmem:s18], [sflag:$0x9], $0x80, s12, s15, $0xb8;
	[tilespmem:$0x1D000] =	vst v63  }
0x3f: {  	_ =	swait.ge [sflag:s25], $0x1000  }
0x40: {  	[sflag:s25] =	ssyncset.done $0x0  }
0x41: {  	s8 =	simm.s32 $0x1980;
	[sflag:s25] =	ssyncadd.s32 $0xFFFFF000  }
0x42: {  	[spmem:s3] =	stream.indirect.scatter.add.f32 [tilespmem:s19], [sflag:$0xA], $0x80, s8, s15, $0xb8;
	[tilespmem:$0x1D000] =	vst v63  }
0x43: {  	_ =	swait.ge [sflag:s26], $0x1000  }
0x44: {  	[sflag:s26] =	ssyncset.done $0x0  }
0x45: {  	s11 =	simm.s32 $0x1A00;
	[sflag:s26] =	ssyncadd.s32 $0xFFFFF000  }
0x46: {  	[spmem:s3] =	stream.indirect.scatter.add.f32 [tilespmem:s20], [sflag:$0xB], $0x80, s11, s15, $0xb8;
	[tilespmem:$0x1D000] =	vst v63  }
0x47: {  	_ =	swait.ge [sflag:s28], $0x1000  }
0x48: {  	[sflag:s28] =	ssyncset.done $0x0  }
0x49: {  	s12 =	simm.s32 $0x1A80;
	[sflag:s28] =	ssyncadd.s32 $0xFFFFF000  }
0x4a: {  	[spmem:s3] =	stream.indirect.scatter.add.f32 [tilespmem:s21], [sflag:$0xC], $0x80, s12, s15, $0xb8;
	[tilespmem:$0x1D000] =	vst v63  }
0x4b: {  	_ =	swait.ge [sflag:s29], $0x1000  }
0x4c: {  	[sflag:s29] =	ssyncset.done $0x0  }
0x4d: {  	s8 =	simm.s32 $0x300;
	[sflag:s29] =	ssyncadd.s32 $0xFFFFF000  }
0x4e: {  	[tilespmem:s16], [sflag:$0x1] =	stream.indirect.gather [hbm4b:s1+s15], $0x80, s8, s15, $0xb8;
	[tilespmem:$0x1D000] =	vst v63  }
0x4f: {  	_ =	swait.ge [sflag:s30], $0x1000  }
0x50: {  	[sflag:s30] =	ssyncset.done $0x0  }
0x51: {  	s11 =	simm.s32 $0x380;
	[sflag:s30] =	ssyncadd.s32 $0xFFFFF000  }
0x52: {  	[tilespmem:s17], [sflag:$0x2] =	stream.indirect.gather [hbm4b:s1+s15], $0x80, s11, s15, $0xb8;
	[tilespmem:$0x1D000] =	vst v63  }
0x53: {  	_ =	swait.ge [sflag:s31], $0x1000  }
0x54: {  	[sflag:s31] =	ssyncset.done $0x0  }
0x55: {  	s12 =	simm.s32 $0x400;
	[sflag:s31] =	ssyncadd.s32 $0xFFFFF000  }
0x56: {  	[tilespmem:s18], [sflag:$0x3] =	stream.indirect.gather [hbm4b:s1+s15], $0x80, s12, s15, $0xb8;
	[tilespmem:$0x1D000] =	vst v63  }
0x57: {  	_ =	swait.ge [sflag:s0], $0x1000  }
0x58: {  	[sflag:s0] =	ssyncset.done $0x0  }
0x59: {  	s8 =	simm.s32 $0x480;
	[sflag:s0] =	ssyncadd.s32 $0xFFFFF000  }
0x5a: {  	[tilespmem:s19], [sflag:$0x4] =	stream.indirect.gather [hbm4b:s1+s15], $0x80, s8, s15, $0xb8;
	[tilespmem:$0x1D000] =	vst v63  }
0x5b: {  	_ =	swait.ge [sflag:s2], $0x1000  }
0x5c: {  	[sflag:s2] =	ssyncset.done $0x0  }
0x5d: {  	s11 =	simm.s32 $0x500;
	[sflag:s2] =	ssyncadd.s32 $0xFFFFF000  }
0x5e: {  	[tilespmem:s20], [sflag:$0x5] =	stream.indirect.gather [hbm4b:s1+s15], $0x80, s11, s15, $0xb8;
	[tilespmem:$0x1D000] =	vst v63  }
0x5f: {  	_ =	swait.ge [sflag:s7], $0x1000  }
0x60: {  	[sflag:s7] =	ssyncset.done $0x0  }
0x61: {  	s12 =	simm.s32 $0x580;
	[sflag:s7] =	ssyncadd.s32 $0xFFFFF000  }
0x62: {  	[tilespmem:s21], [sflag:$0x6] =	stream.indirect.gather [hbm4b:s1+s15], $0x80, s12, s15, $0xb8;
	[tilespmem:$0x1D000] =	vst v63  }
0x63: {  	_ =	swait.ge [sflag:s22], $0x1000  }
0x64: {  	[sflag:s22] =	ssyncset.done $0x0  }
0x65: {  	s8 =	simm.s32 $0x1B00;
	[sflag:s22] =	ssyncadd.s32 $0xFFFFF000  }
0x66: {  	[spmem:s3] =	stream.indirect.scatter.add.f32 [tilespmem:s16], [sflag:$0x7], $0x80, s8, s15, $0xb8;
	[tilespmem:$0x1D000] =	vst v63  }
0x67: {  	_ =	swait.ge [sflag:s23], $0x1000  }
0x68: {  	[sflag:s23] =	ssyncset.done $0x0  }
0x69: {  	s11 =	simm.s32 $0x1B80;
	[sflag:s23] =	ssyncadd.s32 $0xFFFFF000  }
0x6a: {  	[spmem:s3] =	stream.indirect.scatter.add.f32 [tilespmem:s17], [sflag:$0x8], $0x80, s11, s15, $0xb8;
	[tilespmem:$0x1D000] =	vst v63  }
0x6b: {  	_ =	swait.ge [sflag:s24], $0x1000  }
0x6c: {  	[sflag:s24] =	ssyncset.done $0x0  }
0x6d: {  	s12 =	simm.s32 $0x1C00;
	[sflag:s24] =	ssyncadd.s32 $0xFFFFF000  }
0x6e: {  	[spmem:s3] =	stream.indirect.scatter.add.f32 [tilespmem:s18], [sflag:$0x9], $0x80, s12, s15, $0xb8;
	[tilespmem:$0x1D000] =	vst v63  }
0x6f: {  	_ =	swait.ge [sflag:s25], $0x1000  }
0x70: {  	[sflag:s25] =	ssyncset.done $0x0  }
0x71: {  	s8 =	simm.s32 $0x1C80;
	[sflag:s25] =	ssyncadd.s32 $0xFFFFF000  }
0x72: {  	[spmem:s3] =	stream.indirect.scatter.add.f32 [tilespmem:s19], [sflag:$0xA], $0x80, s8, s15, $0xb8;
	[tilespmem:$0x1D000] =	vst v63  }
0x73: {  	_ =	swait.ge [sflag:s26], $0x1000  }
0x74: {  	[sflag:s26] =	ssyncset.done $0x0  }
0x75: {  	s11 =	simm.s32 $0x1D00;
	[sflag:s26] =	ssyncadd.s32 $0xFFFFF000  }
0x76: {  	[spmem:s3] =	stream.indirect.scatter.add.f32 [tilespmem:s20], [sflag:$0xB], $0x80, s11, s15, $0xb8;
	[tilespmem:$0x1D000] =	vst v63  }
0x77: {  	_ =	swait.ge [sflag:s28], $0x1000  }
0x78: {  	[sflag:s28] =	ssyncset.done $0x0  }
0x79: {  	s12 =	simm.s32 $0x1D80;
	[sflag:s28] =	ssyncadd.s32 $0xFFFFF000  }
0x7a: {  	[spmem:s3] =	stream.indirect.scatter.add.f32 [tilespmem:s21], [sflag:$0xC], $0x80, s12, s15, $0xb8;
	[tilespmem:$0x1D000] =	vst v63  }
0x7b: {  	_ =	swait.ge [sflag:s29], $0x1000  }
0x7c: {  	[sflag:s29] =	ssyncset.done $0x0  }
0x7d: {  	[sflag:s29] =	ssyncadd.s32 $0xFFFFF000  }
0x7e: {  	_ =	swait.ge [sflag:s30], $0x1000  }
0x7f: {  	[sflag:s30] =	ssyncset.done $0x0  }
0x80: {  	[sflag:s30] =	ssyncadd.s32 $0xFFFFF000  }
0x81: {  	_ =	swait.ge [sflag:s31], $0x1000  }
0x82: {  	[sflag:s31] =	ssyncset.done $0x0  }
0x83: {  	[sflag:s31] =	ssyncadd.s32 $0xFFFFF000  }
0x84: {  	_ =	swait.ge [sflag:s0], $0x1000  }
0x85: {  	[sflag:s0] =	ssyncset.done $0x0  }
0x86: {  	[sflag:s0] =	ssyncadd.s32 $0xFFFFF000  }
0x87: {  	_ =	swait.ge [sflag:s2], $0x1000  }
0x88: {  	[sflag:s2] =	ssyncset.done $0x0  }
0x89: {  	[sflag:s2] =	ssyncadd.s32 $0xFFFFF000  }
0x8a: {  	_ =	swait.ge [sflag:s7], $0x1000  }
0x8b: {  	s8 =	simm.s32 $0x3000;
	s11 =	simm.s32 $0x1800;
	[sflag:s7] =	ssyncset.done $0x0  }
.LBB2_3:
0x8c: {  	s12 =	sshra.s32 s11, $0x2  }
0x8d: {  	[sflag:s7] =	ssyncadd.s32 $0xFFFFF000;
	s11 =	smov.u32 s8;
	s4 =	sadd.s32 $0x1800, s8  }
0x8e: {  	[tilespmem:s16], [sflag:$0x1] =	stream.indirect.gather [hbm4b:s1+s15], $0x80, s12, s15, $0xb8;
	[tilespmem:$0x1D000] =	vst v63  }
0x8f: {  	p0 =	sne.s32 s8, $0x4800;
	s8 =	sadd.s32 $0x80, s12  }
0x90: {  	[tilespmem:s17], [sflag:$0x2] =	stream.indirect.gather [hbm4b:s1+s15], $0x80, s8, s15, $0xb8;
	[tilespmem:$0x1D000] =	vst v63  }
0x91: {  	s8 =	sadd.s32 $0x100, s12  }
0x92: {  	[tilespmem:s18], [sflag:$0x3] =	stream.indirect.gather [hbm4b:s1+s15], $0x80, s8, s15, $0xb8;
	[tilespmem:$0x1D000] =	vst v63  }
0x93: {  	s8 =	sadd.s32 $0x180, s12  }
0x94: {  	[tilespmem:s19], [sflag:$0x4] =	stream.indirect.gather [hbm4b:s1+s15], $0x80, s8, s15, $0xb8;
	[tilespmem:$0x1D000] =	vst v63  }
0x95: {  	s8 =	sadd.s32 $0x200, s12  }
0x96: {  	[tilespmem:s20], [sflag:$0x5] =	stream.indirect.gather [hbm4b:s1+s15], $0x80, s8, s15, $0xb8;
	[tilespmem:$0x1D000] =	vst v63  }
0x97: {  	s8 =	sadd.s32 $0x280, s12  }
0x98: {  	[tilespmem:s21], [sflag:$0x6] =	stream.indirect.gather [hbm4b:s1+s15], $0x80, s8, s15, $0xb8;
	[tilespmem:$0x1D000] =	vst v63  }
0x99: {  	_ =	swait.ge [sflag:s22], $0x1000  }
0x9a: {  	[sflag:s22] =	ssyncset.done $0x0  }
0x9b: {  	s8 =	sadd.s32 $0x1800, s12;
	[sflag:s22] =	ssyncadd.s32 $0xFFFFF000  }
0x9c: {  	[spmem:s3] =	stream.indirect.scatter.add.f32 [tilespmem:s16], [sflag:$0x7], $0x80, s8, s15, $0xb8;
	[tilespmem:$0x1D000] =	vst v63  }
0x9d: {  	_ =	swait.ge [sflag:s23], $0x1000  }
0x9e: {  	[sflag:s23] =	ssyncset.done $0x0  }
0x9f: {  	s8 =	sadd.s32 $0x1880, s12;
	[sflag:s23] =	ssyncadd.s32 $0xFFFFF000  }
0xa0: {  	[spmem:s3] =	stream.indirect.scatter.add.f32 [tilespmem:s17], [sflag:$0x8], $0x80, s8, s15, $0xb8;
	[tilespmem:$0x1D000] =	vst v63  }
0xa1: {  	_ =	swait.ge [sflag:s24], $0x1000  }
0xa2: {  	[sflag:s24] =	ssyncset.done $0x0  }
0xa3: {  	s8 =	sadd.s32 $0x1900, s12;
	[sflag:s24] =	ssyncadd.s32 $0xFFFFF000  }
0xa4: {  	[spmem:s3] =	stream.indirect.scatter.add.f32 [tilespmem:s18], [sflag:$0x9], $0x80, s8, s15, $0xb8;
	[tilespmem:$0x1D000] =	vst v63  }
0xa5: {  	_ =	swait.ge [sflag:s25], $0x1000  }
0xa6: {  	[sflag:s25] =	ssyncset.done $0x0  }
0xa7: {  	s8 =	sadd.s32 $0x1980, s12;
	[sflag:s25] =	ssyncadd.s32 $0xFFFFF000  }
0xa8: {  	[spmem:s3] =	stream.indirect.scatter.add.f32 [tilespmem:s19], [sflag:$0xA], $0x80, s8, s15, $0xb8;
	[tilespmem:$0x1D000] =	vst v63  }
0xa9: {  	_ =	swait.ge [sflag:s26], $0x1000  }
0xaa: {  	[sflag:s26] =	ssyncset.done $0x0  }
0xab: {  	s8 =	sadd.s32 $0x1A00, s12;
	[sflag:s26] =	ssyncadd.s32 $0xFFFFF000  }
0xac: {  	[spmem:s3] =	stream.indirect.scatter.add.f32 [tilespmem:s20], [sflag:$0xB], $0x80, s8, s15, $0xb8;
	[tilespmem:$0x1D000] =	vst v63  }
0xad: {  	_ =	swait.ge [sflag:s28], $0x1000  }
0xae: {  	[sflag:s28] =	ssyncset.done $0x0  }
0xaf: {  	s8 =	sadd.s32 $0x1A80, s12;
	[sflag:s28] =	ssyncadd.s32 $0xFFFFF000  }
0xb0: {  	[spmem:s3] =	stream.indirect.scatter.add.f32 [tilespmem:s21], [sflag:$0xC], $0x80, s8, s15, $0xb8;
	[tilespmem:$0x1D000] =	vst v63  }
0xb1: {  	_ =	swait.ge [sflag:s29], $0x1000  }
0xb2: {  	[sflag:s29] =	ssyncset.done $0x0  }
0xb3: {  	s8 =	sadd.s32 $0x300, s12;
	[sflag:s29] =	ssyncadd.s32 $0xFFFFF000  }
0xb4: {  	[tilespmem:s16], [sflag:$0x1] =	stream.indirect.gather [hbm4b:s1+s15], $0x80, s8, s15, $0xb8;
	[tilespmem:$0x1D000] =	vst v63  }
0xb5: {  	_ =	swait.ge [sflag:s30], $0x1000  }
0xb6: {  	[sflag:s30] =	ssyncset.done $0x0  }
0xb7: {  	s8 =	sadd.s32 $0x380, s12;
	[sflag:s30] =	ssyncadd.s32 $0xFFFFF000  }
0xb8: {  	[tilespmem:s17], [sflag:$0x2] =	stream.indirect.gather [hbm4b:s1+s15], $0x80, s8, s15, $0xb8;
	[tilespmem:$0x1D000] =	vst v63  }
0xb9: {  	_ =	swait.ge [sflag:s31], $0x1000  }
0xba: {  	[sflag:s31] =	ssyncset.done $0x0  }
0xbb: {  	s8 =	sadd.s32 $0x400, s12;
	[sflag:s31] =	ssyncadd.s32 $0xFFFFF000  }
0xbc: {  	[tilespmem:s18], [sflag:$0x3] =	stream.indirect.gather [hbm4b:s1+s15], $0x80, s8, s15, $0xb8;
	[tilespmem:$0x1D000] =	vst v63  }
0xbd: {  	_ =	swait.ge [sflag:s0], $0x1000  }
0xbe: {  	[sflag:s0] =	ssyncset.done $0x0  }
0xbf: {  	s8 =	sadd.s32 $0x480, s12;
	[sflag:s0] =	ssyncadd.s32 $0xFFFFF000  }
0xc0: {  	[tilespmem:s19], [sflag:$0x4] =	stream.indirect.gather [hbm4b:s1+s15], $0x80, s8, s15, $0xb8;
	[tilespmem:$0x1D000] =	vst v63  }
0xc1: {  	_ =	swait.ge [sflag:s2], $0x1000  }
0xc2: {  	[sflag:s2] =	ssyncset.done $0x0  }
0xc3: {  	s8 =	sadd.s32 $0x500, s12;
	[sflag:s2] =	ssyncadd.s32 $0xFFFFF000  }
0xc4: {  	[tilespmem:s20], [sflag:$0x5] =	stream.indirect.gather [hbm4b:s1+s15], $0x80, s8, s15, $0xb8;
	[tilespmem:$0x1D000] =	vst v63  }
0xc5: {  	_ =	swait.ge [sflag:s7], $0x1000  }
0xc6: {  	[sflag:s7] =	ssyncset.done $0x0  }
0xc7: {  	s8 =	sadd.s32 $0x580, s12;
	[sflag:s7] =	ssyncadd.s32 $0xFFFFF000  }
0xc8: {  	[tilespmem:s21], [sflag:$0x6] =	stream.indirect.gather [hbm4b:s1+s15], $0x80, s8, s15, $0xb8;
	[tilespmem:$0x1D000] =	vst v63  }
0xc9: {  	_ =	swait.ge [sflag:s22], $0x1000  }
0xca: {  	[sflag:s22] =	ssyncset.done $0x0  }
0xcb: {  	s8 =	sadd.s32 $0x1B00, s12;
	[sflag:s22] =	ssyncadd.s32 $0xFFFFF000  }
0xcc: {  	[spmem:s3] =	stream.indirect.scatter.add.f32 [tilespmem:s16], [sflag:$0x7], $0x80, s8, s15, $0xb8;
	[tilespmem:$0x1D000] =	vst v63  }
0xcd: {  	_ =	swait.ge [sflag:s23], $0x1000  }
0xce: {  	[sflag:s23] =	ssyncset.done $0x0  }
0xcf: {  	s8 =	sadd.s32 $0x1B80, s12;
	[sflag:s23] =	ssyncadd.s32 $0xFFFFF000  }
0xd0: {  	[spmem:s3] =	stream.indirect.scatter.add.f32 [tilespmem:s17], [sflag:$0x8], $0x80, s8, s15, $0xb8;
	[tilespmem:$0x1D000] =	vst v63  }
0xd1: {  	_ =	swait.ge [sflag:s24], $0x1000  }
0xd2: {  	[sflag:s24] =	ssyncset.done $0x0  }
0xd3: {  	s8 =	sadd.s32 $0x1C00, s12;
	[sflag:s24] =	ssyncadd.s32 $0xFFFFF000  }
0xd4: {  	[spmem:s3] =	stream.indirect.scatter.add.f32 [tilespmem:s18], [sflag:$0x9], $0x80, s8, s15, $0xb8;
	[tilespmem:$0x1D000] =	vst v63  }
0xd5: {  	_ =	swait.ge [sflag:s25], $0x1000  }
0xd6: {  	[sflag:s25] =	ssyncset.done $0x0  }
0xd7: {  	s8 =	sadd.s32 $0x1C80, s12;
	[sflag:s25] =	ssyncadd.s32 $0xFFFFF000  }
0xd8: {  	[spmem:s3] =	stream.indirect.scatter.add.f32 [tilespmem:s19], [sflag:$0xA], $0x80, s8, s15, $0xb8;
	[tilespmem:$0x1D000] =	vst v63  }
0xd9: {  	_ =	swait.ge [sflag:s26], $0x1000  }
0xda: {  	[sflag:s26] =	ssyncset.done $0x0  }
0xdb: {  	s8 =	sadd.s32 $0x1D00, s12;
	[sflag:s26] =	ssyncadd.s32 $0xFFFFF000  }
0xdc: {  	[spmem:s3] =	stream.indirect.scatter.add.f32 [tilespmem:s20], [sflag:$0xB], $0x80, s8, s15, $0xb8;
	[tilespmem:$0x1D000] =	vst v63  }
0xdd: {  	_ =	swait.ge [sflag:s28], $0x1000  }
0xde: {  	[sflag:s28] =	ssyncset.done $0x0  }
0xdf: {  	s8 =	sadd.s32 $0x1D80, s12;
	[sflag:s28] =	ssyncadd.s32 $0xFFFFF000  }
0xe0: {  	[spmem:s3] =	stream.indirect.scatter.add.f32 [tilespmem:s21], [sflag:$0xC], $0x80, s8, s15, $0xb8;
	[tilespmem:$0x1D000] =	vst v63  }
0xe1: {  	_ =	swait.ge [sflag:s29], $0x1000  }
0xe2: {  	[sflag:s29] =	ssyncset.done $0x0  }
0xe3: {  	[sflag:s29] =	ssyncadd.s32 $0xFFFFF000  }
0xe4: {  	_ =	swait.ge [sflag:s30], $0x1000  }
0xe5: {  	[sflag:s30] =	ssyncset.done $0x0  }
0xe6: {  	[sflag:s30] =	ssyncadd.s32 $0xFFFFF000  }
0xe7: {  	_ =	swait.ge [sflag:s31], $0x1000  }
0xe8: {  	[sflag:s31] =	ssyncset.done $0x0  }
0xe9: {  	[sflag:s31] =	ssyncadd.s32 $0xFFFFF000  }
0xea: {  	_ =	swait.ge [sflag:s0], $0x1000  }
0xeb: {  	[sflag:s0] =	ssyncset.done $0x0  }
0xec: {  	[sflag:s0] =	ssyncadd.s32 $0xFFFFF000  }
.Ltmp0:
0xed: {  	_ =	swait.ge [sflag:s2], $0x1000;
	(pc) =	sbr.rel @p0 .LBB2_3-.Ltmp0, $4  }
0xee: {  	[sflag:s2] =	ssyncset.done $0x0  }
0xef: {  	[sflag:s2] =	ssyncadd.s32 $0xFFFFF000  }
0xf0: {  	_ =	swait.ge [sflag:s7], $0x1000  }
0xf1: {  	s8 =	smov.u32 s4;
	[sflag:s7] =	ssyncset.done $0x0  }
0xf2: {  	s8 =	sshra.s32 s11, $0x2;
	[sflag:s7] =	ssyncadd.s32 $0xFFFFF000  }
0xf3: {  	[tilespmem:s16], [sflag:$0x1] =	stream.indirect.gather [hbm4b:s1+s15], $0x80, s8, s15, $0xb8;
	[tilespmem:$0x1D000] =	vst v63  }
0xf4: {  	s4 =	sadd.s32 $0x80, s8  }
0xf5: {  	[tilespmem:s17], [sflag:$0x2] =	stream.indirect.gather [hbm4b:s1+s15], $0x80, s4, s15, $0xb8;
	[tilespmem:$0x1D000] =	vst v63  }
0xf6: {  	s11 =	sadd.s32 $0x100, s8  }
0xf7: {  	[tilespmem:s18], [sflag:$0x3] =	stream.indirect.gather [hbm4b:s1+s15], $0x80, s11, s15, $0xb8;
	[tilespmem:$0x1D000] =	vst v63  }
0xf8: {  	s12 =	sadd.s32 $0x180, s8  }
0xf9: {  	[tilespmem:s19], [sflag:$0x4] =	stream.indirect.gather [hbm4b:s1+s15], $0x80, s12, s15, $0xb8;
	[tilespmem:$0x1D000] =	vst v63  }
0xfa: {  	s11 =	sadd.s32 $0x200, s8  }
0xfb: {  	[tilespmem:s20], [sflag:$0x5] =	stream.indirect.gather [hbm4b:s1+s15], $0x80, s11, s15, $0xb8;
	[tilespmem:$0x1D000] =	vst v63  }
0xfc: {  	s12 =	sadd.s32 $0x280, s8  }
0xfd: {  	[tilespmem:s21], [sflag:$0x6] =	stream.indirect.gather [hbm4b:s1+s15], $0x80, s12, s15, $0xb8;
	[tilespmem:$0x1D000] =	vst v63  }
0xfe: {  	_ =	swait.ge [sflag:s22], $0x1000  }
0xff: {  	[sflag:s22] =	ssyncset.done $0x0  }
0x100: {  	s11 =	sadd.s32 $0x1800, s8;
	[sflag:s22] =	ssyncadd.s32 $0xFFFFF000  }
0x101: {  	[spmem:s3] =	stream.indirect.scatter.add.f32 [tilespmem:s16], [sflag:$0x7], $0x80, s11, s15, $0xb8;
	[tilespmem:$0x1D000] =	vst v63  }
0x102: {  	_ =	swait.ge [sflag:s23], $0x1000  }
0x103: {  	[sflag:s23] =	ssyncset.done $0x0  }
0x104: {  	s12 =	sadd.s32 $0x1880, s8;
	[sflag:s23] =	ssyncadd.s32 $0xFFFFF000  }
0x105: {  	[spmem:s3] =	stream.indirect.scatter.add.f32 [tilespmem:s17], [sflag:$0x8], $0x80, s12, s15, $0xb8;
	[tilespmem:$0x1D000] =	vst v63  }
0x106: {  	_ =	swait.ge [sflag:s24], $0x1000  }
0x107: {  	[sflag:s24] =	ssyncset.done $0x0  }
0x108: {  	s11 =	sadd.s32 $0x1900, s8;
	[sflag:s24] =	ssyncadd.s32 $0xFFFFF000  }
0x109: {  	[spmem:s3] =	stream.indirect.scatter.add.f32 [tilespmem:s18], [sflag:$0x9], $0x80, s11, s15, $0xb8;
	[tilespmem:$0x1D000] =	vst v63  }
0x10a: {  	_ =	swait.ge [sflag:s25], $0x1000  }
0x10b: {  	[sflag:s25] =	ssyncset.done $0x0  }
0x10c: {  	s12 =	sadd.s32 $0x1980, s8;
	[sflag:s25] =	ssyncadd.s32 $0xFFFFF000  }
0x10d: {  	[spmem:s3] =	stream.indirect.scatter.add.f32 [tilespmem:s19], [sflag:$0xA], $0x80, s12, s15, $0xb8;
	[tilespmem:$0x1D000] =	vst v63  }
0x10e: {  	_ =	swait.ge [sflag:s26], $0x1000  }
0x10f: {  	[sflag:s26] =	ssyncset.done $0x0  }
0x110: {  	s11 =	sadd.s32 $0x1A00, s8;
	[sflag:s26] =	ssyncadd.s32 $0xFFFFF000  }
0x111: {  	[spmem:s3] =	stream.indirect.scatter.add.f32 [tilespmem:s20], [sflag:$0xB], $0x80, s11, s15, $0xb8;
	[tilespmem:$0x1D000] =	vst v63  }
0x112: {  	_ =	swait.ge [sflag:s28], $0x1000  }
0x113: {  	[sflag:s28] =	ssyncset.done $0x0  }
0x114: {  	s12 =	sadd.s32 $0x1A80, s8;
	[sflag:s28] =	ssyncadd.s32 $0xFFFFF000  }
0x115: {  	[spmem:s3] =	stream.indirect.scatter.add.f32 [tilespmem:s21], [sflag:$0xC], $0x80, s12, s15, $0xb8;
	[tilespmem:$0x1D000] =	vst v63  }
0x116: {  	_ =	swait.ge [sflag:s29], $0x1000  }
0x117: {  	[sflag:s29] =	ssyncset.done $0x0  }
0x118: {  	s11 =	sadd.s32 $0x300, s8;
	[sflag:s29] =	ssyncadd.s32 $0xFFFFF000  }
0x119: {  	[tilespmem:s16], [sflag:$0x1] =	stream.indirect.gather [hbm4b:s1+s15], $0x80, s11, s15, $0xb8;
	[tilespmem:$0x1D000] =	vst v63  }
0x11a: {  	_ =	swait.ge [sflag:s30], $0x1000  }
0x11b: {  	[sflag:s30] =	ssyncset.done $0x0  }
0x11c: {  	s12 =	sadd.s32 $0x380, s8;
	[sflag:s30] =	ssyncadd.s32 $0xFFFFF000  }
0x11d: {  	[tilespmem:s17], [sflag:$0x2] =	stream.indirect.gather [hbm4b:s1+s15], $0x80, s12, s15, $0xb8;
	[tilespmem:$0x1D000] =	vst v63  }
0x11e: {  	_ =	swait.ge [sflag:s31], $0x1000  }
0x11f: {  	[sflag:s31] =	ssyncset.done $0x0  }
0x120: {  	s11 =	sadd.s32 $0x400, s8;
	[sflag:s31] =	ssyncadd.s32 $0xFFFFF000  }
0x121: {  	[tilespmem:s18], [sflag:$0x3] =	stream.indirect.gather [hbm4b:s1+s15], $0x80, s11, s15, $0xb8;
	[tilespmem:$0x1D000] =	vst v63  }
0x122: {  	_ =	swait.ge [sflag:s0], $0x1000  }
0x123: {  	[sflag:s0] =	ssyncset.done $0x0  }
0x124: {  	s12 =	sadd.s32 $0x480, s8;
	[sflag:s0] =	ssyncadd.s32 $0xFFFFF000  }
0x125: {  	[tilespmem:s19], [sflag:$0x4] =	stream.indirect.gather [hbm4b:s1+s15], $0x80, s12, s15, $0xb8;
	[tilespmem:$0x1D000] =	vst v63  }
0x126: {  	_ =	swait.ge [sflag:s2], $0x1000  }
0x127: {  	[sflag:s2] =	ssyncset.done $0x0  }
0x128: {  	s11 =	sadd.s32 $0x500, s8;
	[sflag:s2] =	ssyncadd.s32 $0xFFFFF000  }
0x129: {  	[tilespmem:s20], [sflag:$0x5] =	stream.indirect.gather [hbm4b:s1+s15], $0x80, s11, s15, $0xb8;
	[tilespmem:$0x1D000] =	vst v63  }
0x12a: {  	_ =	swait.ge [sflag:s7], $0x1000  }
0x12b: {  	[sflag:s7] =	ssyncset.done $0x0  }
0x12c: {  	s12 =	sadd.s32 $0x580, s8;
	[sflag:s7] =	ssyncadd.s32 $0xFFFFF000  }
0x12d: {  	[tilespmem:s21], [sflag:$0x6] =	stream.indirect.gather [hbm4b:s1+s15], $0x80, s12, s15, $0xb8;
	[tilespmem:$0x1D000] =	vst v63  }
0x12e: {  	_ =	swait.ge [sflag:s22], $0x1000  }
0x12f: {  	[sflag:s22] =	ssyncset.done $0x0  }
0x130: {  	s11 =	sadd.s32 $0x1B00, s8;
	[sflag:s22] =	ssyncadd.s32 $0xFFFFF000  }
0x131: {  	[spmem:s3] =	stream.indirect.scatter.add.f32 [tilespmem:s16], [sflag:$0x7], $0x80, s11, s15, $0xb8;
	[tilespmem:$0x1D000] =	vst v63  }
0x132: {  	_ =	swait.ge [sflag:s23], $0x1000  }
0x133: {  	[sflag:s23] =	ssyncset.done $0x0  }
0x134: {  	s12 =	sadd.s32 $0x1B80, s8;
	[sflag:s23] =	ssyncadd.s32 $0xFFFFF000  }
0x135: {  	[spmem:s3] =	stream.indirect.scatter.add.f32 [tilespmem:s17], [sflag:$0x8], $0x80, s12, s15, $0xb8;
	[tilespmem:$0x1D000] =	vst v63  }
0x136: {  	_ =	swait.ge [sflag:s24], $0x1000  }
0x137: {  	[sflag:s24] =	ssyncset.done $0x0  }
0x138: {  	s11 =	sadd.s32 $0x1C00, s8;
	[sflag:s24] =	ssyncadd.s32 $0xFFFFF000  }
0x139: {  	[spmem:s3] =	stream.indirect.scatter.add.f32 [tilespmem:s18], [sflag:$0x9], $0x80, s11, s15, $0xb8;
	[tilespmem:$0x1D000] =	vst v63  }
0x13a: {  	_ =	swait.ge [sflag:s25], $0x1000  }
0x13b: {  	[sflag:s25] =	ssyncset.done $0x0  }
0x13c: {  	s12 =	sadd.s32 $0x1C80, s8;
	[sflag:s25] =	ssyncadd.s32 $0xFFFFF000  }
0x13d: {  	[spmem:s3] =	stream.indirect.scatter.add.f32 [tilespmem:s19], [sflag:$0xA], $0x80, s12, s15, $0xb8;
	[tilespmem:$0x1D000] =	vst v63  }
0x13e: {  	_ =	swait.ge [sflag:s26], $0x1000  }
0x13f: {  	[sflag:s26] =	ssyncset.done $0x0  }
0x140: {  	s11 =	sadd.s32 $0x1D00, s8;
	[sflag:s26] =	ssyncadd.s32 $0xFFFFF000  }
0x141: {  	[spmem:s3] =	stream.indirect.scatter.add.f32 [tilespmem:s20], [sflag:$0xB], $0x80, s11, s15, $0xb8;
	[tilespmem:$0x1D000] =	vst v63  }
0x142: {  	_ =	swait.ge [sflag:s28], $0x1000  }
0x143: {  	[sflag:s28] =	ssyncset.done $0x0  }
0x144: {  	s12 =	sadd.s32 $0x1D80, s8;
	[sflag:s28] =	ssyncadd.s32 $0xFFFFF000  }
0x145: {  	[spmem:s3] =	stream.indirect.scatter.add.f32 [tilespmem:s21], [sflag:$0xC], $0x80, s12, s15, $0xb8;
	[tilespmem:$0x1D000] =	vst v63  }
0x146: {  	_ =	swait.ge [sflag:s29], $0x1000  }
0x147: {  	[sflag:s29] =	ssyncset.done $0x0  }
0x148: {  	[sflag:s29] =	ssyncadd.s32 $0xFFFFF000  }
0x149: {  	_ =	swait.ge [sflag:s30], $0x1000  }
0x14a: {  	[sflag:s30] =	ssyncset.done $0x0  }
0x14b: {  	[sflag:s30] =	ssyncadd.s32 $0xFFFFF000  }
0x14c: {  	_ =	swait.ge [sflag:s31], $0x1000  }
0x14d: {  	[sflag:s31] =	ssyncset.done $0x0  }
0x14e: {  	[sflag:s31] =	ssyncadd.s32 $0xFFFFF000  }
0x14f: {  	_ =	swait.ge [sflag:s0], $0x1000  }
0x150: {  	[sflag:s0] =	ssyncset.done $0x0  }
0x151: {  	s10 =	sadd.s32 $0x1, s10;
	[sflag:s0] =	ssyncadd.s32 $0xFFFFF000  }
0x152: {  	p0 =	sne.s32 s10, $0x7;
	_ =	swait.ge [sflag:s2], $0x1000  }
.Ltmp1:
0x153: {  	[sflag:s2] =	ssyncset.done $0x0;
	(pc) =	sbr.rel @p0 .LBB2_2-.Ltmp1, $4  }
0x154: {  	[sflag:s2] =	ssyncadd.s32 $0xFFFFF000  }
0x155: {  	_ =	swait.ge [sflag:s7], $0x1000  }
0x156: {  	[sflag:s7] =	ssyncset.done $0x0  }
0x157: {  	[sflag:s7] =	ssyncadd.s32 $0xFFFFF000  }
0x158: {  	[bflag:$0x0] =	sbarrier.arrive $0xFFFF  }
0x159: {  	s8 =	rddreg [dreg:$0x6]  }
0x15a: {  	s4 =	rddreg [dreg:$0x7]  }
0x15b: {  	s10 =	rddreg [dreg:$0x9]  }
0x15c: {  	[hbm:s4], [sflag:s8] =	dma.local [spmem:s10], $0x2800  }
0x15d: {  	_ =	swait.ge [sflag:s13], $0x2800  }
0x15e: {  	s11 =	rddreg [dreg:$0x4]  }
0x15f: {  	s12 =	rddreg [dreg:$0x8];
	s11 =	sadd.s32 $0x1, s11  }
0x160: {  	p0 =	sne.s32 s11, s12  }
.Ltmp2:
0x161: {  	_ = 	snop;
	(pc) =	sbr.rel @p0 .LBB2_1-.Ltmp2, $3  }
0x162: {  	_ =	sdelay $0x1  }
0x163: {  	[sflag:s13] =	ssyncset.done $0x0  }
0x164: {  	[sflag:s13] =	ssyncadd.s32 $0xFFFFD800  }
0x165: {  	_ =	sfence.sel $0x180000  }
0x166: {  	[bflag:$0x0] =	sbarrier.arrive $0xFFFF  }
0x167: {  	_ =	strace $0x9000004A  }
0x168: {  	s0 =	stileid.u32;
	[bflag:$0x2] =	sbarrier.arrive $0xFFFF  }
0x169: {  	p0 =	sne.s32 s0, $0x0;
	s0 =	rddreg [dreg:$0x3]  }
0x16a: {  	s0 =	sadd.s32 @!p0 $0x100000, s0  }
0x16b: {  	[sflag:s0] =	ssyncadd.tile.s32 @!p0 $0x1;
	_ =	shalt  }
.Lfunc_end2:
_tile_overlayer_lowered:
.L_overlay_start_2:
0x16c: {  	(tag) =	ssettag $0x2  }
0x16d: {  	s0 =	rddreg [dreg:$0x0];
	s2 =	stileid.u32  }
0x16e: {  	s1 =	rddreg [dreg:$0x1];
	p0 =	sne.s32 s2, $0x0  }
0x16f: {  	s3 =	rddreg [dreg:$0x2];
	[bflag:$0x3] =	sbarrier.arrive $0xFFFF;
	s2 =	simm.s32 @!p0 $0x1C0D  }
0x170: {  	[timem:s3], [sflag:s2] =	dma.local @!p0 [hbm:s0], s1  }
0x171: {  	s0 =	simm.s32 @!p0 $0xD  }
0x172: {  	_ =	swait.ge @!p0 [sflag:s0], s1  }
0x173: {  	s1 =	ssub.s32 @!p0 $0x0, s1;
	[sflag:s0] =	ssyncset.done @!p0 $0x0  }
0x174: {  	[sflag:s0] =	ssyncadd.s32 @!p0 s1  }
0x175: {  	[bflag:$0x3] =	sbarrier.arrive $0xFFFF  }
0x176: {  	_ =	shalt  }

</sc_bundles>
